<compile_context>
chip_gen: v7x
topology: tpu7x:2x2x1
jax: 0.10.2.dev20260603
libtpu: 0.0.44.dev20260713+nightly
codegen_flags: <defaults>
</compile_context>

<pallas_src>
import jax
import jax.numpy as jnp
from jax import lax
from jax.experimental import pallas as pl
from jax.experimental.pallas import tpu as pltpu
from jax.experimental.pallas import tpu_sc as plsc

C = 21
B = 32
P = 24576
O = 20
ROWS = 96
LANES = 256


def _iota2(shape):
    ri = lax.broadcasted_iota(jnp.int32, shape, 0)
    li = lax.broadcasted_iota(jnp.int32, shape, 1)
    return ri, li


def _match_kernel(pt_ref, tgt_ref, bto_ref, bti_ref, bpi_ref):
    pt = pt_ref[...]
    pcx, pcy, pw, ph = pt[0], pt[1], pt[2], pt[3]
    px1 = pcx - pw * 0.5
    py1 = pcy - ph * 0.5
    px2 = pcx + pw * 0.5
    py2 = pcy + ph * 0.5
    pa = (px2 - px1) * (py2 - py1)
    ri, li = _iota2((ROWS, LANES))
    gidx = ri * LANES + li

    b_ov = jnp.full((ROWS, LANES), -1.0, jnp.float32)
    b_ix = jnp.zeros((ROWS, LANES), jnp.int32)
    rm_list, cm_list = [], []
    for j in range(O):
        tx1 = tgt_ref[0, j, 0]
        ty1 = tgt_ref[0, j, 1]
        tx2 = tgt_ref[0, j, 2]
        ty2 = tgt_ref[0, j, 3]
        ta = (tx2 - tx1) * (ty2 - ty1)
        ix = jnp.maximum(jnp.minimum(tx2, px2) - jnp.maximum(tx1, px1), 0.0)
        iy = jnp.maximum(jnp.minimum(ty2, py2) - jnp.maximum(ty1, py1), 0.0)
        inter = ix * iy
        ov = inter / (ta + pa - inter)
        upd = ov > b_ov
        b_ov = jnp.where(upd, ov, b_ov)
        b_ix = jnp.where(upd, j, b_ix)
        rm = jnp.max(ov, axis=0)
        cm = jnp.min(jnp.where(ov == rm[None, :], gidx, P), axis=0)
        rm_list.append(rm)
        cm_list.append(cm)

    RM = jnp.stack(rm_list)
    CM = jnp.stack(cm_list)
    M = jnp.max(RM, axis=1, keepdims=True)
    idxv = jnp.min(jnp.where(RM == M, CM, P), axis=1)
    bpi_ref[...] = jnp.concatenate(
        [idxv, jnp.full((32 - O,), P, jnp.int32)]).reshape(1, 1, 32)

    bto_ref[0] = b_ov
    bti_ref[0] = b_ix


def _loss_kernel(xT_ref, pt_ref, tgt_ref, bto_ref, bti_ref,
                 bpi_ref, ce_ref, mval_ref, scal_ref):
    ri, li = _iota2((ROWS, LANES))
    gidx = ri * LANES + li

    bto = bto_ref[0]
    bti = bti_ref[0]
    sl32 = lax.broadcasted_iota(jnp.int32, (1, 1, 32), 2)
    bv = bpi_ref[...]
    for j in range(O):
        mfm = gidx == jnp.sum(jnp.where(sl32 == j, bv, 0))
        bto = jnp.where(mfm, 2.0, bto)
        bti = jnp.where(mfm, j, bti)
    pos = bto >= 0.5
    posf = pos.astype(jnp.float32)

    lab = jnp.zeros((ROWS, LANES), jnp.float32)
    mx1 = jnp.zeros((ROWS, LANES), jnp.float32)
    my1 = jnp.zeros((ROWS, LANES), jnp.float32)
    mx2 = jnp.zeros((ROWS, LANES), jnp.float32)
    my2 = jnp.zeros((ROWS, LANES), jnp.float32)
    for j in range(O):
        mj = bti == j
        lab = jnp.where(mj, tgt_ref[0, j, 4], lab)
        mx1 = jnp.where(mj, tgt_ref[0, j, 0], mx1)
        my1 = jnp.where(mj, tgt_ref[0, j, 1], my1)
        mx2 = jnp.where(mj, tgt_ref[0, j, 2], mx2)
        my2 = jnp.where(mj, tgt_ref[0, j, 3], my2)
    cj = jnp.where(pos, lab.astype(jnp.int32) + 1, 0)

    x_all = xT_ref[0]
    x = x_all[4:25]
    m = jnp.max(x, axis=0)
    e = jnp.exp(x - m[None])
    ssum = jnp.sum(e, axis=0)
    lse = jnp.log(ssum) + m
    ci = lax.broadcasted_iota(jnp.int32, (C, ROWS, LANES), 0)
    tgt = jnp.sum(jnp.where(ci == cj[None], x, 0.0), axis=0)
    ce = lse - tgt
    mval = jnp.where(pos, 0.0, ce)
    ce_ref[0] = ce
    mval_ref[0] = mval

    pt = pt_ref[...]
    pcx, pcy, pw, ph = pt[0], pt[1], pt[2], pt[3]
    g_cx = ((mx1 + mx2) * 0.5 - pcx) / (0.1 * pw)
    g_cy = ((my1 + my2) * 0.5 - pcy) / (0.1 * ph)
    g_w = jnp.log(jnp.maximum((mx2 - mx1) / pw, 1e-8)) / jnp.float32(0.2)
    g_h = jnp.log(jnp.maximum((my2 - my1) / ph, 1e-8)) / jnp.float32(0.2)
    lp = x_all[0:4]

    def sl1(d):
        ad = jnp.abs(d)
        return jnp.where(ad < 1.0, 0.5 * d * d, ad - 0.5)

    lsum = jnp.sum((sl1(lp[0] - g_cx) + sl1(lp[1] - g_cy)
                    + sl1(lp[2] - g_w) + sl1(lp[3] - g_h)) * posf)
    npc = jnp.sum(posf)

    slc = lax.broadcasted_iota(jnp.int32, (1, 1, 128), 2)
    scal_ref[...] = jnp.where(slc == 0, npc, 0.0) + jnp.where(slc == 1, lsum, 0.0)


def _tc_match(pt, targets):
    return pl.pallas_call(
        _match_kernel,
        grid=(B,),
        in_specs=[
            pl.BlockSpec((4, ROWS, LANES), lambda b: (0, 0, 0)),
            pl.BlockSpec((1, O, 5), lambda b: (b, 0, 0)),
        ],
        out_specs=[
            pl.BlockSpec((1, ROWS, LANES), lambda b: (b, 0, 0)),
            pl.BlockSpec((1, ROWS, LANES), lambda b: (b, 0, 0)),
            pl.BlockSpec((1, 1, 32), lambda b: (b, 0, 0)),
        ],
        out_shape=[
            jax.ShapeDtypeStruct((B, ROWS, LANES), jnp.float32),
            jax.ShapeDtypeStruct((B, ROWS, LANES), jnp.int32),
            jax.ShapeDtypeStruct((B, 1, 32), jnp.int32),
        ],
        compiler_params=pltpu.CompilerParams(
            dimension_semantics=("arbitrary",)),
    )(pt, targets)


def _tc_loss(xT, pt, targets, bto, bti, bpi):
    return pl.pallas_call(
        _loss_kernel,
        grid=(B,),
        in_specs=[
            pl.BlockSpec((1, 25, ROWS, LANES), lambda b: (b, 0, 0, 0)),
            pl.BlockSpec((4, ROWS, LANES), lambda b: (0, 0, 0)),
            pl.BlockSpec((1, O, 5), lambda b: (b, 0, 0)),
            pl.BlockSpec((1, ROWS, LANES), lambda b: (b, 0, 0)),
            pl.BlockSpec((1, ROWS, LANES), lambda b: (b, 0, 0)),
            pl.BlockSpec((1, 1, 32), lambda b: (b, 0, 0)),
        ],
        out_specs=[
            pl.BlockSpec((1, ROWS, LANES), lambda b: (b, 0, 0)),
            pl.BlockSpec((1, ROWS, LANES), lambda b: (b, 0, 0)),
            pl.BlockSpec((1, 1, 128), lambda b: (b, 0, 0)),
        ],
        out_shape=[
            jax.ShapeDtypeStruct((B, ROWS, LANES), jnp.float32),
            jax.ShapeDtypeStruct((B, ROWS, LANES), jnp.float32),
            jax.ShapeDtypeStruct((B, 1, 128), jnp.float32),
        ],
        compiler_params=pltpu.CompilerParams(
            dimension_semantics=("arbitrary",)),
    )(xT, pt, targets, bto, bti, bpi)


NV = P // 16


def _take16(x, idx):
    return x.at[idx].get(mode="promise_in_bounds")


def _lanesum(x):
    i16 = lax.iota(jnp.int32, 16)
    for d in (8, 4, 2, 1):
        x = x + _take16(x, i16 ^ d)
    return x


def _cumsum16(x):
    i16 = lax.iota(jnp.int32, 16)
    for d in (1, 2, 4, 8):
        sh = _take16(x, jnp.maximum(i16 - d, 0))
        x = x + jnp.where(i16 >= d, sh, 0)
    return x


def _sc_mine_kernel(mval_hbm, ce_hbm, scal_hbm, out_hbm,
                    mv_ref, ce_ref, sc_ref, acc_ref):
    wid = lax.axis_index("s") * 2 + lax.axis_index("c")
    pltpu.sync_copy(mval_hbm.at[wid], mv_ref)
    pltpu.sync_copy(ce_hbm.at[wid], ce_ref)
    pltpu.sync_copy(scal_hbm.at[wid], sc_ref)

    i16 = lax.iota(jnp.int32, 16)
    zeros16i = jnp.zeros((16,), jnp.int32)

    head = sc_ref[pl.ds(0, 16)].astype(jnp.int32)
    npos = _lanesum(jnp.where(i16 == 0, head, 0))
    k = jnp.minimum(3 * npos, P - 1)

    def round_body(r, prefix):
        trial = prefix | lax.shift_left(jnp.int32(1), 31 - r)
        trialf = lax.bitcast_convert_type(trial, jnp.float32)

        def cnt_body(i, cs):
            c0, c1, c2, c3 = cs
            b = i * 64
            c0 = c0 + jnp.where(mv_ref[pl.ds(b, 16)] >= trialf, 1, 0)
            c1 = c1 + jnp.where(mv_ref[pl.ds(b + 16, 16)] >= trialf, 1, 0)
            c2 = c2 + jnp.where(mv_ref[pl.ds(b + 32, 16)] >= trialf, 1, 0)
            c3 = c3 + jnp.where(mv_ref[pl.ds(b + 48, 16)] >= trialf, 1, 0)
            return (c0, c1, c2, c3)

        cl = lax.fori_loop(0, NV // 4, cnt_body,
                           (zeros16i, zeros16i, zeros16i, zeros16i))
        cnt = _lanesum(cl[0] + cl[1] + cl[2] + cl[3])
        return jnp.where(cnt >= k, trial, prefix)

    prefix = lax.fori_loop(1, 32, round_body, zeros16i)
    tvec = lax.bitcast_convert_type(prefix, jnp.float32)

    def gt_body(i, c):
        mv = mv_ref[pl.ds(i * 16, 16)]
        return c + jnp.where(mv > tvec, 1, 0)

    cnt_gt = _lanesum(lax.fori_loop(0, NV, gt_body, zeros16i))
    m_extra = jnp.where(k > 0, k - cnt_gt, 0)
    tvec = jnp.where(k > 0, tvec, jnp.float32(jnp.inf))

    def fin_body(i, carry):
        cnt_eq, acc = carry
        mv = mv_ref[pl.ds(i * 16, 16)]
        cev = ce_ref[pl.ds(i * 16, 16)]
        eq = mv == tvec
        eqi = jnp.where(eq, 1, 0)
        c = _cumsum16(eqi)
        sel = eq & ((cnt_eq + c) <= m_extra)
        mask = (mv == 0.0) | (mv > tvec) | sel
        acc = acc + jnp.where(mask, cev, 0.0)
        return cnt_eq + _lanesum(eqi), acc

    _, acc = lax.fori_loop(0, NV, fin_body,
                           (zeros16i, jnp.zeros((16,), jnp.float32)))
    acc_ref[...] = acc
    pltpu.sync_copy(acc_ref, out_hbm.at[wid])


def _sc_mine(mval, ce, scal):
    mesh = plsc.VectorSubcoreMesh(core_axis_name="c", subcore_axis_name="s")
    f = pl.kernel(
        _sc_mine_kernel,
        mesh=mesh,
        out_type=jax.ShapeDtypeStruct((B, 16), jnp.float32),
        scratch_types=[
            pltpu.VMEM((P,), jnp.float32),
            pltpu.VMEM((P,), jnp.float32),
            pltpu.VMEM((128,), jnp.float32),
            pltpu.VMEM((16,), jnp.float32),
        ],
    )
    return f(mval, ce, scal)


def kernel(predictions, targets, priors):
    pt = priors.T.reshape(4, ROWS, LANES)
    xT = jnp.transpose(predictions, (0, 2, 1)).reshape(B, 25, ROWS, LANES)

    bto, bti, bpi = _tc_match(pt, targets)
    ce, mval, scal = _tc_loss(xT, pt, targets, bto, bti, bpi)

    npos = scal[:, 0, 0]
    csum = _sc_mine(mval.reshape(B, P), ce.reshape(B, P), scal.reshape(B, 128))

    bp = jnp.sum(npos)
    loss_l = jnp.sum(scal[:, 0, 1]) / bp
    loss_c = jnp.sum(csum) / bp
    return loss_l, loss_c

# --- scband reference (transcript-rebuilt; emitter-appended) ---
"""Pipeline reference for scband-multi-box-loss-10591389352247 (READ-ONLY COPY).

The authoritative reference and input builder live on the scoring server;
editing this copy changes nothing except your own understanding.
"""

import jax, jax.numpy as jnp
import numpy as np

NUM_CLASSES = 21
THRESHOLD = 0.5
NEGPOS_RATIO = 3
VARIANCES = (0.1, 0.2)
BATCH = 32
NUM_PRIORS = 24576
NUM_OBJS = 20


def point_form(boxes):
    return jnp.concatenate([boxes[:, :2] - boxes[:, 2:] / 2.0,
                            boxes[:, :2] + boxes[:, 2:] / 2.0], axis=1)


def intersect(box_a, box_b):
    max_xy = jnp.minimum(box_a[:, None, 2:], box_b[None, :, 2:])
    min_xy = jnp.maximum(box_a[:, None, :2], box_b[None, :, :2])
    inter = jnp.clip(max_xy - min_xy, 0.0, None)
    return inter[..., 0] * inter[..., 1]


def jaccard(box_a, box_b):
    inter = intersect(box_a, box_b)
    area_a = ((box_a[:, 2] - box_a[:, 0]) * (box_a[:, 3] - box_a[:, 1]))[:, None]
    area_b = ((box_b[:, 2] - box_b[:, 0]) * (box_b[:, 3] - box_b[:, 1]))[None, :]
    return inter / (area_a + area_b - inter)


def encode(matched, priors, variances):
    g_cxcy = (matched[:, :2] + matched[:, 2:]) / 2.0 - priors[:, :2]
    g_cxcy = g_cxcy / (variances[0] * priors[:, 2:])
    g_wh = (matched[:, 2:] - matched[:, :2]) / priors[:, 2:]
    g_wh = jnp.log(jnp.maximum(g_wh, 1e-8)) / variances[1]
    return jnp.concatenate([g_cxcy, g_wh], axis=1)


def match_prior_gt(truths, labels, priors):
    overlaps = jaccard(truths, point_form(priors))          # [O, P]
    best_prior_idx = jnp.argmax(overlaps, axis=1)           # [O]
    best_truth_overlap = jnp.max(overlaps, axis=0)          # [P]
    best_truth_idx = jnp.argmax(overlaps, axis=0)           # [P]
    best_truth_overlap = best_truth_overlap.at[best_prior_idx].set(2.0)
    best_truth_idx = best_truth_idx.at[best_prior_idx].set(jnp.arange(truths.shape[0]))
    matches = truths[best_truth_idx]
    conf = labels[best_truth_idx].astype(jnp.int32) + 1
    conf = jnp.where(best_truth_overlap < THRESHOLD, 0, conf)
    loc = encode(matches, priors, jnp.asarray(VARIANCES, dtype=jnp.float32))
    return loc, conf


def smooth_l1(x, t):
    d = x - t
    ad = jnp.abs(d)
    return jnp.where(ad < 1.0, 0.5 * d * d, ad - 0.5)


def setup_inputs(seed: int = 0):
    key = jax.random.key(seed)
    k1, k2, k3, k4, k5, k6 = jax.random.split(key, 6)
    predictions = jax.random.normal(k1, (BATCH, NUM_PRIORS, 4 + NUM_CLASSES), dtype=jnp.float32)
    cxcy = jax.random.uniform(k2, (NUM_PRIORS, 2), dtype=jnp.float32)
    wh = jax.random.uniform(k3, (NUM_PRIORS, 2), dtype=jnp.float32) * 0.45 + 0.05
    priors = jnp.concatenate([cxcy, wh], axis=1)
    x1y1 = jax.random.uniform(k4, (BATCH, NUM_OBJS, 2), dtype=jnp.float32) * 0.7
    bwh = jax.random.uniform(k5, (BATCH, NUM_OBJS, 2), dtype=jnp.float32) * 0.25 + 0.05
    labels = jax.random.randint(k6, (BATCH, NUM_OBJS, 1), 0, NUM_CLASSES - 1).astype(jnp.float32)
    targets = jnp.concatenate([x1y1, x1y1 + bwh, labels], axis=2)
    return {"predictions": predictions, "targets": targets, "priors": priors}


def reference(predictions, targets, priors):
    loc_pred = predictions[:, :, :4]
    conf_pred = predictions[:, :, 4:]
    batch_size = loc_pred.shape[0]
    num_priors = priors.shape[0]
    truths = targets[:, :, :-1]
    labels = targets[:, :, -1]
    loc_t, conf_t = jax.vmap(lambda t, l: match_prior_gt(t, l, priors))(truths, labels)
    loc_t = jax.lax.stop_gradient(loc_t)
    conf_t = jax.lax.stop_gradient(conf_t)

    pos = conf_t > 0                                        # [B, P]
    num_pos = jnp.sum(pos, axis=1, keepdims=True)           # [B, 1]

    # localization loss (sum over positive priors)
    loss_l = jnp.sum(smooth_l1(loc_pred, loc_t) * pos[:, :, None].astype(loc_pred.dtype))

    # per-prior conf loss used for hard negative mining
    batch_conf = conf_pred.reshape(-1, NUM_CLASSES)
    batch_conf_max = jnp.max(batch_conf)
    lse = jax.scipy.special.logsumexp(batch_conf - batch_conf_max, axis=1, keepdims=True) + batch_conf_max
    tgt = jnp.take_along_axis(batch_conf, conf_t.reshape(-1, 1), axis=1)
    loss_c = lse - tgt
    loss_c = jnp.where(pos.reshape(-1, 1), 0.0, loss_c)
    loss_c = loss_c.reshape(batch_size, -1)

    num_neg = jnp.clip(NEGPOS_RATIO * num_pos, None, num_priors - 1)
    loss_idx = jnp.argsort(-loss_c, axis=1)
    idx_rank = jnp.argsort(loss_idx, axis=1)
    neg = idx_rank < num_neg

    mask = jnp.logical_or(pos, neg)
    lse_full = jax.scipy.special.logsumexp(conf_pred, axis=2)
    tgt_full = jnp.take_along_axis(conf_pred, conf_t[:, :, None], axis=2)[:, :, 0]
    ce = lse_full - tgt_full
    loss_c_sum = jnp.sum(ce * mask.astype(ce.dtype))

    batch_pos = jnp.sum(num_pos).astype(jnp.float32)
    return (loss_l / batch_pos, loss_c_sum / batch_pos)

if __name__ == "__main__":
    import jax
    _d = setup_inputs()
    print(jax.jit(kernel)(*tuple(_d.values())))

</pallas_src>

<mosaic_0001>
#map = affine_map<(d0, d1) -> (0, 0)>
module attributes {stable_mosaic.version = 14 : i64} {
  func.func @_sc_mine_kernel(%arg0: i32, %arg1: i32, %arg2: memref<32x24576xf32, #tpu.memory_space<hbm>>, %arg3: memref<32x24576xf32, #tpu.memory_space<hbm>>, %arg4: memref<32x128xf32, #tpu.memory_space<hbm>>, %arg5: memref<32x16xf32, #tpu.memory_space<hbm>>, %arg6: memref<24576xf32, #tpu.memory_space<vmem>>, %arg7: memref<24576xf32, #tpu.memory_space<vmem>>, %arg8: memref<128xf32, #tpu.memory_space<vmem>>, %arg9: memref<16xf32, #tpu.memory_space<vmem>>) attributes {dimension_semantics = [#tpu.dimension_semantics<core_parallel>, #tpu.dimension_semantics<subcore_parallel>], iteration_bounds = array<i64: 2, 16>, scalar_prefetch = 0 : i64, scratch_operands = 4 : i64, tpu.core_type = #tpu.core_type<sc_vector_subcore>, window_params = [{transform_indices = #map}, {transform_indices = #map}, {transform_indices = #map}, {transform_indices = #map}]} {
    %mul3A = arith.constant 2 : i32
    %mul3A_0 = arith.muli %arg1, %mul3A : i32
    %add3A = arith.addi %mul3A_0, %arg0 : i32
    "tpu.region"() ({
      %run_scoped3A = tpu.sem_alloc : memref<!tpu.dma_semaphore, #tpu.memory_space<semaphore_mem>>
      %dma_start3A = arith.constant 0 : i32
      %dma_start3A_156 = tpu.memref_slice %arg2[%add3A, %dma_start3A] : memref<32x24576xf32, #tpu.memory_space<hbm>> -> memref<1x24576xf32, #tpu.memory_space<hbm>>
      %dma_start3A_157 = tpu.memref_squeeze %dma_start3A_156 : memref<1x24576xf32, #tpu.memory_space<hbm>> -> memref<24576xf32, #tpu.memory_space<hbm>>
      %dma_start3A_158 = arith.constant 0 : i32
      %dma_start3A_159 = tpu.memref_slice %arg2[%add3A, %dma_start3A_158] : memref<32x24576xf32, #tpu.memory_space<hbm>> -> memref<1x24576xf32, #tpu.memory_space<hbm>>
      %dma_start3A_160 = tpu.memref_squeeze %dma_start3A_159 : memref<1x24576xf32, #tpu.memory_space<hbm>> -> memref<24576xf32, #tpu.memory_space<hbm>>
      tpu.enqueue_dma source(%dma_start3A_160 : memref<24576xf32, #tpu.memory_space<hbm>>) target(%arg6 : memref<24576xf32, #tpu.memory_space<vmem>>) target_semaphore(%run_scoped3A : memref<!tpu.dma_semaphore, #tpu.memory_space<semaphore_mem>>)
      %dma_wait3A = arith.constant 0 : i32
      %dma_wait3A_161 = tpu.memref_slice %arg2[%add3A, %dma_wait3A] : memref<32x24576xf32, #tpu.memory_space<hbm>> -> memref<1x24576xf32, #tpu.memory_space<hbm>>
      %dma_wait3A_162 = tpu.memref_squeeze %dma_wait3A_161 : memref<1x24576xf32, #tpu.memory_space<hbm>> -> memref<24576xf32, #tpu.memory_space<hbm>>
      %dma_wait3A_163 = arith.constant 0 : i32
      %dma_wait3A_164 = tpu.memref_slice %arg2[%add3A, %dma_wait3A_163] : memref<32x24576xf32, #tpu.memory_space<hbm>> -> memref<1x24576xf32, #tpu.memory_space<hbm>>
      %dma_wait3A_165 = tpu.memref_squeeze %dma_wait3A_164 : memref<1x24576xf32, #tpu.memory_space<hbm>> -> memref<24576xf32, #tpu.memory_space<hbm>>
      tpu.wait_dma2 semaphore(%run_scoped3A : memref<!tpu.dma_semaphore, #tpu.memory_space<semaphore_mem>>) src(%dma_wait3A_165 : memref<24576xf32, #tpu.memory_space<hbm>>) dst(%arg6 : memref<24576xf32, #tpu.memory_space<vmem>>)
      tpu.yield
    }) : () -> ()
    "tpu.region"() ({
      %run_scoped3A = tpu.sem_alloc : memref<!tpu.dma_semaphore, #tpu.memory_space<semaphore_mem>>
      %dma_start3A = arith.constant 0 : i32
      %dma_start3A_156 = tpu.memref_slice %arg3[%add3A, %dma_start3A] : memref<32x24576xf32, #tpu.memory_space<hbm>> -> memref<1x24576xf32, #tpu.memory_space<hbm>>
      %dma_start3A_157 = tpu.memref_squeeze %dma_start3A_156 : memref<1x24576xf32, #tpu.memory_space<hbm>> -> memref<24576xf32, #tpu.memory_space<hbm>>
      %dma_start3A_158 = arith.constant 0 : i32
      %dma_start3A_159 = tpu.memref_slice %arg3[%add3A, %dma_start3A_158] : memref<32x24576xf32, #tpu.memory_space<hbm>> -> memref<1x24576xf32, #tpu.memory_space<hbm>>
      %dma_start3A_160 = tpu.memref_squeeze %dma_start3A_159 : memref<1x24576xf32, #tpu.memory_space<hbm>> -> memref<24576xf32, #tpu.memory_space<hbm>>
      tpu.enqueue_dma source(%dma_start3A_160 : memref<24576xf32, #tpu.memory_space<hbm>>) target(%arg7 : memref<24576xf32, #tpu.memory_space<vmem>>) target_semaphore(%run_scoped3A : memref<!tpu.dma_semaphore, #tpu.memory_space<semaphore_mem>>)
      %dma_wait3A = arith.constant 0 : i32
      %dma_wait3A_161 = tpu.memref_slice %arg3[%add3A, %dma_wait3A] : memref<32x24576xf32, #tpu.memory_space<hbm>> -> memref<1x24576xf32, #tpu.memory_space<hbm>>
      %dma_wait3A_162 = tpu.memref_squeeze %dma_wait3A_161 : memref<1x24576xf32, #tpu.memory_space<hbm>> -> memref<24576xf32, #tpu.memory_space<hbm>>
      %dma_wait3A_163 = arith.constant 0 : i32
      %dma_wait3A_164 = tpu.memref_slice %arg3[%add3A, %dma_wait3A_163] : memref<32x24576xf32, #tpu.memory_space<hbm>> -> memref<1x24576xf32, #tpu.memory_space<hbm>>
      %dma_wait3A_165 = tpu.memref_squeeze %dma_wait3A_164 : memref<1x24576xf32, #tpu.memory_space<hbm>> -> memref<24576xf32, #tpu.memory_space<hbm>>
      tpu.wait_dma2 semaphore(%run_scoped3A : memref<!tpu.dma_semaphore, #tpu.memory_space<semaphore_mem>>) src(%dma_wait3A_165 : memref<24576xf32, #tpu.memory_space<hbm>>) dst(%arg7 : memref<24576xf32, #tpu.memory_space<vmem>>)
      tpu.yield
    }) : () -> ()
    "tpu.region"() ({
      %run_scoped3A = tpu.sem_alloc : memref<!tpu.dma_semaphore, #tpu.memory_space<semaphore_mem>>
      %dma_start3A = arith.constant 0 : i32
      %dma_start3A_156 = tpu.memref_slice %arg4[%add3A, %dma_start3A] : memref<32x128xf32, #tpu.memory_space<hbm>> -> memref<1x128xf32, #tpu.memory_space<hbm>>
      %dma_start3A_157 = tpu.memref_squeeze %dma_start3A_156 : memref<1x128xf32, #tpu.memory_space<hbm>> -> memref<128xf32, #tpu.memory_space<hbm>>
      %dma_start3A_158 = arith.constant 0 : i32
      %dma_start3A_159 = tpu.memref_slice %arg4[%add3A, %dma_start3A_158] : memref<32x128xf32, #tpu.memory_space<hbm>> -> memref<1x128xf32, #tpu.memory_space<hbm>>
      %dma_start3A_160 = tpu.memref_squeeze %dma_start3A_159 : memref<1x128xf32, #tpu.memory_space<hbm>> -> memref<128xf32, #tpu.memory_space<hbm>>
      tpu.enqueue_dma source(%dma_start3A_160 : memref<128xf32, #tpu.memory_space<hbm>>) target(%arg8 : memref<128xf32, #tpu.memory_space<vmem>>) target_semaphore(%run_scoped3A : memref<!tpu.dma_semaphore, #tpu.memory_space<semaphore_mem>>)
      %dma_wait3A = arith.constant 0 : i32
      %dma_wait3A_161 = tpu.memref_slice %arg4[%add3A, %dma_wait3A] : memref<32x128xf32, #tpu.memory_space<hbm>> -> memref<1x128xf32, #tpu.memory_space<hbm>>
      %dma_wait3A_162 = tpu.memref_squeeze %dma_wait3A_161 : memref<1x128xf32, #tpu.memory_space<hbm>> -> memref<128xf32, #tpu.memory_space<hbm>>
      %dma_wait3A_163 = arith.constant 0 : i32
      %dma_wait3A_164 = tpu.memref_slice %arg4[%add3A, %dma_wait3A_163] : memref<32x128xf32, #tpu.memory_space<hbm>> -> memref<1x128xf32, #tpu.memory_space<hbm>>
      %dma_wait3A_165 = tpu.memref_squeeze %dma_wait3A_164 : memref<1x128xf32, #tpu.memory_space<hbm>> -> memref<128xf32, #tpu.memory_space<hbm>>
      tpu.wait_dma2 semaphore(%run_scoped3A : memref<!tpu.dma_semaphore, #tpu.memory_space<semaphore_mem>>) src(%dma_wait3A_165 : memref<128xf32, #tpu.memory_space<hbm>>) dst(%arg8 : memref<128xf32, #tpu.memory_space<vmem>>)
      tpu.yield
    }) : () -> ()
    %iota3A = tpu.iota {dimensions = array<i32: 0>} : vector<16xi32>
    %broadcast_in_dim3A = arith.constant 0 : i32
    %broadcast_in_dim3A_1 = vector.broadcast %broadcast_in_dim3A : i32 to vector<16xi32>
    %get3A = arith.constant 0 : index
    %get3A_2 = tpu.vector_load %arg8[%get3A] {strides = array<i32>} : memref<128xf32, #tpu.memory_space<vmem>>, vector<16xf32>,
    %get3A_3 = vector.shape_cast %get3A_2 : vector<16xf32> to vector<16xf32>
    %convert_element_type3A = arith.fptosi %get3A_3 : vector<16xf32> to vector<16xi32>
    %eq3A = arith.constant 0 : i32
    %eq3A_4 = vector.broadcast %eq3A : i32 to vector<16xi32>
    %eq3A_5 = arith.cmpi eq, %iota3A, %eq3A_4 : vector<16xi32>
    %jit3A = arith.constant 0 : i32
    %broadcast_in_dim3A_6 = vector.broadcast %jit3A : i32 to vector<16xi32>
    %select_n3A = arith.select %eq3A_5, %convert_element_type3A, %broadcast_in_dim3A_6 : vector<16xi1>, vector<16xi32>
    %iota3A_7 = tpu.iota {dimensions = array<i32: 0>} : vector<16xi32>
    %xor3A = arith.constant 8 : i32
    %xor3A_8 = vector.broadcast %xor3A : i32 to vector<16xi32>
    %xor3A_9 = arith.xori %iota3A_7, %xor3A_8 : vector<16xi32>
    %lt3A = arith.constant 0 : i32
    %lt3A_10 = vector.broadcast %lt3A : i32 to vector<16xi32>
    %lt3A_11 = arith.cmpi slt, %xor3A_9, %lt3A_10 : vector<16xi32>
    %add3A_12 = arith.constant 16 : i32
    %add3A_13 = vector.broadcast %add3A_12 : i32 to vector<16xi32>
    %add3A_14 = arith.addi %xor3A_9, %add3A_13 : vector<16xi32>
    %select_n3A_15 = arith.select %lt3A_11, %add3A_14, %xor3A_9 : vector<16xi1>, vector<16xi32>
    %broadcast_in_dim3A_16 = vector.shape_cast %select_n3A_15 : vector<16xi32> to vector<16x1xi32>
    %gather3A = vector.shape_cast %broadcast_in_dim3A_16 : vector<16x1xi32> to vector<16xi32>
    %gather3A_17 = tpu.dynamic_gather %select_n3A[%gather3A] in [0] : vector<16xi32>, vector<16xi32> -> vector<16xi32>
    %add3A_18 = arith.addi %select_n3A, %gather3A_17 : vector<16xi32>
    %xor3A_19 = arith.constant 4 : i32
    %xor3A_20 = vector.broadcast %xor3A_19 : i32 to vector<16xi32>
    %xor3A_21 = arith.xori %iota3A_7, %xor3A_20 : vector<16xi32>
    %lt3A_22 = arith.constant 0 : i32
    %lt3A_23 = vector.broadcast %lt3A_22 : i32 to vector<16xi32>
    %lt3A_24 = arith.cmpi slt, %xor3A_21, %lt3A_23 : vector<16xi32>
    %add3A_25 = arith.constant 16 : i32
    %add3A_26 = vector.broadcast %add3A_25 : i32 to vector<16xi32>
    %add3A_27 = arith.addi %xor3A_21, %add3A_26 : vector<16xi32>
    %select_n3A_28 = arith.select %lt3A_24, %add3A_27, %xor3A_21 : vector<16xi1>, vector<16xi32>
    %broadcast_in_dim3A_29 = vector.shape_cast %select_n3A_28 : vector<16xi32> to vector<16x1xi32>
    %gather3A_30 = vector.shape_cast %broadcast_in_dim3A_29 : vector<16x1xi32> to vector<16xi32>
    %gather3A_31 = tpu.dynamic_gather %add3A_18[%gather3A_30] in [0] : vector<16xi32>, vector<16xi32> -> vector<16xi32>
    %add3A_32 = arith.addi %add3A_18, %gather3A_31 : vector<16xi32>
    %xor3A_33 = arith.constant 2 : i32
    %xor3A_34 = vector.broadcast %xor3A_33 : i32 to vector<16xi32>
    %xor3A_35 = arith.xori %iota3A_7, %xor3A_34 : vector<16xi32>
    %lt3A_36 = arith.constant 0 : i32
    %lt3A_37 = vector.broadcast %lt3A_36 : i32 to vector<16xi32>
    %lt3A_38 = arith.cmpi slt, %xor3A_35, %lt3A_37 : vector<16xi32>
    %add3A_39 = arith.constant 16 : i32
    %add3A_40 = vector.broadcast %add3A_39 : i32 to vector<16xi32>
    %add3A_41 = arith.addi %xor3A_35, %add3A_40 : vector<16xi32>
    %select_n3A_42 = arith.select %lt3A_38, %add3A_41, %xor3A_35 : vector<16xi1>, vector<16xi32>
    %broadcast_in_dim3A_43 = vector.shape_cast %select_n3A_42 : vector<16xi32> to vector<16x1xi32>
    %gather3A_44 = vector.shape_cast %broadcast_in_dim3A_43 : vector<16x1xi32> to vector<16xi32>
    %gather3A_45 = tpu.dynamic_gather %add3A_32[%gather3A_44] in [0] : vector<16xi32>, vector<16xi32> -> vector<16xi32>
    %add3A_46 = arith.addi %add3A_32, %gather3A_45 : vector<16xi32>
    %xor3A_47 = arith.constant 1 : i32
    %xor3A_48 = vector.broadcast %xor3A_47 : i32 to vector<16xi32>
    %xor3A_49 = arith.xori %iota3A_7, %xor3A_48 : vector<16xi32>
    %lt3A_50 = arith.constant 0 : i32
    %lt3A_51 = vector.broadcast %lt3A_50 : i32 to vector<16xi32>
    %lt3A_52 = arith.cmpi slt, %xor3A_49, %lt3A_51 : vector<16xi32>
    %add3A_53 = arith.constant 16 : i32
    %add3A_54 = vector.broadcast %add3A_53 : i32 to vector<16xi32>
    %add3A_55 = arith.addi %xor3A_49, %add3A_54 : vector<16xi32>
    %select_n3A_56 = arith.select %lt3A_52, %add3A_55, %xor3A_49 : vector<16xi1>, vector<16xi32>
    %broadcast_in_dim3A_57 = vector.shape_cast %select_n3A_56 : vector<16xi32> to vector<16x1xi32>
    %gather3A_58 = vector.shape_cast %broadcast_in_dim3A_57 : vector<16x1xi32> to vector<16xi32>
    %gather3A_59 = tpu.dynamic_gather %add3A_46[%gather3A_58] in [0] : vector<16xi32>, vector<16xi32> -> vector<16xi32>
    %add3A_60 = arith.addi %add3A_46, %gather3A_59 : vector<16xi32>
    %mul3A_61 = arith.constant 3 : i32
    %mul3A_62 = vector.broadcast %mul3A_61 : i32 to vector<16xi32>
    %mul3A_63 = arith.muli %mul3A_62, %add3A_60 : vector<16xi32>
    %min3A = arith.constant 24575 : i32
    %min3A_64 = vector.broadcast %min3A : i32 to vector<16xi32>
    %min3A_65 = arith.minsi %mul3A_63, %min3A_64 : vector<16xi32>
    %scan3A = arith.constant 1 : i32
    %scan3A_66 = arith.constant 31 : i32
    %scan3A_67 = arith.addi %scan3A, %scan3A_66 : i32
    %scan3A_68 = arith.constant 1 : i32
    %scan3A_69 = scf.for %scan3A_156 = %scan3A to %scan3A_67 step %scan3A_68 iter_args(%scan3A_157 = %broadcast_in_dim3A_1) -> (vector<16xi32>)  : i32 {
      %sub3A_158 = arith.constant 31 : i32
      %sub3A_159 = arith.subi %sub3A_158, %scan3A_156 : i32
      %shift_left3A = arith.constant 1 : i32
      %shift_left3A_160 = arith.shli %shift_left3A, %sub3A_159 : i32
      %or3A = vector.broadcast %shift_left3A_160 : i32 to vector<16xi32>
      %or3A_161 = arith.ori %scan3A_157, %or3A : vector<16xi32>
      %bitcast_convert_type3A_162 = tpu.bitcast %or3A_161 : vector<16xi32> -> vector<16xf32>
      %scan3A_163 = arith.constant 0 : i32
      %scan3A_164 = arith.constant 384 : i32
      %scan3A_165 = arith.addi %scan3A_163, %scan3A_164 : i32
      %scan3A_166 = arith.constant 1 : i32
      %scan3A_167:4 = scf.for %scan3A_230 = %scan3A_163 to %scan3A_165 step %scan3A_166 iter_args(%scan3A_231 = %broadcast_in_dim3A_1, %scan3A_232 = %broadcast_in_dim3A_1, %scan3A_233 = %broadcast_in_dim3A_1, %scan3A_234 = %broadcast_in_dim3A_1) -> (vector<16xi32>, vector<16xi32>, vector<16xi32>, vector<16xi32>)  : i32 {
        %mul3A_235 = arith.constant 64 : i32
        %mul3A_236 = arith.muli %scan3A_230, %mul3A_235 : i32
        %get3A_237 = arith.index_cast %mul3A_236 : i32 to index
        %get3A_238 = tpu.vector_load %arg6[%get3A_237] {strides = array<i32>} : memref<24576xf32, #tpu.memory_space<vmem>>, vector<16xf32>,
        %get3A_239 = vector.shape_cast %get3A_238 : vector<16xf32> to vector<16xf32>
        %ge3A_240 = arith.cmpf oge, %get3A_239, %bitcast_convert_type3A_162 : vector<16xf32>
        %jit3A_241 = arith.constant 1 : i32
        %jit3A_242 = arith.constant 0 : i32
        %broadcast_in_dim3A_243 = vector.broadcast %jit3A_241 : i32 to vector<16xi32>
        %broadcast_in_dim3A_244 = vector.broadcast %jit3A_242 : i32 to vector<16xi32>
        %select_n3A_245 = arith.select %ge3A_240, %broadcast_in_dim3A_243, %broadcast_in_dim3A_244 : vector<16xi1>, vector<16xi32>
        %add3A_246 = arith.addi %scan3A_231, %select_n3A_245 : vector<16xi32>
        %add3A_247 = arith.constant 16 : i32
        %add3A_248 = arith.addi %mul3A_236, %add3A_247 : i32
        %get3A_249 = arith.index_cast %add3A_248 : i32 to index
        %get3A_250 = tpu.vector_load %arg6[%get3A_249] {strides = array<i32>} : memref<24576xf32, #tpu.memory_space<vmem>>, vector<16xf32>,
        %get3A_251 = vector.shape_cast %get3A_250 : vector<16xf32> to vector<16xf32>
        %ge3A_252 = arith.cmpf oge, %get3A_251, %bitcast_convert_type3A_162 : vector<16xf32>
        %jit3A_253 = arith.constant 1 : i32
        %jit3A_254 = arith.constant 0 : i32
        %broadcast_in_dim3A_255 = vector.broadcast %jit3A_253 : i32 to vector<16xi32>
        %broadcast_in_dim3A_256 = vector.broadcast %jit3A_254 : i32 to vector<16xi32>
        %select_n3A_257 = arith.select %ge3A_252, %broadcast_in_dim3A_255, %broadcast_in_dim3A_256 : vector<16xi1>, vector<16xi32>
        %add3A_258 = arith.addi %scan3A_232, %select_n3A_257 : vector<16xi32>
        %add3A_259 = arith.constant 32 : i32
        %add3A_260 = arith.addi %mul3A_236, %add3A_259 : i32
        %get3A_261 = arith.index_cast %add3A_260 : i32 to index
        %get3A_262 = tpu.vector_load %arg6[%get3A_261] {strides = array<i32>} : memref<24576xf32, #tpu.memory_space<vmem>>, vector<16xf32>,
        %get3A_263 = vector.shape_cast %get3A_262 : vector<16xf32> to vector<16xf32>
        %ge3A_264 = arith.cmpf oge, %get3A_263, %bitcast_convert_type3A_162 : vector<16xf32>
        %jit3A_265 = arith.constant 1 : i32
        %jit3A_266 = arith.constant 0 : i32
        %broadcast_in_dim3A_267 = vector.broadcast %jit3A_265 : i32 to vector<16xi32>
        %broadcast_in_dim3A_268 = vector.broadcast %jit3A_266 : i32 to vector<16xi32>
        %select_n3A_269 = arith.select %ge3A_264, %broadcast_in_dim3A_267, %broadcast_in_dim3A_268 : vector<16xi1>, vector<16xi32>
        %add3A_270 = arith.addi %scan3A_233, %select_n3A_269 : vector<16xi32>
        %add3A_271 = arith.constant 48 : i32
        %add3A_272 = arith.addi %mul3A_236, %add3A_271 : i32
        %get3A_273 = arith.index_cast %add3A_272 : i32 to index
        %get3A_274 = tpu.vector_load %arg6[%get3A_273] {strides = array<i32>} : memref<24576xf32, #tpu.memory_space<vmem>>, vector<16xf32>,
        %get3A_275 = vector.shape_cast %get3A_274 : vector<16xf32> to vector<16xf32>
        %ge3A_276 = arith.cmpf oge, %get3A_275, %bitcast_convert_type3A_162 : vector<16xf32>
        %jit3A_277 = arith.constant 1 : i32
        %jit3A_278 = arith.constant 0 : i32
        %broadcast_in_dim3A_279 = vector.broadcast %jit3A_277 : i32 to vector<16xi32>
        %broadcast_in_dim3A_280 = vector.broadcast %jit3A_278 : i32 to vector<16xi32>
        %select_n3A_281 = arith.select %ge3A_276, %broadcast_in_dim3A_279, %broadcast_in_dim3A_280 : vector<16xi1>, vector<16xi32>
        %add3A_282 = arith.addi %scan3A_234, %select_n3A_281 : vector<16xi32>
        scf.yield %add3A_246, %add3A_258, %add3A_270, %add3A_282 : vector<16xi32>, vector<16xi32>, vector<16xi32>, vector<16xi32>
      }
      %scan3A_168 = arith.constant 384 : i32
      %add3A_169 = arith.addi %scan3A_167#0, %scan3A_167#1 : vector<16xi32>
      %add3A_170 = arith.addi %add3A_169, %scan3A_167#2 : vector<16xi32>
      %add3A_171 = arith.addi %add3A_170, %scan3A_167#3 : vector<16xi32>
      %iota3A_172 = tpu.iota {dimensions = array<i32: 0>} : vector<16xi32>
      %xor3A_173 = arith.constant 8 : i32
      %xor3A_174 = vector.broadcast %xor3A_173 : i32 to vector<16xi32>
      %xor3A_175 = arith.xori %iota3A_172, %xor3A_174 : vector<16xi32>
      %lt3A_176 = arith.constant 0 : i32
      %lt3A_177 = vector.broadcast %lt3A_176 : i32 to vector<16xi32>
      %lt3A_178 = arith.cmpi slt, %xor3A_175, %lt3A_177 : vector<16xi32>
      %add3A_179 = arith.constant 16 : i32
      %add3A_180 = vector.broadcast %add3A_179 : i32 to vector<16xi32>
      %add3A_181 = arith.addi %xor3A_175, %add3A_180 : vector<16xi32>
      %select_n3A_182 = arith.select %lt3A_178, %add3A_181, %xor3A_175 : vector<16xi1>, vector<16xi32>
      %broadcast_in_dim3A_183 = vector.shape_cast %select_n3A_182 : vector<16xi32> to vector<16x1xi32>
      %gather3A_184 = vector.shape_cast %broadcast_in_dim3A_183 : vector<16x1xi32> to vector<16xi32>
      %gather3A_185 = tpu.dynamic_gather %add3A_171[%gather3A_184] in [0] : vector<16xi32>, vector<16xi32> -> vector<16xi32>
      %add3A_186 = arith.addi %add3A_171, %gather3A_185 : vector<16xi32>
      %xor3A_187 = arith.constant 4 : i32
      %xor3A_188 = vector.broadcast %xor3A_187 : i32 to vector<16xi32>
      %xor3A_189 = arith.xori %iota3A_172, %xor3A_188 : vector<16xi32>
      %lt3A_190 = arith.constant 0 : i32
      %lt3A_191 = vector.broadcast %lt3A_190 : i32 to vector<16xi32>
      %lt3A_192 = arith.cmpi slt, %xor3A_189, %lt3A_191 : vector<16xi32>
      %add3A_193 = arith.constant 16 : i32
      %add3A_194 = vector.broadcast %add3A_193 : i32 to vector<16xi32>
      %add3A_195 = arith.addi %xor3A_189, %add3A_194 : vector<16xi32>
      %select_n3A_196 = arith.select %lt3A_192, %add3A_195, %xor3A_189 : vector<16xi1>, vector<16xi32>
      %broadcast_in_dim3A_197 = vector.shape_cast %select_n3A_196 : vector<16xi32> to vector<16x1xi32>
      %gather3A_198 = vector.shape_cast %broadcast_in_dim3A_197 : vector<16x1xi32> to vector<16xi32>
      %gather3A_199 = tpu.dynamic_gather %add3A_186[%gather3A_198] in [0] : vector<16xi32>, vector<16xi32> -> vector<16xi32>
      %add3A_200 = arith.addi %add3A_186, %gather3A_199 : vector<16xi32>
      %xor3A_201 = arith.constant 2 : i32
      %xor3A_202 = vector.broadcast %xor3A_201 : i32 to vector<16xi32>
      %xor3A_203 = arith.xori %iota3A_172, %xor3A_202 : vector<16xi32>
      %lt3A_204 = arith.constant 0 : i32
      %lt3A_205 = vector.broadcast %lt3A_204 : i32 to vector<16xi32>
      %lt3A_206 = arith.cmpi slt, %xor3A_203, %lt3A_205 : vector<16xi32>
      %add3A_207 = arith.constant 16 : i32
      %add3A_208 = vector.broadcast %add3A_207 : i32 to vector<16xi32>
      %add3A_209 = arith.addi %xor3A_203, %add3A_208 : vector<16xi32>
      %select_n3A_210 = arith.select %lt3A_206, %add3A_209, %xor3A_203 : vector<16xi1>, vector<16xi32>
      %broadcast_in_dim3A_211 = vector.shape_cast %select_n3A_210 : vector<16xi32> to vector<16x1xi32>
      %gather3A_212 = vector.shape_cast %broadcast_in_dim3A_211 : vector<16x1xi32> to vector<16xi32>
      %gather3A_213 = tpu.dynamic_gather %add3A_200[%gather3A_212] in [0] : vector<16xi32>, vector<16xi32> -> vector<16xi32>
      %add3A_214 = arith.addi %add3A_200, %gather3A_213 : vector<16xi32>
      %xor3A_215 = arith.constant 1 : i32
      %xor3A_216 = vector.broadcast %xor3A_215 : i32 to vector<16xi32>
      %xor3A_217 = arith.xori %iota3A_172, %xor3A_216 : vector<16xi32>
      %lt3A_218 = arith.constant 0 : i32
      %lt3A_219 = vector.broadcast %lt3A_218 : i32 to vector<16xi32>
      %lt3A_220 = arith.cmpi slt, %xor3A_217, %lt3A_219 : vector<16xi32>
      %add3A_221 = arith.constant 16 : i32
      %add3A_222 = vector.broadcast %add3A_221 : i32 to vector<16xi32>
      %add3A_223 = arith.addi %xor3A_217, %add3A_222 : vector<16xi32>
      %select_n3A_224 = arith.select %lt3A_220, %add3A_223, %xor3A_217 : vector<16xi1>, vector<16xi32>
      %broadcast_in_dim3A_225 = vector.shape_cast %select_n3A_224 : vector<16xi32> to vector<16x1xi32>
      %gather3A_226 = vector.shape_cast %broadcast_in_dim3A_225 : vector<16x1xi32> to vector<16xi32>
      %gather3A_227 = tpu.dynamic_gather %add3A_214[%gather3A_226] in [0] : vector<16xi32>, vector<16xi32> -> vector<16xi32>
      %add3A_228 = arith.addi %add3A_214, %gather3A_227 : vector<16xi32>
      %ge3A = arith.cmpi sge, %add3A_228, %min3A_65 : vector<16xi32>
      %select_n3A_229 = arith.select %ge3A, %or3A_161, %scan3A_157 : vector<16xi1>, vector<16xi32>
      scf.yield %select_n3A_229 : vector<16xi32>
    }
    %scan3A_70 = arith.constant 31 : i32
    %bitcast_convert_type3A = tpu.bitcast %scan3A_69 : vector<16xi32> -> vector<16xf32>
    %scan3A_71 = arith.constant 0 : i32
    %scan3A_72 = arith.constant 1536 : i32
    %scan3A_73 = arith.addi %scan3A_71, %scan3A_72 : i32
    %scan3A_74 = arith.constant 1 : i32
    %scan3A_75 = scf.for %scan3A_156 = %scan3A_71 to %scan3A_73 step %scan3A_74 iter_args(%scan3A_157 = %broadcast_in_dim3A_1) -> (vector<16xi32>)  : i32 {
      %mul3A_158 = arith.constant 16 : i32
      %mul3A_159 = arith.muli %scan3A_156, %mul3A_158 : i32
      %get3A_160 = arith.index_cast %mul3A_159 : i32 to index
      %get3A_161 = tpu.vector_load %arg6[%get3A_160] {strides = array<i32>} : memref<24576xf32, #tpu.memory_space<vmem>>, vector<16xf32>,
      %get3A_162 = vector.shape_cast %get3A_161 : vector<16xf32> to vector<16xf32>
      %gt3A_163 = arith.cmpf ogt, %get3A_162, %bitcast_convert_type3A : vector<16xf32>
      %jit3A_164 = arith.constant 1 : i32
      %jit3A_165 = arith.constant 0 : i32
      %broadcast_in_dim3A_166 = vector.broadcast %jit3A_164 : i32 to vector<16xi32>
      %broadcast_in_dim3A_167 = vector.broadcast %jit3A_165 : i32 to vector<16xi32>
      %select_n3A_168 = arith.select %gt3A_163, %broadcast_in_dim3A_166, %broadcast_in_dim3A_167 : vector<16xi1>, vector<16xi32>
      %add3A_169 = arith.addi %scan3A_157, %select_n3A_168 : vector<16xi32>
      scf.yield %add3A_169 : vector<16xi32>
    }
    %scan3A_76 = arith.constant 1536 : i32
    %iota3A_77 = tpu.iota {dimensions = array<i32: 0>} : vector<16xi32>
    %xor3A_78 = arith.constant 8 : i32
    %xor3A_79 = vector.broadcast %xor3A_78 : i32 to vector<16xi32>
    %xor3A_80 = arith.xori %iota3A_77, %xor3A_79 : vector<16xi32>
    %lt3A_81 = arith.constant 0 : i32
    %lt3A_82 = vector.broadcast %lt3A_81 : i32 to vector<16xi32>
    %lt3A_83 = arith.cmpi slt, %xor3A_80, %lt3A_82 : vector<16xi32>
    %add3A_84 = arith.constant 16 : i32
    %add3A_85 = vector.broadcast %add3A_84 : i32 to vector<16xi32>
    %add3A_86 = arith.addi %xor3A_80, %add3A_85 : vector<16xi32>
    %select_n3A_87 = arith.select %lt3A_83, %add3A_86, %xor3A_80 : vector<16xi1>, vector<16xi32>
    %broadcast_in_dim3A_88 = vector.shape_cast %select_n3A_87 : vector<16xi32> to vector<16x1xi32>
    %gather3A_89 = vector.shape_cast %broadcast_in_dim3A_88 : vector<16x1xi32> to vector<16xi32>
    %gather3A_90 = tpu.dynamic_gather %scan3A_75[%gather3A_89] in [0] : vector<16xi32>, vector<16xi32> -> vector<16xi32>
    %add3A_91 = arith.addi %scan3A_75, %gather3A_90 : vector<16xi32>
    %xor3A_92 = arith.constant 4 : i32
    %xor3A_93 = vector.broadcast %xor3A_92 : i32 to vector<16xi32>
    %xor3A_94 = arith.xori %iota3A_77, %xor3A_93 : vector<16xi32>
    %lt3A_95 = arith.constant 0 : i32
    %lt3A_96 = vector.broadcast %lt3A_95 : i32 to vector<16xi32>
    %lt3A_97 = arith.cmpi slt, %xor3A_94, %lt3A_96 : vector<16xi32>
    %add3A_98 = arith.constant 16 : i32
    %add3A_99 = vector.broadcast %add3A_98 : i32 to vector<16xi32>
    %add3A_100 = arith.addi %xor3A_94, %add3A_99 : vector<16xi32>
    %select_n3A_101 = arith.select %lt3A_97, %add3A_100, %xor3A_94 : vector<16xi1>, vector<16xi32>
    %broadcast_in_dim3A_102 = vector.shape_cast %select_n3A_101 : vector<16xi32> to vector<16x1xi32>
    %gather3A_103 = vector.shape_cast %broadcast_in_dim3A_102 : vector<16x1xi32> to vector<16xi32>
    %gather3A_104 = tpu.dynamic_gather %add3A_91[%gather3A_103] in [0] : vector<16xi32>, vector<16xi32> -> vector<16xi32>
    %add3A_105 = arith.addi %add3A_91, %gather3A_104 : vector<16xi32>
    %xor3A_106 = arith.constant 2 : i32
    %xor3A_107 = vector.broadcast %xor3A_106 : i32 to vector<16xi32>
    %xor3A_108 = arith.xori %iota3A_77, %xor3A_107 : vector<16xi32>
    %lt3A_109 = arith.constant 0 : i32
    %lt3A_110 = vector.broadcast %lt3A_109 : i32 to vector<16xi32>
    %lt3A_111 = arith.cmpi slt, %xor3A_108, %lt3A_110 : vector<16xi32>
    %add3A_112 = arith.constant 16 : i32
    %add3A_113 = vector.broadcast %add3A_112 : i32 to vector<16xi32>
    %add3A_114 = arith.addi %xor3A_108, %add3A_113 : vector<16xi32>
    %select_n3A_115 = arith.select %lt3A_111, %add3A_114, %xor3A_108 : vector<16xi1>, vector<16xi32>
    %broadcast_in_dim3A_116 = vector.shape_cast %select_n3A_115 : vector<16xi32> to vector<16x1xi32>
    %gather3A_117 = vector.shape_cast %broadcast_in_dim3A_116 : vector<16x1xi32> to vector<16xi32>
    %gather3A_118 = tpu.dynamic_gather %add3A_105[%gather3A_117] in [0] : vector<16xi32>, vector<16xi32> -> vector<16xi32>
    %add3A_119 = arith.addi %add3A_105, %gather3A_118 : vector<16xi32>
    %xor3A_120 = arith.constant 1 : i32
    %xor3A_121 = vector.broadcast %xor3A_120 : i32 to vector<16xi32>
    %xor3A_122 = arith.xori %iota3A_77, %xor3A_121 : vector<16xi32>
    %lt3A_123 = arith.constant 0 : i32
    %lt3A_124 = vector.broadcast %lt3A_123 : i32 to vector<16xi32>
    %lt3A_125 = arith.cmpi slt, %xor3A_122, %lt3A_124 : vector<16xi32>
    %add3A_126 = arith.constant 16 : i32
    %add3A_127 = vector.broadcast %add3A_126 : i32 to vector<16xi32>
    %add3A_128 = arith.addi %xor3A_122, %add3A_127 : vector<16xi32>
    %select_n3A_129 = arith.select %lt3A_125, %add3A_128, %xor3A_122 : vector<16xi1>, vector<16xi32>
    %broadcast_in_dim3A_130 = vector.shape_cast %select_n3A_129 : vector<16xi32> to vector<16x1xi32>
    %gather3A_131 = vector.shape_cast %broadcast_in_dim3A_130 : vector<16x1xi32> to vector<16xi32>
    %gather3A_132 = tpu.dynamic_gather %add3A_119[%gather3A_131] in [0] : vector<16xi32>, vector<16xi32> -> vector<16xi32>
    %add3A_133 = arith.addi %add3A_119, %gather3A_132 : vector<16xi32>
    %gt3A = arith.constant 0 : i32
    %gt3A_134 = vector.broadcast %gt3A : i32 to vector<16xi32>
    %gt3A_135 = arith.cmpi sgt, %min3A_65, %gt3A_134 : vector<16xi32>
    %sub3A = arith.subi %min3A_65, %add3A_133 : vector<16xi32>
    %jit3A_136 = arith.constant 0 : i32
    %broadcast_in_dim3A_137 = vector.broadcast %jit3A_136 : i32 to vector<16xi32>
    %select_n3A_138 = arith.select %gt3A_135, %sub3A, %broadcast_in_dim3A_137 : vector<16xi1>, vector<16xi32>
    %gt3A_139 = arith.constant 0 : i32
    %gt3A_140 = vector.broadcast %gt3A_139 : i32 to vector<16xi32>
    %gt3A_141 = arith.cmpi sgt, %min3A_65, %gt3A_140 : vector<16xi32>
    %jit3A_142 = arith.constant 0x7F800000 : f32
    %broadcast_in_dim3A_143 = vector.broadcast %jit3A_142 : f32 to vector<16xf32>
    %select_n3A_144 = arith.select %gt3A_141, %bitcast_convert_type3A, %broadcast_in_dim3A_143 : vector<16xi1>, vector<16xf32>
    %broadcast_in_dim3A_145 = arith.constant 0.000000e+00 : f32
    %broadcast_in_dim3A_146 = vector.broadcast %broadcast_in_dim3A_145 : f32 to vector<16xf32>
    %scan3A_147 = arith.constant 0 : i32
    %scan3A_148 = arith.constant 1536 : i32
    %scan3A_149 = arith.addi %scan3A_147, %scan3A_148 : i32
    %scan3A_150 = arith.constant 1 : i32
    %scan3A_151:2 = scf.for %scan3A_156 = %scan3A_147 to %scan3A_149 step %scan3A_150 iter_args(%scan3A_157 = %broadcast_in_dim3A_1, %scan3A_158 = %broadcast_in_dim3A_146) -> (vector<16xi32>, vector<16xf32>)  : i32 {
      %mul3A_159 = arith.constant 16 : i32
      %mul3A_160 = arith.muli %scan3A_156, %mul3A_159 : i32
      %get3A_161 = arith.index_cast %mul3A_160 : i32 to index
      %get3A_162 = tpu.vector_load %arg6[%get3A_161] {strides = array<i32>} : memref<24576xf32, #tpu.memory_space<vmem>>, vector<16xf32>,
      %get3A_163 = vector.shape_cast %get3A_162 : vector<16xf32> to vector<16xf32>
      %mul3A_164 = arith.constant 16 : i32
      %mul3A_165 = arith.muli %scan3A_156, %mul3A_164 : i32
      %get3A_166 = arith.index_cast %mul3A_165 : i32 to index
      %get3A_167 = tpu.vector_load %arg7[%get3A_166] {strides = array<i32>} : memref<24576xf32, #tpu.memory_space<vmem>>, vector<16xf32>,
      %get3A_168 = vector.shape_cast %get3A_167 : vector<16xf32> to vector<16xf32>
      %eq3A_169 = arith.cmpf oeq, %get3A_163, %select_n3A_144 : vector<16xf32>
      %jit3A_170 = arith.constant 1 : i32
      %jit3A_171 = arith.constant 0 : i32
      %broadcast_in_dim3A_172 = vector.broadcast %jit3A_170 : i32 to vector<16xi32>
      %broadcast_in_dim3A_173 = vector.broadcast %jit3A_171 : i32 to vector<16xi32>
      %select_n3A_174 = arith.select %eq3A_169, %broadcast_in_dim3A_172, %broadcast_in_dim3A_173 : vector<16xi1>, vector<16xi32>
      %iota3A_175 = tpu.iota {dimensions = array<i32: 0>} : vector<16xi32>
      %sub3A_176 = arith.constant 1 : i32
      %sub3A_177 = vector.broadcast %sub3A_176 : i32 to vector<16xi32>
      %sub3A_178 = arith.subi %iota3A_175, %sub3A_177 : vector<16xi32>
      %max3A = arith.constant 0 : i32
      %max3A_179 = vector.broadcast %max3A : i32 to vector<16xi32>
      %max3A_180 = arith.maxsi %sub3A_178, %max3A_179 : vector<16xi32>
      %lt3A_181 = arith.constant 0 : i32
      %lt3A_182 = vector.broadcast %lt3A_181 : i32 to vector<16xi32>
      %lt3A_183 = arith.cmpi slt, %max3A_180, %lt3A_182 : vector<16xi32>
      %add3A_184 = arith.constant 16 : i32
      %add3A_185 = vector.broadcast %add3A_184 : i32 to vector<16xi32>
      %add3A_186 = arith.addi %max3A_180, %add3A_185 : vector<16xi32>
      %select_n3A_187 = arith.select %lt3A_183, %add3A_186, %max3A_180 : vector<16xi1>, vector<16xi32>
      %broadcast_in_dim3A_188 = vector.shape_cast %select_n3A_187 : vector<16xi32> to vector<16x1xi32>
      %gather3A_189 = vector.shape_cast %broadcast_in_dim3A_188 : vector<16x1xi32> to vector<16xi32>
      %gather3A_190 = tpu.dynamic_gather %select_n3A_174[%gather3A_189] in [0] : vector<16xi32>, vector<16xi32> -> vector<16xi32>
      %ge3A = arith.constant 1 : i32
      %ge3A_191 = vector.broadcast %ge3A : i32 to vector<16xi32>
      %ge3A_192 = arith.cmpi sge, %iota3A_175, %ge3A_191 : vector<16xi32>
      %jit3A_193 = arith.constant 0 : i32
      %broadcast_in_dim3A_194 = vector.broadcast %jit3A_193 : i32 to vector<16xi32>
      %select_n3A_195 = arith.select %ge3A_192, %gather3A_190, %broadcast_in_dim3A_194 : vector<16xi1>, vector<16xi32>
      %add3A_196 = arith.addi %select_n3A_174, %select_n3A_195 : vector<16xi32>
      %sub3A_197 = arith.constant 2 : i32
      %sub3A_198 = vector.broadcast %sub3A_197 : i32 to vector<16xi32>
      %sub3A_199 = arith.subi %iota3A_175, %sub3A_198 : vector<16xi32>
      %max3A_200 = arith.constant 0 : i32
      %max3A_201 = vector.broadcast %max3A_200 : i32 to vector<16xi32>
      %max3A_202 = arith.maxsi %sub3A_199, %max3A_201 : vector<16xi32>
      %lt3A_203 = arith.constant 0 : i32
      %lt3A_204 = vector.broadcast %lt3A_203 : i32 to vector<16xi32>
      %lt3A_205 = arith.cmpi slt, %max3A_202, %lt3A_204 : vector<16xi32>
      %add3A_206 = arith.constant 16 : i32
      %add3A_207 = vector.broadcast %add3A_206 : i32 to vector<16xi32>
      %add3A_208 = arith.addi %max3A_202, %add3A_207 : vector<16xi32>
      %select_n3A_209 = arith.select %lt3A_205, %add3A_208, %max3A_202 : vector<16xi1>, vector<16xi32>
      %broadcast_in_dim3A_210 = vector.shape_cast %select_n3A_209 : vector<16xi32> to vector<16x1xi32>
      %gather3A_211 = vector.shape_cast %broadcast_in_dim3A_210 : vector<16x1xi32> to vector<16xi32>
      %gather3A_212 = tpu.dynamic_gather %add3A_196[%gather3A_211] in [0] : vector<16xi32>, vector<16xi32> -> vector<16xi32>
      %ge3A_213 = arith.constant 2 : i32
      %ge3A_214 = vector.broadcast %ge3A_213 : i32 to vector<16xi32>
      %ge3A_215 = arith.cmpi sge, %iota3A_175, %ge3A_214 : vector<16xi32>
      %jit3A_216 = arith.constant 0 : i32
      %broadcast_in_dim3A_217 = vector.broadcast %jit3A_216 : i32 to vector<16xi32>
      %select_n3A_218 = arith.select %ge3A_215, %gather3A_212, %broadcast_in_dim3A_217 : vector<16xi1>, vector<16xi32>
      %add3A_219 = arith.addi %add3A_196, %select_n3A_218 : vector<16xi32>
      %sub3A_220 = arith.constant 4 : i32
      %sub3A_221 = vector.broadcast %sub3A_220 : i32 to vector<16xi32>
      %sub3A_222 = arith.subi %iota3A_175, %sub3A_221 : vector<16xi32>
      %max3A_223 = arith.constant 0 : i32
      %max3A_224 = vector.broadcast %max3A_223 : i32 to vector<16xi32>
      %max3A_225 = arith.maxsi %sub3A_222, %max3A_224 : vector<16xi32>
      %lt3A_226 = arith.constant 0 : i32
      %lt3A_227 = vector.broadcast %lt3A_226 : i32 to vector<16xi32>
      %lt3A_228 = arith.cmpi slt, %max3A_225, %lt3A_227 : vector<16xi32>
      %add3A_229 = arith.constant 16 : i32
      %add3A_230 = vector.broadcast %add3A_229 : i32 to vector<16xi32>
      %add3A_231 = arith.addi %max3A_225, %add3A_230 : vector<16xi32>
      %select_n3A_232 = arith.select %lt3A_228, %add3A_231, %max3A_225 : vector<16xi1>, vector<16xi32>
      %broadcast_in_dim3A_233 = vector.shape_cast %select_n3A_232 : vector<16xi32> to vector<16x1xi32>
      %gather3A_234 = vector.shape_cast %broadcast_in_dim3A_233 : vector<16x1xi32> to vector<16xi32>
      %gather3A_235 = tpu.dynamic_gather %add3A_219[%gather3A_234] in [0] : vector<16xi32>, vector<16xi32> -> vector<16xi32>
      %ge3A_236 = arith.constant 4 : i32
      %ge3A_237 = vector.broadcast %ge3A_236 : i32 to vector<16xi32>
      %ge3A_238 = arith.cmpi sge, %iota3A_175, %ge3A_237 : vector<16xi32>
      %jit3A_239 = arith.constant 0 : i32
      %broadcast_in_dim3A_240 = vector.broadcast %jit3A_239 : i32 to vector<16xi32>
      %select_n3A_241 = arith.select %ge3A_238, %gather3A_235, %broadcast_in_dim3A_240 : vector<16xi1>, vector<16xi32>
      %add3A_242 = arith.addi %add3A_219, %select_n3A_241 : vector<16xi32>
      %sub3A_243 = arith.constant 8 : i32
      %sub3A_244 = vector.broadcast %sub3A_243 : i32 to vector<16xi32>
      %sub3A_245 = arith.subi %iota3A_175, %sub3A_244 : vector<16xi32>
      %max3A_246 = arith.constant 0 : i32
      %max3A_247 = vector.broadcast %max3A_246 : i32 to vector<16xi32>
      %max3A_248 = arith.maxsi %sub3A_245, %max3A_247 : vector<16xi32>
      %lt3A_249 = arith.constant 0 : i32
      %lt3A_250 = vector.broadcast %lt3A_249 : i32 to vector<16xi32>
      %lt3A_251 = arith.cmpi slt, %max3A_248, %lt3A_250 : vector<16xi32>
      %add3A_252 = arith.constant 16 : i32
      %add3A_253 = vector.broadcast %add3A_252 : i32 to vector<16xi32>
      %add3A_254 = arith.addi %max3A_248, %add3A_253 : vector<16xi32>
      %select_n3A_255 = arith.select %lt3A_251, %add3A_254, %max3A_248 : vector<16xi1>, vector<16xi32>
      %broadcast_in_dim3A_256 = vector.shape_cast %select_n3A_255 : vector<16xi32> to vector<16x1xi32>
      %gather3A_257 = vector.shape_cast %broadcast_in_dim3A_256 : vector<16x1xi32> to vector<16xi32>
      %gather3A_258 = tpu.dynamic_gather %add3A_242[%gather3A_257] in [0] : vector<16xi32>, vector<16xi32> -> vector<16xi32>
      %ge3A_259 = arith.constant 8 : i32
      %ge3A_260 = vector.broadcast %ge3A_259 : i32 to vector<16xi32>
      %ge3A_261 = arith.cmpi sge, %iota3A_175, %ge3A_260 : vector<16xi32>
      %jit3A_262 = arith.constant 0 : i32
      %broadcast_in_dim3A_263 = vector.broadcast %jit3A_262 : i32 to vector<16xi32>
      %select_n3A_264 = arith.select %ge3A_261, %gather3A_258, %broadcast_in_dim3A_263 : vector<16xi1>, vector<16xi32>
      %add3A_265 = arith.addi %add3A_242, %select_n3A_264 : vector<16xi32>
      %add3A_266 = arith.addi %scan3A_157, %add3A_265 : vector<16xi32>
      %le3A = arith.cmpi sle, %add3A_266, %select_n3A_138 : vector<16xi32>
      %and3A = arith.andi %eq3A_169, %le3A : vector<16xi1>
      %eq3A_267 = arith.constant 0.000000e+00 : f32
      %eq3A_268 = vector.broadcast %eq3A_267 : f32 to vector<16xf32>
      %eq3A_269 = arith.cmpf oeq, %get3A_163, %eq3A_268 : vector<16xf32>
      %gt3A_270 = arith.cmpf ogt, %get3A_163, %select_n3A_144 : vector<16xf32>
      %or3A = arith.ori %eq3A_269, %gt3A_270 : vector<16xi1>
      %or3A_271 = arith.ori %or3A, %and3A : vector<16xi1>
      %jit3A_272 = arith.constant 0.000000e+00 : f32
      %broadcast_in_dim3A_273 = vector.broadcast %jit3A_272 : f32 to vector<16xf32>
      %select_n3A_274 = arith.select %or3A_271, %get3A_168, %broadcast_in_dim3A_273 : vector<16xi1>, vector<16xf32>
      %add3A_275 = arith.addf %scan3A_158, %select_n3A_274 : vector<16xf32>
      %iota3A_276 = tpu.iota {dimensions = array<i32: 0>} : vector<16xi32>
      %xor3A_277 = arith.constant 8 : i32
      %xor3A_278 = vector.broadcast %xor3A_277 : i32 to vector<16xi32>
      %xor3A_279 = arith.xori %iota3A_276, %xor3A_278 : vector<16xi32>
      %lt3A_280 = arith.constant 0 : i32
      %lt3A_281 = vector.broadcast %lt3A_280 : i32 to vector<16xi32>
      %lt3A_282 = arith.cmpi slt, %xor3A_279, %lt3A_281 : vector<16xi32>
      %add3A_283 = arith.constant 16 : i32
      %add3A_284 = vector.broadcast %add3A_283 : i32 to vector<16xi32>
      %add3A_285 = arith.addi %xor3A_279, %add3A_284 : vector<16xi32>
      %select_n3A_286 = arith.select %lt3A_282, %add3A_285, %xor3A_279 : vector<16xi1>, vector<16xi32>
      %broadcast_in_dim3A_287 = vector.shape_cast %select_n3A_286 : vector<16xi32> to vector<16x1xi32>
      %gather3A_288 = vector.shape_cast %broadcast_in_dim3A_287 : vector<16x1xi32> to vector<16xi32>
      %gather3A_289 = tpu.dynamic_gather %select_n3A_174[%gather3A_288] in [0] : vector<16xi32>, vector<16xi32> -> vector<16xi32>
      %add3A_290 = arith.addi %select_n3A_174, %gather3A_289 : vector<16xi32>
      %xor3A_291 = arith.constant 4 : i32
      %xor3A_292 = vector.broadcast %xor3A_291 : i32 to vector<16xi32>
      %xor3A_293 = arith.xori %iota3A_276, %xor3A_292 : vector<16xi32>
      %lt3A_294 = arith.constant 0 : i32
      %lt3A_295 = vector.broadcast %lt3A_294 : i32 to vector<16xi32>
      %lt3A_296 = arith.cmpi slt, %xor3A_293, %lt3A_295 : vector<16xi32>
      %add3A_297 = arith.constant 16 : i32
      %add3A_298 = vector.broadcast %add3A_297 : i32 to vector<16xi32>
      %add3A_299 = arith.addi %xor3A_293, %add3A_298 : vector<16xi32>
      %select_n3A_300 = arith.select %lt3A_296, %add3A_299, %xor3A_293 : vector<16xi1>, vector<16xi32>
      %broadcast_in_dim3A_301 = vector.shape_cast %select_n3A_300 : vector<16xi32> to vector<16x1xi32>
      %gather3A_302 = vector.shape_cast %broadcast_in_dim3A_301 : vector<16x1xi32> to vector<16xi32>
      %gather3A_303 = tpu.dynamic_gather %add3A_290[%gather3A_302] in [0] : vector<16xi32>, vector<16xi32> -> vector<16xi32>
      %add3A_304 = arith.addi %add3A_290, %gather3A_303 : vector<16xi32>
      %xor3A_305 = arith.constant 2 : i32
      %xor3A_306 = vector.broadcast %xor3A_305 : i32 to vector<16xi32>
      %xor3A_307 = arith.xori %iota3A_276, %xor3A_306 : vector<16xi32>
      %lt3A_308 = arith.constant 0 : i32
      %lt3A_309 = vector.broadcast %lt3A_308 : i32 to vector<16xi32>
      %lt3A_310 = arith.cmpi slt, %xor3A_307, %lt3A_309 : vector<16xi32>
      %add3A_311 = arith.constant 16 : i32
      %add3A_312 = vector.broadcast %add3A_311 : i32 to vector<16xi32>
      %add3A_313 = arith.addi %xor3A_307, %add3A_312 : vector<16xi32>
      %select_n3A_314 = arith.select %lt3A_310, %add3A_313, %xor3A_307 : vector<16xi1>, vector<16xi32>
      %broadcast_in_dim3A_315 = vector.shape_cast %select_n3A_314 : vector<16xi32> to vector<16x1xi32>
      %gather3A_316 = vector.shape_cast %broadcast_in_dim3A_315 : vector<16x1xi32> to vector<16xi32>
      %gather3A_317 = tpu.dynamic_gather %add3A_304[%gather3A_316] in [0] : vector<16xi32>, vector<16xi32> -> vector<16xi32>
      %add3A_318 = arith.addi %add3A_304, %gather3A_317 : vector<16xi32>
      %xor3A_319 = arith.constant 1 : i32
      %xor3A_320 = vector.broadcast %xor3A_319 : i32 to vector<16xi32>
      %xor3A_321 = arith.xori %iota3A_276, %xor3A_320 : vector<16xi32>
      %lt3A_322 = arith.constant 0 : i32
      %lt3A_323 = vector.broadcast %lt3A_322 : i32 to vector<16xi32>
      %lt3A_324 = arith.cmpi slt, %xor3A_321, %lt3A_323 : vector<16xi32>
      %add3A_325 = arith.constant 16 : i32
      %add3A_326 = vector.broadcast %add3A_325 : i32 to vector<16xi32>
      %add3A_327 = arith.addi %xor3A_321, %add3A_326 : vector<16xi32>
      %select_n3A_328 = arith.select %lt3A_324, %add3A_327, %xor3A_321 : vector<16xi1>, vector<16xi32>
      %broadcast_in_dim3A_329 = vector.shape_cast %select_n3A_328 : vector<16xi32> to vector<16x1xi32>
      %gather3A_330 = vector.shape_cast %broadcast_in_dim3A_329 : vector<16x1xi32> to vector<16xi32>
      %gather3A_331 = tpu.dynamic_gather %add3A_318[%gather3A_330] in [0] : vector<16xi32>, vector<16xi32> -> vector<16xi32>
      %add3A_332 = arith.addi %add3A_318, %gather3A_331 : vector<16xi32>
      %add3A_333 = arith.addi %scan3A_157, %add3A_332 : vector<16xi32>
      scf.yield %add3A_333, %add3A_275 : vector<16xi32>, vector<16xf32>
    }
    %scan3A_152 = arith.constant 1536 : i32
    %swap3A = arith.constant 0 : index
    %swap3A_153 = tpu.vector_load %arg9[%swap3A] {strides = array<i32>} : memref<16xf32, #tpu.memory_space<vmem>>, vector<16xf32>,
    %swap3A_154 = vector.shape_cast %swap3A_153 : vector<16xf32> to vector<16xf32>
    %swap3A_155 = vector.shape_cast %scan3A_151#1 : vector<16xf32> to vector<16xf32>
    tpu.vector_store %arg9[%swap3A], %swap3A_155 {strides = array<i32>} : memref<16xf32, #tpu.memory_space<vmem>>, vector<16xf32>,
    "tpu.region"() ({
      %run_scoped3A = tpu.sem_alloc : memref<!tpu.dma_semaphore, #tpu.memory_space<semaphore_mem>>
      %dma_start3A = arith.constant 0 : i32
      %dma_start3A_156 = tpu.memref_slice %arg5[%add3A, %dma_start3A] : memref<32x16xf32, #tpu.memory_space<hbm>> -> memref<1x16xf32, #tpu.memory_space<hbm>>
      %dma_start3A_157 = tpu.memref_squeeze %dma_start3A_156 : memref<1x16xf32, #tpu.memory_space<hbm>> -> memref<16xf32, #tpu.memory_space<hbm>>
      %dma_start3A_158 = arith.constant 0 : i32
      %dma_start3A_159 = tpu.memref_slice %arg5[%add3A, %dma_start3A_158] : memref<32x16xf32, #tpu.memory_space<hbm>> -> memref<1x16xf32, #tpu.memory_space<hbm>>
      %dma_start3A_160 = tpu.memref_squeeze %dma_start3A_159 : memref<1x16xf32, #tpu.memory_space<hbm>> -> memref<16xf32, #tpu.memory_space<hbm>>
      tpu.enqueue_dma source(%arg9 : memref<16xf32, #tpu.memory_space<vmem>>) target(%dma_start3A_160 : memref<16xf32, #tpu.memory_space<hbm>>) target_semaphore(%run_scoped3A : memref<!tpu.dma_semaphore, #tpu.memory_space<semaphore_mem>>)
      %dma_wait3A = arith.constant 0 : i32
      %dma_wait3A_161 = tpu.memref_slice %arg5[%add3A, %dma_wait3A] : memref<32x16xf32, #tpu.memory_space<hbm>> -> memref<1x16xf32, #tpu.memory_space<hbm>>
      %dma_wait3A_162 = tpu.memref_squeeze %dma_wait3A_161 : memref<1x16xf32, #tpu.memory_space<hbm>> -> memref<16xf32, #tpu.memory_space<hbm>>
      %dma_wait3A_163 = arith.constant 0 : i32
      %dma_wait3A_164 = tpu.memref_slice %arg5[%add3A, %dma_wait3A_163] : memref<32x16xf32, #tpu.memory_space<hbm>> -> memref<1x16xf32, #tpu.memory_space<hbm>>
      %dma_wait3A_165 = tpu.memref_squeeze %dma_wait3A_164 : memref<1x16xf32, #tpu.memory_space<hbm>> -> memref<16xf32, #tpu.memory_space<hbm>>
      tpu.wait_dma2 semaphore(%run_scoped3A : memref<!tpu.dma_semaphore, #tpu.memory_space<semaphore_mem>>) src(%arg9 : memref<16xf32, #tpu.memory_space<vmem>>) dst(%dma_wait3A_165 : memref<16xf32, #tpu.memory_space<hbm>>)
      tpu.yield
    }) : () -> ()
    return
  }
}

module attributes {stable_mosaic.version = 14 : i64} {
  func.func @_match_kernel(%arg0: i32, %arg1: memref<4x96x256xf32, #tpu.memory_space<vmem>>, %arg2: memref<1x20x5xf32, #tpu.memory_space<vmem>>, %arg3: memref<1x96x256xf32, #tpu.memory_space<vmem>>, %arg4: memref<1x96x256xi32, #tpu.memory_space<vmem>>, %arg5: memref<1x1x32xi32, #tpu.memory_space<vmem>>) attributes {dimension_semantics = [#tpu.dimension_semantics<arbitrary>], iteration_bounds = array<i64: 32>, scalar_prefetch = 0 : i64, scratch_operands = 0 : i64, tpu.core_type = #tpu.core_type<tc>, window_params = [{pipeline_mode = #tpu.pipeline_mode<synchronous>, transform_indices = @transform_0, window_bounds = array<i64: 4, 96, 256>}, {transform_indices = @transform_1, window_bounds = array<i64: 1, 20, 5>}, {transform_indices = @transform_2, window_bounds = array<i64: 1, 96, 256>}, {transform_indices = @transform_3, window_bounds = array<i64: 1, 96, 256>}, {transform_indices = @transform_4, window_bounds = array<i64: 1, 1, 32>}]} {
    %get3A = arith.constant 0 : index
    %get3A_0 = arith.constant 0 : index
    %get3A_1 = arith.constant 0 : index
    %get3A_2 = vector.load %arg1[%get3A, %get3A_0, %get3A_1] : memref<4x96x256xf32, #tpu.memory_space<vmem>>, vector<4x96x256xf32>
    %slice3A = vector.extract_strided_slice %get3A_2 {offsets = [0, 0, 0], sizes = [1, 96, 256], strides = [1, 1, 1]} : vector<4x96x256xf32> to vector<1x96x256xf32>
    %squeeze3A = vector.shape_cast %slice3A : vector<1x96x256xf32> to vector<96x256xf32>
    %slice3A_3 = vector.extract_strided_slice %get3A_2 {offsets = [1, 0, 0], sizes = [1, 96, 256], strides = [1, 1, 1]} : vector<4x96x256xf32> to vector<1x96x256xf32>
    %squeeze3A_4 = vector.shape_cast %slice3A_3 : vector<1x96x256xf32> to vector<96x256xf32>
    %slice3A_5 = vector.extract_strided_slice %get3A_2 {offsets = [2, 0, 0], sizes = [1, 96, 256], strides = [1, 1, 1]} : vector<4x96x256xf32> to vector<1x96x256xf32>
    %squeeze3A_6 = vector.shape_cast %slice3A_5 : vector<1x96x256xf32> to vector<96x256xf32>
    %slice3A_7 = vector.extract_strided_slice %get3A_2 {offsets = [3, 0, 0], sizes = [1, 96, 256], strides = [1, 1, 1]} : vector<4x96x256xf32> to vector<1x96x256xf32>
    %squeeze3A_8 = vector.shape_cast %slice3A_7 : vector<1x96x256xf32> to vector<96x256xf32>
    %mul3A = arith.constant 5.000000e-01 : f32
    %mul3A_9 = vector.broadcast %mul3A : f32 to vector<96x256xf32>
    %mul3A_10 = arith.mulf %squeeze3A_6, %mul3A_9 : vector<96x256xf32>
    %sub3A = arith.subf %squeeze3A, %mul3A_10 : vector<96x256xf32>
    %mul3A_11 = arith.constant 5.000000e-01 : f32
    %mul3A_12 = vector.broadcast %mul3A_11 : f32 to vector<96x256xf32>
    %mul3A_13 = arith.mulf %squeeze3A_8, %mul3A_12 : vector<96x256xf32>
    %sub3A_14 = arith.subf %squeeze3A_4, %mul3A_13 : vector<96x256xf32>
    %mul3A_15 = arith.constant 5.000000e-01 : f32
    %mul3A_16 = vector.broadcast %mul3A_15 : f32 to vector<96x256xf32>
    %mul3A_17 = arith.mulf %squeeze3A_6, %mul3A_16 : vector<96x256xf32>
    %add3A = arith.addf %squeeze3A, %mul3A_17 : vector<96x256xf32>
    %mul3A_18 = arith.constant 5.000000e-01 : f32
    %mul3A_19 = vector.broadcast %mul3A_18 : f32 to vector<96x256xf32>
    %mul3A_20 = arith.mulf %squeeze3A_8, %mul3A_19 : vector<96x256xf32>
    %add3A_21 = arith.addf %squeeze3A_4, %mul3A_20 : vector<96x256xf32>
    %sub3A_22 = arith.subf %add3A, %sub3A : vector<96x256xf32>
    %sub3A_23 = arith.subf %add3A_21, %sub3A_14 : vector<96x256xf32>
    %mul3A_24 = arith.mulf %sub3A_22, %sub3A_23 : vector<96x256xf32>
    %iota3A = tpu.iota {dimensions = array<i32: 0>} : vector<96x256xi32>
    %iota3A_25 = tpu.iota {dimensions = array<i32: 1>} : vector<96x256xi32>
    %mul3A_26 = arith.constant 256 : i32
    %mul3A_27 = vector.broadcast %mul3A_26 : i32 to vector<96x256xi32>
    %mul3A_28 = arith.muli %iota3A, %mul3A_27 : vector<96x256xi32>
    %add3A_29 = arith.addi %mul3A_28, %iota3A_25 : vector<96x256xi32>
    %broadcast_in_dim3A = arith.constant -1.000000e+00 : f32
    %broadcast_in_dim3A_30 = vector.broadcast %broadcast_in_dim3A : f32 to vector<96x256xf32>
    %broadcast_in_dim3A_31 = arith.constant 0 : i32
    %broadcast_in_dim3A_32 = vector.broadcast %broadcast_in_dim3A_31 : i32 to vector<96x256xi32>
    %get3A_33 = arith.constant 0 : index
    %get3A_34 = arith.constant 0 : index
    %get3A_35 = arith.constant 0 : index
    %get3A_36 = vector.load %arg2[%get3A_33, %get3A_34, %get3A_35] : memref<1x20x5xf32, #tpu.memory_space<vmem>>, vector<1x1x1xf32>
    %get3A_37 = vector.extract %get3A_36[0, 0, 0] : f32 from vector<1x1x1xf32>
    %get3A_38 = arith.constant 0 : index
    %get3A_39 = arith.constant 0 : index
    %get3A_40 = arith.constant 1 : index
    %get3A_41 = vector.load %arg2[%get3A_38, %get3A_39, %get3A_40] : memref<1x20x5xf32, #tpu.memory_space<vmem>>, vector<1x1x1xf32>
    %get3A_42 = vector.extract %get3A_41[0, 0, 0] : f32 from vector<1x1x1xf32>
    %get3A_43 = arith.constant 0 : index
    %get3A_44 = arith.constant 0 : index
    %get3A_45 = arith.constant 2 : index
    %get3A_46 = vector.load %arg2[%get3A_43, %get3A_44, %get3A_45] : memref<1x20x5xf32, #tpu.memory_space<vmem>>, vector<1x1x1xf32>
    %get3A_47 = vector.extract %get3A_46[0, 0, 0] : f32 from vector<1x1x1xf32>
    %get3A_48 = arith.constant 0 : index
    %get3A_49 = arith.constant 0 : index
    %get3A_50 = arith.constant 3 : index
    %get3A_51 = vector.load %arg2[%get3A_48, %get3A_49, %get3A_50] : memref<1x20x5xf32, #tpu.memory_space<vmem>>, vector<1x1x1xf32>
    %get3A_52 = vector.extract %get3A_51[0, 0, 0] : f32 from vector<1x1x1xf32>
    %sub3A_53 = arith.subf %get3A_47, %get3A_37 : f32
    %sub3A_54 = arith.subf %get3A_52, %get3A_42 : f32
    %mul3A_55 = arith.mulf %sub3A_53, %sub3A_54 : f32
    %min3A = vector.broadcast %get3A_47 : f32 to vector<96x256xf32>
    %min3A_56 = arith.minimumf %min3A, %add3A : vector<96x256xf32>
    %max3A = vector.broadcast %get3A_37 : f32 to vector<96x256xf32>
    %max3A_57 = arith.maximumf %max3A, %sub3A : vector<96x256xf32>
    %sub3A_58 = arith.subf %min3A_56, %max3A_57 : vector<96x256xf32>
    %max3A_59 = arith.constant 0.000000e+00 : f32
    %max3A_60 = vector.broadcast %max3A_59 : f32 to vector<96x256xf32>
    %max3A_61 = arith.maximumf %sub3A_58, %max3A_60 : vector<96x256xf32>
    %min3A_62 = vector.broadcast %get3A_52 : f32 to vector<96x256xf32>
    %min3A_63 = arith.minimumf %min3A_62, %add3A_21 : vector<96x256xf32>
    %max3A_64 = vector.broadcast %get3A_42 : f32 to vector<96x256xf32>
    %max3A_65 = arith.maximumf %max3A_64, %sub3A_14 : vector<96x256xf32>
    %sub3A_66 = arith.subf %min3A_63, %max3A_65 : vector<96x256xf32>
    %max3A_67 = arith.constant 0.000000e+00 : f32
    %max3A_68 = vector.broadcast %max3A_67 : f32 to vector<96x256xf32>
    %max3A_69 = arith.maximumf %sub3A_66, %max3A_68 : vector<96x256xf32>
    %mul3A_70 = arith.mulf %max3A_61, %max3A_69 : vector<96x256xf32>
    %add3A_71 = vector.broadcast %mul3A_55 : f32 to vector<96x256xf32>
    %add3A_72 = arith.addf %add3A_71, %mul3A_24 : vector<96x256xf32>
    %sub3A_73 = arith.subf %add3A_72, %mul3A_70 : vector<96x256xf32>
    %div3A = arith.divf %mul3A_70, %sub3A_73 : vector<96x256xf32>
    %gt3A = arith.cmpf ogt, %div3A, %broadcast_in_dim3A_30 : vector<96x256xf32>
    %select_n3A = arith.select %gt3A, %div3A, %broadcast_in_dim3A_30 : vector<96x256xi1>, vector<96x256xf32>
    %jit3A = arith.constant 0 : i32
    %broadcast_in_dim3A_74 = vector.broadcast %jit3A : i32 to vector<96x256xi32>
    %select_n3A_75 = arith.select %gt3A, %broadcast_in_dim3A_74, %broadcast_in_dim3A_32 : vector<96x256xi1>, vector<96x256xi32>
    %reduce_max3A = arith.constant dense<0xFF800000> : vector<256xf32>
    %reduce_max3A_76 = vector.multi_reduction <maximumf>, %div3A, %reduce_max3A [0] : vector<96x256xf32> to vector<256xf32>
    %broadcast_in_dim3A_77 = vector.shape_cast %reduce_max3A_76 : vector<256xf32> to vector<1x256xf32>
    %eq3A = vector.broadcast %broadcast_in_dim3A_77 : vector<1x256xf32> to vector<96x256xf32>
    %eq3A_78 = arith.cmpf oeq, %div3A, %eq3A : vector<96x256xf32>
    %jit3A_79 = arith.constant 24576 : i32
    %broadcast_in_dim3A_80 = vector.broadcast %jit3A_79 : i32 to vector<96x256xi32>
    %select_n3A_81 = arith.select %eq3A_78, %add3A_29, %broadcast_in_dim3A_80 : vector<96x256xi1>, vector<96x256xi32>
    %reduce_min3A = arith.constant dense<2147483647> : vector<256xi32>
    %reduce_min3A_82 = vector.multi_reduction <minsi>, %select_n3A_81, %reduce_min3A [0] : vector<96x256xi32> to vector<256xi32>
    %get3A_83 = arith.constant 0 : index
    %get3A_84 = arith.constant 1 : index
    %get3A_85 = arith.constant 0 : index
    %get3A_86 = vector.load %arg2[%get3A_83, %get3A_84, %get3A_85] : memref<1x20x5xf32, #tpu.memory_space<vmem>>, vector<1x1x1xf32>
    %get3A_87 = vector.extract %get3A_86[0, 0, 0] : f32 from vector<1x1x1xf32>
    %get3A_88 = arith.constant 0 : index
    %get3A_89 = arith.constant 1 : index
    %get3A_90 = arith.constant 1 : index
    %get3A_91 = vector.load %arg2[%get3A_88, %get3A_89, %get3A_90] : memref<1x20x5xf32, #tpu.memory_space<vmem>>, vector<1x1x1xf32>
    %get3A_92 = vector.extract %get3A_91[0, 0, 0] : f32 from vector<1x1x1xf32>
    %get3A_93 = arith.constant 0 : index
    %get3A_94 = arith.constant 1 : index
    %get3A_95 = arith.constant 2 : index
    %get3A_96 = vector.load %arg2[%get3A_93, %get3A_94, %get3A_95] : memref<1x20x5xf32, #tpu.memory_space<vmem>>, vector<1x1x1xf32>
    %get3A_97 = vector.extract %get3A_96[0, 0, 0] : f32 from vector<1x1x1xf32>
    %get3A_98 = arith.constant 0 : index
    %get3A_99 = arith.constant 1 : index
    %get3A_100 = arith.constant 3 : index
    %get3A_101 = vector.load %arg2[%get3A_98, %get3A_99, %get3A_100] : memref<1x20x5xf32, #tpu.memory_space<vmem>>, vector<1x1x1xf32>
    %get3A_102 = vector.extract %get3A_101[0, 0, 0] : f32 from vector<1x1x1xf32>
    %sub3A_103 = arith.subf %get3A_97, %get3A_87 : f32
    %sub3A_104 = arith.subf %get3A_102, %get3A_92 : f32
    %mul3A_105 = arith.mulf %sub3A_103, %sub3A_104 : f32
    %min3A_106 = vector.broadcast %get3A_97 : f32 to vector<96x256xf32>
    %min3A_107 = arith.minimumf %min3A_106, %add3A : vector<96x256xf32>
    %max3A_108 = vector.broadcast %get3A_87 : f32 to vector<96x256xf32>
    %max3A_109 = arith.maximumf %max3A_108, %sub3A : vector<96x256xf32>
    %sub3A_110 = arith.subf %min3A_107, %max3A_109 : vector<96x256xf32>
    %max3A_111 = arith.constant 0.000000e+00 : f32
    %max3A_112 = vector.broadcast %max3A_111 : f32 to vector<96x256xf32>
    %max3A_113 = arith.maximumf %sub3A_110, %max3A_112 : vector<96x256xf32>
    %min3A_114 = vector.broadcast %get3A_102 : f32 to vector<96x256xf32>
    %min3A_115 = arith.minimumf %min3A_114, %add3A_21 : vector<96x256xf32>
    %max3A_116 = vector.broadcast %get3A_92 : f32 to vector<96x256xf32>
    %max3A_117 = arith.maximumf %max3A_116, %sub3A_14 : vector<96x256xf32>
    %sub3A_118 = arith.subf %min3A_115, %max3A_117 : vector<96x256xf32>
    %max3A_119 = arith.constant 0.000000e+00 : f32
    %max3A_120 = vector.broadcast %max3A_119 : f32 to vector<96x256xf32>
    %max3A_121 = arith.maximumf %sub3A_118, %max3A_120 : vector<96x256xf32>
    %mul3A_122 = arith.mulf %max3A_113, %max3A_121 : vector<96x256xf32>
    %add3A_123 = vector.broadcast %mul3A_105 : f32 to vector<96x256xf32>
    %add3A_124 = arith.addf %add3A_123, %mul3A_24 : vector<96x256xf32>
    %sub3A_125 = arith.subf %add3A_124, %mul3A_122 : vector<96x256xf32>
    %div3A_126 = arith.divf %mul3A_122, %sub3A_125 : vector<96x256xf32>
    %gt3A_127 = arith.cmpf ogt, %div3A_126, %select_n3A : vector<96x256xf32>
    %select_n3A_128 = arith.select %gt3A_127, %div3A_126, %select_n3A : vector<96x256xi1>, vector<96x256xf32>
    %jit3A_129 = arith.constant 1 : i32
    %broadcast_in_dim3A_130 = vector.broadcast %jit3A_129 : i32 to vector<96x256xi32>
    %select_n3A_131 = arith.select %gt3A_127, %broadcast_in_dim3A_130, %select_n3A_75 : vector<96x256xi1>, vector<96x256xi32>
    %reduce_max3A_132 = arith.constant dense<0xFF800000> : vector<256xf32>
    %reduce_max3A_133 = vector.multi_reduction <maximumf>, %div3A_126, %reduce_max3A_132 [0] : vector<96x256xf32> to vector<256xf32>
    %broadcast_in_dim3A_134 = vector.shape_cast %reduce_max3A_133 : vector<256xf32> to vector<1x256xf32>
    %eq3A_135 = vector.broadcast %broadcast_in_dim3A_134 : vector<1x256xf32> to vector<96x256xf32>
    %eq3A_136 = arith.cmpf oeq, %div3A_126, %eq3A_135 : vector<96x256xf32>
    %jit3A_137 = arith.constant 24576 : i32
    %broadcast_in_dim3A_138 = vector.broadcast %jit3A_137 : i32 to vector<96x256xi32>
    %select_n3A_139 = arith.select %eq3A_136, %add3A_29, %broadcast_in_dim3A_138 : vector<96x256xi1>, vector<96x256xi32>
    %reduce_min3A_140 = arith.constant dense<2147483647> : vector<256xi32>
    %reduce_min3A_141 = vector.multi_reduction <minsi>, %select_n3A_139, %reduce_min3A_140 [0] : vector<96x256xi32> to vector<256xi32>
    %get3A_142 = arith.constant 0 : index
    %get3A_143 = arith.constant 2 : index
    %get3A_144 = arith.constant 0 : index
    %get3A_145 = vector.load %arg2[%get3A_142, %get3A_143, %get3A_144] : memref<1x20x5xf32, #tpu.memory_space<vmem>>, vector<1x1x1xf32>
    %get3A_146 = vector.extract %get3A_145[0, 0, 0] : f32 from vector<1x1x1xf32>
    %get3A_147 = arith.constant 0 : index
    %get3A_148 = arith.constant 2 : index
    %get3A_149 = arith.constant 1 : index
    %get3A_150 = vector.load %arg2[%get3A_147, %get3A_148, %get3A_149] : memref<1x20x5xf32, #tpu.memory_space<vmem>>, vector<1x1x1xf32>
    %get3A_151 = vector.extract %get3A_150[0, 0, 0] : f32 from vector<1x1x1xf32>
    %get3A_152 = arith.constant 0 : index
    %get3A_153 = arith.constant 2 : index
    %get3A_154 = arith.constant 2 : index
    %get3A_155 = vector.load %arg2[%get3A_152, %get3A_153, %get3A_154] : memref<1x20x5xf32, #tpu.memory_space<vmem>>, vector<1x1x1xf32>
    %get3A_156 = vector.extract %get3A_155[0, 0, 0] : f32 from vector<1x1x1xf32>
    %get3A_157 = arith.constant 0 : index
    %get3A_158 = arith.constant 2 : index
    %get3A_159 = arith.constant 3 : index
    %get3A_160 = vector.load %arg2[%get3A_157, %get3A_158, %get3A_159] : memref<1x20x5xf32, #tpu.memory_space<vmem>>, vector<1x1x1xf32>
    %get3A_161 = vector.extract %get3A_160[0, 0, 0] : f32 from vector<1x1x1xf32>
    %sub3A_162 = arith.subf %get3A_156, %get3A_146 : f32
    %sub3A_163 = arith.subf %get3A_161, %get3A_151 : f32
    %mul3A_164 = arith.mulf %sub3A_162, %sub3A_163 : f32
    %min3A_165 = vector.broadcast %get3A_156 : f32 to vector<96x256xf32>
    %min3A_166 = arith.minimumf %min3A_165, %add3A : vector<96x256xf32>
    %max3A_167 = vector.broadcast %get3A_146 : f32 to vector<96x256xf32>
    %max3A_168 = arith.maximumf %max3A_167, %sub3A : vector<96x256xf32>
    %sub3A_169 = arith.subf %min3A_166, %max3A_168 : vector<96x256xf32>
    %max3A_170 = arith.constant 0.000000e+00 : f32
    %max3A_171 = vector.broadcast %max3A_170 : f32 to vector<96x256xf32>
    %max3A_172 = arith.maximumf %sub3A_169, %max3A_171 : vector<96x256xf32>
    %min3A_173 = vector.broadcast %get3A_161 : f32 to vector<96x256xf32>
    %min3A_174 = arith.minimumf %min3A_173, %add3A_21 : vector<96x256xf32>
    %max3A_175 = vector.broadcast %get3A_151 : f32 to vector<96x256xf32>
    %max3A_176 = arith.maximumf %max3A_175, %sub3A_14 : vector<96x256xf32>
    %sub3A_177 = arith.subf %min3A_174, %max3A_176 : vector<96x256xf32>
    %max3A_178 = arith.constant 0.000000e+00 : f32
    %max3A_179 = vector.broadcast %max3A_178 : f32 to vector<96x256xf32>
    %max3A_180 = arith.maximumf %sub3A_177, %max3A_179 : vector<96x256xf32>
    %mul3A_181 = arith.mulf %max3A_172, %max3A_180 : vector<96x256xf32>
    %add3A_182 = vector.broadcast %mul3A_164 : f32 to vector<96x256xf32>
    %add3A_183 = arith.addf %add3A_182, %mul3A_24 : vector<96x256xf32>
    %sub3A_184 = arith.subf %add3A_183, %mul3A_181 : vector<96x256xf32>
    %div3A_185 = arith.divf %mul3A_181, %sub3A_184 : vector<96x256xf32>
    %gt3A_186 = arith.cmpf ogt, %div3A_185, %select_n3A_128 : vector<96x256xf32>
    %select_n3A_187 = arith.select %gt3A_186, %div3A_185, %select_n3A_128 : vector<96x256xi1>, vector<96x256xf32>
    %jit3A_188 = arith.constant 2 : i32
    %broadcast_in_dim3A_189 = vector.broadcast %jit3A_188 : i32 to vector<96x256xi32>
    %select_n3A_190 = arith.select %gt3A_186, %broadcast_in_dim3A_189, %select_n3A_131 : vector<96x256xi1>, vector<96x256xi32>
    %reduce_max3A_191 = arith.constant dense<0xFF800000> : vector<256xf32>
    %reduce_max3A_192 = vector.multi_reduction <maximumf>, %div3A_185, %reduce_max3A_191 [0] : vector<96x256xf32> to vector<256xf32>
    %broadcast_in_dim3A_193 = vector.shape_cast %reduce_max3A_192 : vector<256xf32> to vector<1x256xf32>
    %eq3A_194 = vector.broadcast %broadcast_in_dim3A_193 : vector<1x256xf32> to vector<96x256xf32>
    %eq3A_195 = arith.cmpf oeq, %div3A_185, %eq3A_194 : vector<96x256xf32>
    %jit3A_196 = arith.constant 24576 : i32
    %broadcast_in_dim3A_197 = vector.broadcast %jit3A_196 : i32 to vector<96x256xi32>
    %select_n3A_198 = arith.select %eq3A_195, %add3A_29, %broadcast_in_dim3A_197 : vector<96x256xi1>, vector<96x256xi32>
    %reduce_min3A_199 = arith.constant dense<2147483647> : vector<256xi32>
    %reduce_min3A_200 = vector.multi_reduction <minsi>, %select_n3A_198, %reduce_min3A_199 [0] : vector<96x256xi32> to vector<256xi32>
    %get3A_201 = arith.constant 0 : index
    %get3A_202 = arith.constant 3 : index
    %get3A_203 = arith.constant 0 : index
    %get3A_204 = vector.load %arg2[%get3A_201, %get3A_202, %get3A_203] : memref<1x20x5xf32, #tpu.memory_space<vmem>>, vector<1x1x1xf32>
    %get3A_205 = vector.extract %get3A_204[0, 0, 0] : f32 from vector<1x1x1xf32>
    %get3A_206 = arith.constant 0 : index
    %get3A_207 = arith.constant 3 : index
    %get3A_208 = arith.constant 1 : index
    %get3A_209 = vector.load %arg2[%get3A_206, %get3A_207, %get3A_208] : memref<1x20x5xf32, #tpu.memory_space<vmem>>, vector<1x1x1xf32>
    %get3A_210 = vector.extract %get3A_209[0, 0, 0] : f32 from vector<1x1x1xf32>
    %get3A_211 = arith.constant 0 : index
    %get3A_212 = arith.constant 3 : index
    %get3A_213 = arith.constant 2 : index
    %get3A_214 = vector.load %arg2[%get3A_211, %get3A_212, %get3A_213] : memref<1x20x5xf32, #tpu.memory_space<vmem>>, vector<1x1x1xf32>
    %get3A_215 = vector.extract %get3A_214[0, 0, 0] : f32 from vector<1x1x1xf32>
    %get3A_216 = arith.constant 0 : index
    %get3A_217 = arith.constant 3 : index
    %get3A_218 = arith.constant 3 : index
    %get3A_219 = vector.load %arg2[%get3A_216, %get3A_217, %get3A_218] : memref<1x20x5xf32, #tpu.memory_space<vmem>>, vector<1x1x1xf32>
    %get3A_220 = vector.extract %get3A_219[0, 0, 0] : f32 from vector<1x1x1xf32>
    %sub3A_221 = arith.subf %get3A_215, %get3A_205 : f32
    %sub3A_222 = arith.subf %get3A_220, %get3A_210 : f32
    %mul3A_223 = arith.mulf %sub3A_221, %sub3A_222 : f32
    %min3A_224 = vector.broadcast %get3A_215 : f32 to vector<96x256xf32>
    %min3A_225 = arith.minimumf %min3A_224, %add3A : vector<96x256xf32>
    %max3A_226 = vector.broadcast %get3A_205 : f32 to vector<96x256xf32>
    %max3A_227 = arith.maximumf %max3A_226, %sub3A : vector<96x256xf32>
    %sub3A_228 = arith.subf %min3A_225, %max3A_227 : vector<96x256xf32>
    %max3A_229 = arith.constant 0.000000e+00 : f32
    %max3A_230 = vector.broadcast %max3A_229 : f32 to vector<96x256xf32>
    %max3A_231 = arith.maximumf %sub3A_228, %max3A_230 : vector<96x256xf32>
    %min3A_232 = vector.broadcast %get3A_220 : f32 to vector<96x256xf32>
    %min3A_233 = arith.minimumf %min3A_232, %add3A_21 : vector<96x256xf32>
    %max3A_234 = vector.broadcast %get3A_210 : f32 to vector<96x256xf32>
    %max3A_235 = arith.maximumf %max3A_234, %sub3A_14 : vector<96x256xf32>
    %sub3A_236 = arith.subf %min3A_233, %max3A_235 : vector<96x256xf32>
    %max3A_237 = arith.constant 0.000000e+00 : f32
    %max3A_238 = vector.broadcast %max3A_237 : f32 to vector<96x256xf32>
    %max3A_239 = arith.maximumf %sub3A_236, %max3A_238 : vector<96x256xf32>
    %mul3A_240 = arith.mulf %max3A_231, %max3A_239 : vector<96x256xf32>
    %add3A_241 = vector.broadcast %mul3A_223 : f32 to vector<96x256xf32>
    %add3A_242 = arith.addf %add3A_241, %mul3A_24 : vector<96x256xf32>
    %sub3A_243 = arith.subf %add3A_242, %mul3A_240 : vector<96x256xf32>
    %div3A_244 = arith.divf %mul3A_240, %sub3A_243 : vector<96x256xf32>
    %gt3A_245 = arith.cmpf ogt, %div3A_244, %select_n3A_187 : vector<96x256xf32>
    %select_n3A_246 = arith.select %gt3A_245, %div3A_244, %select_n3A_187 : vector<96x256xi1>, vector<96x256xf32>
    %jit3A_247 = arith.constant 3 : i32
    %broadcast_in_dim3A_248 = vector.broadcast %jit3A_247 : i32 to vector<96x256xi32>
    %select_n3A_249 = arith.select %gt3A_245, %broadcast_in_dim3A_248, %select_n3A_190 : vector<96x256xi1>, vector<96x256xi32>
    %reduce_max3A_250 = arith.constant dense<0xFF800000> : vector<256xf32>
    %reduce_max3A_251 = vector.multi_reduction <maximumf>, %div3A_244, %reduce_max3A_250 [0] : vector<96x256xf32> to vector<256xf32>
    %broadcast_in_dim3A_252 = vector.shape_cast %reduce_max3A_251 : vector<256xf32> to vector<1x256xf32>
    %eq3A_253 = vector.broadcast %broadcast_in_dim3A_252 : vector<1x256xf32> to vector<96x256xf32>
    %eq3A_254 = arith.cmpf oeq, %div3A_244, %eq3A_253 : vector<96x256xf32>
    %jit3A_255 = arith.constant 24576 : i32
    %broadcast_in_dim3A_256 = vector.broadcast %jit3A_255 : i32 to vector<96x256xi32>
    %select_n3A_257 = arith.select %eq3A_254, %add3A_29, %broadcast_in_dim3A_256 : vector<96x256xi1>, vector<96x256xi32>
    %reduce_min3A_258 = arith.constant dense<2147483647> : vector<256xi32>
    %reduce_min3A_259 = vector.multi_reduction <minsi>, %select_n3A_257, %reduce_min3A_258 [0] : vector<96x256xi32> to vector<256xi32>
    %get3A_260 = arith.constant 0 : index
    %get3A_261 = arith.constant 4 : index
    %get3A_262 = arith.constant 0 : index
    %get3A_263 = vector.load %arg2[%get3A_260, %get3A_261, %get3A_262] : memref<1x20x5xf32, #tpu.memory_space<vmem>>, vector<1x1x1xf32>
    %get3A_264 = vector.extract %get3A_263[0, 0, 0] : f32 from vector<1x1x1xf32>
    %get3A_265 = arith.constant 0 : index
    %get3A_266 = arith.constant 4 : index
    %get3A_267 = arith.constant 1 : index
    %get3A_268 = vector.load %arg2[%get3A_265, %get3A_266, %get3A_267] : memref<1x20x5xf32, #tpu.memory_space<vmem>>, vector<1x1x1xf32>
    %get3A_269 = vector.extract %get3A_268[0, 0, 0] : f32 from vector<1x1x1xf32>
    %get3A_270 = arith.constant 0 : index
    %get3A_271 = arith.constant 4 : index
    %get3A_272 = arith.constant 2 : index
    %get3A_273 = vector.load %arg2[%get3A_270, %get3A_271, %get3A_272] : memref<1x20x5xf32, #tpu.memory_space<vmem>>, vector<1x1x1xf32>
    %get3A_274 = vector.extract %get3A_273[0, 0, 0] : f32 from vector<1x1x1xf32>
    %get3A_275 = arith.constant 0 : index
    %get3A_276 = arith.constant 4 : index
    %get3A_277 = arith.constant 3 : index
    %get3A_278 = vector.load %arg2[%get3A_275, %get3A_276, %get3A_277] : memref<1x20x5xf32, #tpu.memory_space<vmem>>, vector<1x1x1xf32>
    %get3A_279 = vector.extract %get3A_278[0, 0, 0] : f32 from vector<1x1x1xf32>
    %sub3A_280 = arith.subf %get3A_274, %get3A_264 : f32
    %sub3A_281 = arith.subf %get3A_279, %get3A_269 : f32
    %mul3A_282 = arith.mulf %sub3A_280, %sub3A_281 : f32
    %min3A_283 = vector.broadcast %get3A_274 : f32 to vector<96x256xf32>
    %min3A_284 = arith.minimumf %min3A_283, %add3A : vector<96x256xf32>
    %max3A_285 = vector.broadcast %get3A_264 : f32 to vector<96x256xf32>
    %max3A_286 = arith.maximumf %max3A_285, %sub3A : vector<96x256xf32>
    %sub3A_287 = arith.subf %min3A_284, %max3A_286 : vector<96x256xf32>
    %max3A_288 = arith.constant 0.000000e+00 : f32
    %max3A_289 = vector.broadcast %max3A_288 : f32 to vector<96x256xf32>
    %max3A_290 = arith.maximumf %sub3A_287, %max3A_289 : vector<96x256xf32>
    %min3A_291 = vector.broadcast %get3A_279 : f32 to vector<96x256xf32>
    %min3A_292 = arith.minimumf %min3A_291, %add3A_21 : vector<96x256xf32>
    %max3A_293 = vector.broadcast %get3A_269 : f32 to vector<96x256xf32>
    %max3A_294 = arith.maximumf %max3A_293, %sub3A_14 : vector<96x256xf32>
    %sub3A_295 = arith.subf %min3A_292, %max3A_294 : vector<96x256xf32>
    %max3A_296 = arith.constant 0.000000e+00 : f32
    %max3A_297 = vector.broadcast %max3A_296 : f32 to vector<96x256xf32>
    %max3A_298 = arith.maximumf %sub3A_295, %max3A_297 : vector<96x256xf32>
    %mul3A_299 = arith.mulf %max3A_290, %max3A_298 : vector<96x256xf32>
    %add3A_300 = vector.broadcast %mul3A_282 : f32 to vector<96x256xf32>
    %add3A_301 = arith.addf %add3A_300, %mul3A_24 : vector<96x256xf32>
    %sub3A_302 = arith.subf %add3A_301, %mul3A_299 : vector<96x256xf32>
    %div3A_303 = arith.divf %mul3A_299, %sub3A_302 : vector<96x256xf32>
    %gt3A_304 = arith.cmpf ogt, %div3A_303, %select_n3A_246 : vector<96x256xf32>
    %select_n3A_305 = arith.select %gt3A_304, %div3A_303, %select_n3A_246 : vector<96x256xi1>, vector<96x256xf32>
    %jit3A_306 = arith.constant 4 : i32
    %broadcast_in_dim3A_307 = vector.broadcast %jit3A_306 : i32 to vector<96x256xi32>
    %select_n3A_308 = arith.select %gt3A_304, %broadcast_in_dim3A_307, %select_n3A_249 : vector<96x256xi1>, vector<96x256xi32>
    %reduce_max3A_309 = arith.constant dense<0xFF800000> : vector<256xf32>
    %reduce_max3A_310 = vector.multi_reduction <maximumf>, %div3A_303, %reduce_max3A_309 [0] : vector<96x256xf32> to vector<256xf32>
    %broadcast_in_dim3A_311 = vector.shape_cast %reduce_max3A_310 : vector<256xf32> to vector<1x256xf32>
    %eq3A_312 = vector.broadcast %broadcast_in_dim3A_311 : vector<1x256xf32> to vector<96x256xf32>
    %eq3A_313 = arith.cmpf oeq, %div3A_303, %eq3A_312 : vector<96x256xf32>
    %jit3A_314 = arith.constant 24576 : i32
    %broadcast_in_dim3A_315 = vector.broadcast %jit3A_314 : i32 to vector<96x256xi32>
    %select_n3A_316 = arith.select %eq3A_313, %add3A_29, %broadcast_in_dim3A_315 : vector<96x256xi1>, vector<96x256xi32>
    %reduce_min3A_317 = arith.constant dense<2147483647> : vector<256xi32>
    %reduce_min3A_318 = vector.multi_reduction <minsi>, %select_n3A_316, %reduce_min3A_317 [0] : vector<96x256xi32> to vector<256xi32>
    %get3A_319 = arith.constant 0 : index
    %get3A_320 = arith.constant 5 : index
    %get3A_321 = arith.constant 0 : index
    %get3A_322 = vector.load %arg2[%get3A_319, %get3A_320, %get3A_321] : memref<1x20x5xf32, #tpu.memory_space<vmem>>, vector<1x1x1xf32>
    %get3A_323 = vector.extract %get3A_322[0, 0, 0] : f32 from vector<1x1x1xf32>
    %get3A_324 = arith.constant 0 : index
    %get3A_325 = arith.constant 5 : index
    %get3A_326 = arith.constant 1 : index
    %get3A_327 = vector.load %arg2[%get3A_324, %get3A_325, %get3A_326] : memref<1x20x5xf32, #tpu.memory_space<vmem>>, vector<1x1x1xf32>
    %get3A_328 = vector.extract %get3A_327[0, 0, 0] : f32 from vector<1x1x1xf32>
    %get3A_329 = arith.constant 0 : index
    %get3A_330 = arith.constant 5 : index
    %get3A_331 = arith.constant 2 : index
    %get3A_332 = vector.load %arg2[%get3A_329, %get3A_330, %get3A_331] : memref<1x20x5xf32, #tpu.memory_space<vmem>>, vector<1x1x1xf32>
    %get3A_333 = vector.extract %get3A_332[0, 0, 0] : f32 from vector<1x1x1xf32>
    %get3A_334 = arith.constant 0 : index
    %get3A_335 = arith.constant 5 : index
    %get3A_336 = arith.constant 3 : index
    %get3A_337 = vector.load %arg2[%get3A_334, %get3A_335, %get3A_336] : memref<1x20x5xf32, #tpu.memory_space<vmem>>, vector<1x1x1xf32>
    %get3A_338 = vector.extract %get3A_337[0, 0, 0] : f32 from vector<1x1x1xf32>
    %sub3A_339 = arith.subf %get3A_333, %get3A_323 : f32
    %sub3A_340 = arith.subf %get3A_338, %get3A_328 : f32
    %mul3A_341 = arith.mulf %sub3A_339, %sub3A_340 : f32
    %min3A_342 = vector.broadcast %get3A_333 : f32 to vector<96x256xf32>
    %min3A_343 = arith.minimumf %min3A_342, %add3A : vector<96x256xf32>
    %max3A_344 = vector.broadcast %get3A_323 : f32 to vector<96x256xf32>
    %max3A_345 = arith.maximumf %max3A_344, %sub3A : vector<96x256xf32>
    %sub3A_346 = arith.subf %min3A_343, %max3A_345 : vector<96x256xf32>
    %max3A_347 = arith.constant 0.000000e+00 : f32
    %max3A_348 = vector.broadcast %max3A_347 : f32 to vector<96x256xf32>
    %max3A_349 = arith.maximumf %sub3A_346, %max3A_348 : vector<96x256xf32>
    %min3A_350 = vector.broadcast %get3A_338 : f32 to vector<96x256xf32>
    %min3A_351 = arith.minimumf %min3A_350, %add3A_21 : vector<96x256xf32>
    %max3A_352 = vector.broadcast %get3A_328 : f32 to vector<96x256xf32>
    %max3A_353 = arith.maximumf %max3A_352, %sub3A_14 : vector<96x256xf32>
    %sub3A_354 = arith.subf %min3A_351, %max3A_353 : vector<96x256xf32>
    %max3A_355 = arith.constant 0.000000e+00 : f32
    %max3A_356 = vector.broadcast %max3A_355 : f32 to vector<96x256xf32>
    %max3A_357 = arith.maximumf %sub3A_354, %max3A_356 : vector<96x256xf32>
    %mul3A_358 = arith.mulf %max3A_349, %max3A_357 : vector<96x256xf32>
    %add3A_359 = vector.broadcast %mul3A_341 : f32 to vector<96x256xf32>
    %add3A_360 = arith.addf %add3A_359, %mul3A_24 : vector<96x256xf32>
    %sub3A_361 = arith.subf %add3A_360, %mul3A_358 : vector<96x256xf32>
    %div3A_362 = arith.divf %mul3A_358, %sub3A_361 : vector<96x256xf32>
    %gt3A_363 = arith.cmpf ogt, %div3A_362, %select_n3A_305 : vector<96x256xf32>
    %select_n3A_364 = arith.select %gt3A_363, %div3A_362, %select_n3A_305 : vector<96x256xi1>, vector<96x256xf32>
    %jit3A_365 = arith.constant 5 : i32
    %broadcast_in_dim3A_366 = vector.broadcast %jit3A_365 : i32 to vector<96x256xi32>
    %select_n3A_367 = arith.select %gt3A_363, %broadcast_in_dim3A_366, %select_n3A_308 : vector<96x256xi1>, vector<96x256xi32>
    %reduce_max3A_368 = arith.constant dense<0xFF800000> : vector<256xf32>
    %reduce_max3A_369 = vector.multi_reduction <maximumf>, %div3A_362, %reduce_max3A_368 [0] : vector<96x256xf32> to vector<256xf32>
    %broadcast_in_dim3A_370 = vector.shape_cast %reduce_max3A_369 : vector<256xf32> to vector<1x256xf32>
    %eq3A_371 = vector.broadcast %broadcast_in_dim3A_370 : vector<1x256xf32> to vector<96x256xf32>
    %eq3A_372 = arith.cmpf oeq, %div3A_362, %eq3A_371 : vector<96x256xf32>
    %jit3A_373 = arith.constant 24576 : i32
    %broadcast_in_dim3A_374 = vector.broadcast %jit3A_373 : i32 to vector<96x256xi32>
    %select_n3A_375 = arith.select %eq3A_372, %add3A_29, %broadcast_in_dim3A_374 : vector<96x256xi1>, vector<96x256xi32>
    %reduce_min3A_376 = arith.constant dense<2147483647> : vector<256xi32>
    %reduce_min3A_377 = vector.multi_reduction <minsi>, %select_n3A_375, %reduce_min3A_376 [0] : vector<96x256xi32> to vector<256xi32>
    %get3A_378 = arith.constant 0 : index
    %get3A_379 = arith.constant 6 : index
    %get3A_380 = arith.constant 0 : index
    %get3A_381 = vector.load %arg2[%get3A_378, %get3A_379, %get3A_380] : memref<1x20x5xf32, #tpu.memory_space<vmem>>, vector<1x1x1xf32>
    %get3A_382 = vector.extract %get3A_381[0, 0, 0] : f32 from vector<1x1x1xf32>
    %get3A_383 = arith.constant 0 : index
    %get3A_384 = arith.constant 6 : index
    %get3A_385 = arith.constant 1 : index
    %get3A_386 = vector.load %arg2[%get3A_383, %get3A_384, %get3A_385] : memref<1x20x5xf32, #tpu.memory_space<vmem>>, vector<1x1x1xf32>
    %get3A_387 = vector.extract %get3A_386[0, 0, 0] : f32 from vector<1x1x1xf32>
    %get3A_388 = arith.constant 0 : index
    %get3A_389 = arith.constant 6 : index
    %get3A_390 = arith.constant 2 : index
    %get3A_391 = vector.load %arg2[%get3A_388, %get3A_389, %get3A_390] : memref<1x20x5xf32, #tpu.memory_space<vmem>>, vector<1x1x1xf32>
    %get3A_392 = vector.extract %get3A_391[0, 0, 0] : f32 from vector<1x1x1xf32>
    %get3A_393 = arith.constant 0 : index
    %get3A_394 = arith.constant 6 : index
    %get3A_395 = arith.constant 3 : index
    %get3A_396 = vector.load %arg2[%get3A_393, %get3A_394, %get3A_395] : memref<1x20x5xf32, #tpu.memory_space<vmem>>, vector<1x1x1xf32>
    %get3A_397 = vector.extract %get3A_396[0, 0, 0] : f32 from vector<1x1x1xf32>
    %sub3A_398 = arith.subf %get3A_392, %get3A_382 : f32
    %sub3A_399 = arith.subf %get3A_397, %get3A_387 : f32
    %mul3A_400 = arith.mulf %sub3A_398, %sub3A_399 : f32
    %min3A_401 = vector.broadcast %get3A_392 : f32 to vector<96x256xf32>
    %min3A_402 = arith.minimumf %min3A_401, %add3A : vector<96x256xf32>
    %max3A_403 = vector.broadcast %get3A_382 : f32 to vector<96x256xf32>
    %max3A_404 = arith.maximumf %max3A_403, %sub3A : vector<96x256xf32>
    %sub3A_405 = arith.subf %min3A_402, %max3A_404 : vector<96x256xf32>
    %max3A_406 = arith.constant 0.000000e+00 : f32
    %max3A_407 = vector.broadcast %max3A_406 : f32 to vector<96x256xf32>
    %max3A_408 = arith.maximumf %sub3A_405, %max3A_407 : vector<96x256xf32>
    %min3A_409 = vector.broadcast %get3A_397 : f32 to vector<96x256xf32>
    %min3A_410 = arith.minimumf %min3A_409, %add3A_21 : vector<96x256xf32>
    %max3A_411 = vector.broadcast %get3A_387 : f32 to vector<96x256xf32>
    %max3A_412 = arith.maximumf %max3A_411, %sub3A_14 : vector<96x256xf32>
    %sub3A_413 = arith.subf %min3A_410, %max3A_412 : vector<96x256xf32>
    %max3A_414 = arith.constant 0.000000e+00 : f32
    %max3A_415 = vector.broadcast %max3A_414 : f32 to vector<96x256xf32>
    %max3A_416 = arith.maximumf %sub3A_413, %max3A_415 : vector<96x256xf32>
    %mul3A_417 = arith.mulf %max3A_408, %max3A_416 : vector<96x256xf32>
    %add3A_418 = vector.broadcast %mul3A_400 : f32 to vector<96x256xf32>
    %add3A_419 = arith.addf %add3A_418, %mul3A_24 : vector<96x256xf32>
    %sub3A_420 = arith.subf %add3A_419, %mul3A_417 : vector<96x256xf32>
    %div3A_421 = arith.divf %mul3A_417, %sub3A_420 : vector<96x256xf32>
    %gt3A_422 = arith.cmpf ogt, %div3A_421, %select_n3A_364 : vector<96x256xf32>
    %select_n3A_423 = arith.select %gt3A_422, %div3A_421, %select_n3A_364 : vector<96x256xi1>, vector<96x256xf32>
    %jit3A_424 = arith.constant 6 : i32
    %broadcast_in_dim3A_425 = vector.broadcast %jit3A_424 : i32 to vector<96x256xi32>
    %select_n3A_426 = arith.select %gt3A_422, %broadcast_in_dim3A_425, %select_n3A_367 : vector<96x256xi1>, vector<96x256xi32>
    %reduce_max3A_427 = arith.constant dense<0xFF800000> : vector<256xf32>
    %reduce_max3A_428 = vector.multi_reduction <maximumf>, %div3A_421, %reduce_max3A_427 [0] : vector<96x256xf32> to vector<256xf32>
    %broadcast_in_dim3A_429 = vector.shape_cast %reduce_max3A_428 : vector<256xf32> to vector<1x256xf32>
    %eq3A_430 = vector.broadcast %broadcast_in_dim3A_429 : vector<1x256xf32> to vector<96x256xf32>
    %eq3A_431 = arith.cmpf oeq, %div3A_421, %eq3A_430 : vector<96x256xf32>
    %jit3A_432 = arith.constant 24576 : i32
    %broadcast_in_dim3A_433 = vector.broadcast %jit3A_432 : i32 to vector<96x256xi32>
    %select_n3A_434 = arith.select %eq3A_431, %add3A_29, %broadcast_in_dim3A_433 : vector<96x256xi1>, vector<96x256xi32>
    %reduce_min3A_435 = arith.constant dense<2147483647> : vector<256xi32>
    %reduce_min3A_436 = vector.multi_reduction <minsi>, %select_n3A_434, %reduce_min3A_435 [0] : vector<96x256xi32> to vector<256xi32>
    %get3A_437 = arith.constant 0 : index
    %get3A_438 = arith.constant 7 : index
    %get3A_439 = arith.constant 0 : index
    %get3A_440 = vector.load %arg2[%get3A_437, %get3A_438, %get3A_439] : memref<1x20x5xf32, #tpu.memory_space<vmem>>, vector<1x1x1xf32>
    %get3A_441 = vector.extract %get3A_440[0, 0, 0] : f32 from vector<1x1x1xf32>
    %get3A_442 = arith.constant 0 : index
    %get3A_443 = arith.constant 7 : index
    %get3A_444 = arith.constant 1 : index
    %get3A_445 = vector.load %arg2[%get3A_442, %get3A_443, %get3A_444] : memref<1x20x5xf32, #tpu.memory_space<vmem>>, vector<1x1x1xf32>
    %get3A_446 = vector.extract %get3A_445[0, 0, 0] : f32 from vector<1x1x1xf32>
    %get3A_447 = arith.constant 0 : index
    %get3A_448 = arith.constant 7 : index
    %get3A_449 = arith.constant 2 : index
    %get3A_450 = vector.load %arg2[%get3A_447, %get3A_448, %get3A_449] : memref<1x20x5xf32, #tpu.memory_space<vmem>>, vector<1x1x1xf32>
    %get3A_451 = vector.extract %get3A_450[0, 0, 0] : f32 from vector<1x1x1xf32>
    %get3A_452 = arith.constant 0 : index
    %get3A_453 = arith.constant 7 : index
    %get3A_454 = arith.constant 3 : index
    %get3A_455 = vector.load %arg2[%get3A_452, %get3A_453, %get3A_454] : memref<1x20x5xf32, #tpu.memory_space<vmem>>, vector<1x1x1xf32>
    %get3A_456 = vector.extract %get3A_455[0, 0, 0] : f32 from vector<1x1x1xf32>
    %sub3A_457 = arith.subf %get3A_451, %get3A_441 : f32
    %sub3A_458 = arith.subf %get3A_456, %get3A_446 : f32
    %mul3A_459 = arith.mulf %sub3A_457, %sub3A_458 : f32
    %min3A_460 = vector.broadcast %get3A_451 : f32 to vector<96x256xf32>
    %min3A_461 = arith.minimumf %min3A_460, %add3A : vector<96x256xf32>
    %max3A_462 = vector.broadcast %get3A_441 : f32 to vector<96x256xf32>
    %max3A_463 = arith.maximumf %max3A_462, %sub3A : vector<96x256xf32>
    %sub3A_464 = arith.subf %min3A_461, %max3A_463 : vector<96x256xf32>
    %max3A_465 = arith.constant 0.000000e+00 : f32
    %max3A_466 = vector.broadcast %max3A_465 : f32 to vector<96x256xf32>
    %max3A_467 = arith.maximumf %sub3A_464, %max3A_466 : vector<96x256xf32>
    %min3A_468 = vector.broadcast %get3A_456 : f32 to vector<96x256xf32>
    %min3A_469 = arith.minimumf %min3A_468, %add3A_21 : vector<96x256xf32>
    %max3A_470 = vector.broadcast %get3A_446 : f32 to vector<96x256xf32>
    %max3A_471 = arith.maximumf %max3A_470, %sub3A_14 : vector<96x256xf32>
    %sub3A_472 = arith.subf %min3A_469, %max3A_471 : vector<96x256xf32>
    %max3A_473 = arith.constant 0.000000e+00 : f32
    %max3A_474 = vector.broadcast %max3A_473 : f32 to vector<96x256xf32>
    %max3A_475 = arith.maximumf %sub3A_472, %max3A_474 : vector<96x256xf32>
    %mul3A_476 = arith.mulf %max3A_467, %max3A_475 : vector<96x256xf32>
    %add3A_477 = vector.broadcast %mul3A_459 : f32 to vector<96x256xf32>
    %add3A_478 = arith.addf %add3A_477, %mul3A_24 : vector<96x256xf32>
    %sub3A_479 = arith.subf %add3A_478, %mul3A_476 : vector<96x256xf32>
    %div3A_480 = arith.divf %mul3A_476, %sub3A_479 : vector<96x256xf32>
    %gt3A_481 = arith.cmpf ogt, %div3A_480, %select_n3A_423 : vector<96x256xf32>
    %select_n3A_482 = arith.select %gt3A_481, %div3A_480, %select_n3A_423 : vector<96x256xi1>, vector<96x256xf32>
    %jit3A_483 = arith.constant 7 : i32
    %broadcast_in_dim3A_484 = vector.broadcast %jit3A_483 : i32 to vector<96x256xi32>
    %select_n3A_485 = arith.select %gt3A_481, %broadcast_in_dim3A_484, %select_n3A_426 : vector<96x256xi1>, vector<96x256xi32>
    %reduce_max3A_486 = arith.constant dense<0xFF800000> : vector<256xf32>
    %reduce_max3A_487 = vector.multi_reduction <maximumf>, %div3A_480, %reduce_max3A_486 [0] : vector<96x256xf32> to vector<256xf32>
    %broadcast_in_dim3A_488 = vector.shape_cast %reduce_max3A_487 : vector<256xf32> to vector<1x256xf32>
    %eq3A_489 = vector.broadcast %broadcast_in_dim3A_488 : vector<1x256xf32> to vector<96x256xf32>
    %eq3A_490 = arith.cmpf oeq, %div3A_480, %eq3A_489 : vector<96x256xf32>
    %jit3A_491 = arith.constant 24576 : i32
    %broadcast_in_dim3A_492 = vector.broadcast %jit3A_491 : i32 to vector<96x256xi32>
    %select_n3A_493 = arith.select %eq3A_490, %add3A_29, %broadcast_in_dim3A_492 : vector<96x256xi1>, vector<96x256xi32>
    %reduce_min3A_494 = arith.constant dense<2147483647> : vector<256xi32>
    %reduce_min3A_495 = vector.multi_reduction <minsi>, %select_n3A_493, %reduce_min3A_494 [0] : vector<96x256xi32> to vector<256xi32>
    %get3A_496 = arith.constant 0 : index
    %get3A_497 = arith.constant 8 : index
    %get3A_498 = arith.constant 0 : index
    %get3A_499 = vector.load %arg2[%get3A_496, %get3A_497, %get3A_498] : memref<1x20x5xf32, #tpu.memory_space<vmem>>, vector<1x1x1xf32>
    %get3A_500 = vector.extract %get3A_499[0, 0, 0] : f32 from vector<1x1x1xf32>
    %get3A_501 = arith.constant 0 : index
    %get3A_502 = arith.constant 8 : index
    %get3A_503 = arith.constant 1 : index
    %get3A_504 = vector.load %arg2[%get3A_501, %get3A_502, %get3A_503] : memref<1x20x5xf32, #tpu.memory_space<vmem>>, vector<1x1x1xf32>
    %get3A_505 = vector.extract %get3A_504[0, 0, 0] : f32 from vector<1x1x1xf32>
    %get3A_506 = arith.constant 0 : index
    %get3A_507 = arith.constant 8 : index
    %get3A_508 = arith.constant 2 : index
    %get3A_509 = vector.load %arg2[%get3A_506, %get3A_507, %get3A_508] : memref<1x20x5xf32, #tpu.memory_space<vmem>>, vector<1x1x1xf32>
    %get3A_510 = vector.extract %get3A_509[0, 0, 0] : f32 from vector<1x1x1xf32>
    %get3A_511 = arith.constant 0 : index
    %get3A_512 = arith.constant 8 : index
    %get3A_513 = arith.constant 3 : index
    %get3A_514 = vector.load %arg2[%get3A_511, %get3A_512, %get3A_513] : memref<1x20x5xf32, #tpu.memory_space<vmem>>, vector<1x1x1xf32>
    %get3A_515 = vector.extract %get3A_514[0, 0, 0] : f32 from vector<1x1x1xf32>
    %sub3A_516 = arith.subf %get3A_510, %get3A_500 : f32
    %sub3A_517 = arith.subf %get3A_515, %get3A_505 : f32
    %mul3A_518 = arith.mulf %sub3A_516, %sub3A_517 : f32
    %min3A_519 = vector.broadcast %get3A_510 : f32 to vector<96x256xf32>
    %min3A_520 = arith.minimumf %min3A_519, %add3A : vector<96x256xf32>
    %max3A_521 = vector.broadcast %get3A_500 : f32 to vector<96x256xf32>
    %max3A_522 = arith.maximumf %max3A_521, %sub3A : vector<96x256xf32>
    %sub3A_523 = arith.subf %min3A_520, %max3A_522 : vector<96x256xf32>
    %max3A_524 = arith.constant 0.000000e+00 : f32
    %max3A_525 = vector.broadcast %max3A_524 : f32 to vector<96x256xf32>
    %max3A_526 = arith.maximumf %sub3A_523, %max3A_525 : vector<96x256xf32>
    %min3A_527 = vector.broadcast %get3A_515 : f32 to vector<96x256xf32>
    %min3A_528 = arith.minimumf %min3A_527, %add3A_21 : vector<96x256xf32>
    %max3A_529 = vector.broadcast %get3A_505 : f32 to vector<96x256xf32>
    %max3A_530 = arith.maximumf %max3A_529, %sub3A_14 : vector<96x256xf32>
    %sub3A_531 = arith.subf %min3A_528, %max3A_530 : vector<96x256xf32>
    %max3A_532 = arith.constant 0.000000e+00 : f32
    %max3A_533 = vector.broadcast %max3A_532 : f32 to vector<96x256xf32>
    %max3A_534 = arith.maximumf %sub3A_531, %max3A_533 : vector<96x256xf32>
    %mul3A_535 = arith.mulf %max3A_526, %max3A_534 : vector<96x256xf32>
    %add3A_536 = vector.broadcast %mul3A_518 : f32 to vector<96x256xf32>
    %add3A_537 = arith.addf %add3A_536, %mul3A_24 : vector<96x256xf32>
    %sub3A_538 = arith.subf %add3A_537, %mul3A_535 : vector<96x256xf32>
    %div3A_539 = arith.divf %mul3A_535, %sub3A_538 : vector<96x256xf32>
    %gt3A_540 = arith.cmpf ogt, %div3A_539, %select_n3A_482 : vector<96x256xf32>
    %select_n3A_541 = arith.select %gt3A_540, %div3A_539, %select_n3A_482 : vector<96x256xi1>, vector<96x256xf32>
    %jit3A_542 = arith.constant 8 : i32
    %broadcast_in_dim3A_543 = vector.broadcast %jit3A_542 : i32 to vector<96x256xi32>
    %select_n3A_544 = arith.select %gt3A_540, %broadcast_in_dim3A_543, %select_n3A_485 : vector<96x256xi1>, vector<96x256xi32>
    %reduce_max3A_545 = arith.constant dense<0xFF800000> : vector<256xf32>
    %reduce_max3A_546 = vector.multi_reduction <maximumf>, %div3A_539, %reduce_max3A_545 [0] : vector<96x256xf32> to vector<256xf32>
    %broadcast_in_dim3A_547 = vector.shape_cast %reduce_max3A_546 : vector<256xf32> to vector<1x256xf32>
    %eq3A_548 = vector.broadcast %broadcast_in_dim3A_547 : vector<1x256xf32> to vector<96x256xf32>
    %eq3A_549 = arith.cmpf oeq, %div3A_539, %eq3A_548 : vector<96x256xf32>
    %jit3A_550 = arith.constant 24576 : i32
    %broadcast_in_dim3A_551 = vector.broadcast %jit3A_550 : i32 to vector<96x256xi32>
    %select_n3A_552 = arith.select %eq3A_549, %add3A_29, %broadcast_in_dim3A_551 : vector<96x256xi1>, vector<96x256xi32>
    %reduce_min3A_553 = arith.constant dense<2147483647> : vector<256xi32>
    %reduce_min3A_554 = vector.multi_reduction <minsi>, %select_n3A_552, %reduce_min3A_553 [0] : vector<96x256xi32> to vector<256xi32>
    %get3A_555 = arith.constant 0 : index
    %get3A_556 = arith.constant 9 : index
    %get3A_557 = arith.constant 0 : index
    %get3A_558 = vector.load %arg2[%get3A_555, %get3A_556, %get3A_557] : memref<1x20x5xf32, #tpu.memory_space<vmem>>, vector<1x1x1xf32>
    %get3A_559 = vector.extract %get3A_558[0, 0, 0] : f32 from vector<1x1x1xf32>
    %get3A_560 = arith.constant 0 : index
    %get3A_561 = arith.constant 9 : index
    %get3A_562 = arith.constant 1 : index
    %get3A_563 = vector.load %arg2[%get3A_560, %get3A_561, %get3A_562] : memref<1x20x5xf32, #tpu.memory_space<vmem>>, vector<1x1x1xf32>
    %get3A_564 = vector.extract %get3A_563[0, 0, 0] : f32 from vector<1x1x1xf32>
    %get3A_565 = arith.constant 0 : index
    %get3A_566 = arith.constant 9 : index
    %get3A_567 = arith.constant 2 : index
    %get3A_568 = vector.load %arg2[%get3A_565, %get3A_566, %get3A_567] : memref<1x20x5xf32, #tpu.memory_space<vmem>>, vector<1x1x1xf32>
    %get3A_569 = vector.extract %get3A_568[0, 0, 0] : f32 from vector<1x1x1xf32>
    %get3A_570 = arith.constant 0 : index
    %get3A_571 = arith.constant 9 : index
    %get3A_572 = arith.constant 3 : index
    %get3A_573 = vector.load %arg2[%get3A_570, %get3A_571, %get3A_572] : memref<1x20x5xf32, #tpu.memory_space<vmem>>, vector<1x1x1xf32>
    %get3A_574 = vector.extract %get3A_573[0, 0, 0] : f32 from vector<1x1x1xf32>
    %sub3A_575 = arith.subf %get3A_569, %get3A_559 : f32
    %sub3A_576 = arith.subf %get3A_574, %get3A_564 : f32
    %mul3A_577 = arith.mulf %sub3A_575, %sub3A_576 : f32
    %min3A_578 = vector.broadcast %get3A_569 : f32 to vector<96x256xf32>
    %min3A_579 = arith.minimumf %min3A_578, %add3A : vector<96x256xf32>
    %max3A_580 = vector.broadcast %get3A_559 : f32 to vector<96x256xf32>
    %max3A_581 = arith.maximumf %max3A_580, %sub3A : vector<96x256xf32>
    %sub3A_582 = arith.subf %min3A_579, %max3A_581 : vector<96x256xf32>
    %max3A_583 = arith.constant 0.000000e+00 : f32
    %max3A_584 = vector.broadcast %max3A_583 : f32 to vector<96x256xf32>
    %max3A_585 = arith.maximumf %sub3A_582, %max3A_584 : vector<96x256xf32>
    %min3A_586 = vector.broadcast %get3A_574 : f32 to vector<96x256xf32>
    %min3A_587 = arith.minimumf %min3A_586, %add3A_21 : vector<96x256xf32>
    %max3A_588 = vector.broadcast %get3A_564 : f32 to vector<96x256xf32>
    %max3A_589 = arith.maximumf %max3A_588, %sub3A_14 : vector<96x256xf32>
    %sub3A_590 = arith.subf %min3A_587, %max3A_589 : vector<96x256xf32>
    %max3A_591 = arith.constant 0.000000e+00 : f32
    %max3A_592 = vector.broadcast %max3A_591 : f32 to vector<96x256xf32>
    %max3A_593 = arith.maximumf %sub3A_590, %max3A_592 : vector<96x256xf32>
    %mul3A_594 = arith.mulf %max3A_585, %max3A_593 : vector<96x256xf32>
    %add3A_595 = vector.broadcast %mul3A_577 : f32 to vector<96x256xf32>
    %add3A_596 = arith.addf %add3A_595, %mul3A_24 : vector<96x256xf32>
    %sub3A_597 = arith.subf %add3A_596, %mul3A_594 : vector<96x256xf32>
    %div3A_598 = arith.divf %mul3A_594, %sub3A_597 : vector<96x256xf32>
    %gt3A_599 = arith.cmpf ogt, %div3A_598, %select_n3A_541 : vector<96x256xf32>
    %select_n3A_600 = arith.select %gt3A_599, %div3A_598, %select_n3A_541 : vector<96x256xi1>, vector<96x256xf32>
    %jit3A_601 = arith.constant 9 : i32
    %broadcast_in_dim3A_602 = vector.broadcast %jit3A_601 : i32 to vector<96x256xi32>
    %select_n3A_603 = arith.select %gt3A_599, %broadcast_in_dim3A_602, %select_n3A_544 : vector<96x256xi1>, vector<96x256xi32>
    %reduce_max3A_604 = arith.constant dense<0xFF800000> : vector<256xf32>
    %reduce_max3A_605 = vector.multi_reduction <maximumf>, %div3A_598, %reduce_max3A_604 [0] : vector<96x256xf32> to vector<256xf32>
    %broadcast_in_dim3A_606 = vector.shape_cast %reduce_max3A_605 : vector<256xf32> to vector<1x256xf32>
    %eq3A_607 = vector.broadcast %broadcast_in_dim3A_606 : vector<1x256xf32> to vector<96x256xf32>
    %eq3A_608 = arith.cmpf oeq, %div3A_598, %eq3A_607 : vector<96x256xf32>
    %jit3A_609 = arith.constant 24576 : i32
    %broadcast_in_dim3A_610 = vector.broadcast %jit3A_609 : i32 to vector<96x256xi32>
    %select_n3A_611 = arith.select %eq3A_608, %add3A_29, %broadcast_in_dim3A_610 : vector<96x256xi1>, vector<96x256xi32>
    %reduce_min3A_612 = arith.constant dense<2147483647> : vector<256xi32>
    %reduce_min3A_613 = vector.multi_reduction <minsi>, %select_n3A_611, %reduce_min3A_612 [0] : vector<96x256xi32> to vector<256xi32>
    %get3A_614 = arith.constant 0 : index
    %get3A_615 = arith.constant 10 : index
    %get3A_616 = arith.constant 0 : index
    %get3A_617 = vector.load %arg2[%get3A_614, %get3A_615, %get3A_616] : memref<1x20x5xf32, #tpu.memory_space<vmem>>, vector<1x1x1xf32>
    %get3A_618 = vector.extract %get3A_617[0, 0, 0] : f32 from vector<1x1x1xf32>
    %get3A_619 = arith.constant 0 : index
    %get3A_620 = arith.constant 10 : index
    %get3A_621 = arith.constant 1 : index
    %get3A_622 = vector.load %arg2[%get3A_619, %get3A_620, %get3A_621] : memref<1x20x5xf32, #tpu.memory_space<vmem>>, vector<1x1x1xf32>
    %get3A_623 = vector.extract %get3A_622[0, 0, 0] : f32 from vector<1x1x1xf32>
    %get3A_624 = arith.constant 0 : index
    %get3A_625 = arith.constant 10 : index
    %get3A_626 = arith.constant 2 : index
    %get3A_627 = vector.load %arg2[%get3A_624, %get3A_625, %get3A_626] : memref<1x20x5xf32, #tpu.memory_space<vmem>>, vector<1x1x1xf32>
    %get3A_628 = vector.extract %get3A_627[0, 0, 0] : f32 from vector<1x1x1xf32>
    %get3A_629 = arith.constant 0 : index
    %get3A_630 = arith.constant 10 : index
    %get3A_631 = arith.constant 3 : index
    %get3A_632 = vector.load %arg2[%get3A_629, %get3A_630, %get3A_631] : memref<1x20x5xf32, #tpu.memory_space<vmem>>, vector<1x1x1xf32>
    %get3A_633 = vector.extract %get3A_632[0, 0, 0] : f32 from vector<1x1x1xf32>
    %sub3A_634 = arith.subf %get3A_628, %get3A_618 : f32
    %sub3A_635 = arith.subf %get3A_633, %get3A_623 : f32
    %mul3A_636 = arith.mulf %sub3A_634, %sub3A_635 : f32
    %min3A_637 = vector.broadcast %get3A_628 : f32 to vector<96x256xf32>
    %min3A_638 = arith.minimumf %min3A_637, %add3A : vector<96x256xf32>
    %max3A_639 = vector.broadcast %get3A_618 : f32 to vector<96x256xf32>
    %max3A_640 = arith.maximumf %max3A_639, %sub3A : vector<96x256xf32>
    %sub3A_641 = arith.subf %min3A_638, %max3A_640 : vector<96x256xf32>
    %max3A_642 = arith.constant 0.000000e+00 : f32
    %max3A_643 = vector.broadcast %max3A_642 : f32 to vector<96x256xf32>
    %max3A_644 = arith.maximumf %sub3A_641, %max3A_643 : vector<96x256xf32>
    %min3A_645 = vector.broadcast %get3A_633 : f32 to vector<96x256xf32>
    %min3A_646 = arith.minimumf %min3A_645, %add3A_21 : vector<96x256xf32>
    %max3A_647 = vector.broadcast %get3A_623 : f32 to vector<96x256xf32>
    %max3A_648 = arith.maximumf %max3A_647, %sub3A_14 : vector<96x256xf32>
    %sub3A_649 = arith.subf %min3A_646, %max3A_648 : vector<96x256xf32>
    %max3A_650 = arith.constant 0.000000e+00 : f32
    %max3A_651 = vector.broadcast %max3A_650 : f32 to vector<96x256xf32>
    %max3A_652 = arith.maximumf %sub3A_649, %max3A_651 : vector<96x256xf32>
    %mul3A_653 = arith.mulf %max3A_644, %max3A_652 : vector<96x256xf32>
    %add3A_654 = vector.broadcast %mul3A_636 : f32 to vector<96x256xf32>
    %add3A_655 = arith.addf %add3A_654, %mul3A_24 : vector<96x256xf32>
    %sub3A_656 = arith.subf %add3A_655, %mul3A_653 : vector<96x256xf32>
    %div3A_657 = arith.divf %mul3A_653, %sub3A_656 : vector<96x256xf32>
    %gt3A_658 = arith.cmpf ogt, %div3A_657, %select_n3A_600 : vector<96x256xf32>
    %select_n3A_659 = arith.select %gt3A_658, %div3A_657, %select_n3A_600 : vector<96x256xi1>, vector<96x256xf32>
    %jit3A_660 = arith.constant 10 : i32
    %broadcast_in_dim3A_661 = vector.broadcast %jit3A_660 : i32 to vector<96x256xi32>
    %select_n3A_662 = arith.select %gt3A_658, %broadcast_in_dim3A_661, %select_n3A_603 : vector<96x256xi1>, vector<96x256xi32>
    %reduce_max3A_663 = arith.constant dense<0xFF800000> : vector<256xf32>
    %reduce_max3A_664 = vector.multi_reduction <maximumf>, %div3A_657, %reduce_max3A_663 [0] : vector<96x256xf32> to vector<256xf32>
    %broadcast_in_dim3A_665 = vector.shape_cast %reduce_max3A_664 : vector<256xf32> to vector<1x256xf32>
    %eq3A_666 = vector.broadcast %broadcast_in_dim3A_665 : vector<1x256xf32> to vector<96x256xf32>
    %eq3A_667 = arith.cmpf oeq, %div3A_657, %eq3A_666 : vector<96x256xf32>
    %jit3A_668 = arith.constant 24576 : i32
    %broadcast_in_dim3A_669 = vector.broadcast %jit3A_668 : i32 to vector<96x256xi32>
    %select_n3A_670 = arith.select %eq3A_667, %add3A_29, %broadcast_in_dim3A_669 : vector<96x256xi1>, vector<96x256xi32>
    %reduce_min3A_671 = arith.constant dense<2147483647> : vector<256xi32>
    %reduce_min3A_672 = vector.multi_reduction <minsi>, %select_n3A_670, %reduce_min3A_671 [0] : vector<96x256xi32> to vector<256xi32>
    %get3A_673 = arith.constant 0 : index
    %get3A_674 = arith.constant 11 : index
    %get3A_675 = arith.constant 0 : index
    %get3A_676 = vector.load %arg2[%get3A_673, %get3A_674, %get3A_675] : memref<1x20x5xf32, #tpu.memory_space<vmem>>, vector<1x1x1xf32>
    %get3A_677 = vector.extract %get3A_676[0, 0, 0] : f32 from vector<1x1x1xf32>
    %get3A_678 = arith.constant 0 : index
    %get3A_679 = arith.constant 11 : index
    %get3A_680 = arith.constant 1 : index
    %get3A_681 = vector.load %arg2[%get3A_678, %get3A_679, %get3A_680] : memref<1x20x5xf32, #tpu.memory_space<vmem>>, vector<1x1x1xf32>
    %get3A_682 = vector.extract %get3A_681[0, 0, 0] : f32 from vector<1x1x1xf32>
    %get3A_683 = arith.constant 0 : index
    %get3A_684 = arith.constant 11 : index
    %get3A_685 = arith.constant 2 : index
    %get3A_686 = vector.load %arg2[%get3A_683, %get3A_684, %get3A_685] : memref<1x20x5xf32, #tpu.memory_space<vmem>>, vector<1x1x1xf32>
    %get3A_687 = vector.extract %get3A_686[0, 0, 0] : f32 from vector<1x1x1xf32>
    %get3A_688 = arith.constant 0 : index
    %get3A_689 = arith.constant 11 : index
    %get3A_690 = arith.constant 3 : index
    %get3A_691 = vector.load %arg2[%get3A_688, %get3A_689, %get3A_690] : memref<1x20x5xf32, #tpu.memory_space<vmem>>, vector<1x1x1xf32>
    %get3A_692 = vector.extract %get3A_691[0, 0, 0] : f32 from vector<1x1x1xf32>
    %sub3A_693 = arith.subf %get3A_687, %get3A_677 : f32
    %sub3A_694 = arith.subf %get3A_692, %get3A_682 : f32
    %mul3A_695 = arith.mulf %sub3A_693, %sub3A_694 : f32
    %min3A_696 = vector.broadcast %get3A_687 : f32 to vector<96x256xf32>
    %min3A_697 = arith.minimumf %min3A_696, %add3A : vector<96x256xf32>
    %max3A_698 = vector.broadcast %get3A_677 : f32 to vector<96x256xf32>
    %max3A_699 = arith.maximumf %max3A_698, %sub3A : vector<96x256xf32>
    %sub3A_700 = arith.subf %min3A_697, %max3A_699 : vector<96x256xf32>
    %max3A_701 = arith.constant 0.000000e+00 : f32
    %max3A_702 = vector.broadcast %max3A_701 : f32 to vector<96x256xf32>
    %max3A_703 = arith.maximumf %sub3A_700, %max3A_702 : vector<96x256xf32>
    %min3A_704 = vector.broadcast %get3A_692 : f32 to vector<96x256xf32>
    %min3A_705 = arith.minimumf %min3A_704, %add3A_21 : vector<96x256xf32>
    %max3A_706 = vector.broadcast %get3A_682 : f32 to vector<96x256xf32>
    %max3A_707 = arith.maximumf %max3A_706, %sub3A_14 : vector<96x256xf32>
    %sub3A_708 = arith.subf %min3A_705, %max3A_707 : vector<96x256xf32>
    %max3A_709 = arith.constant 0.000000e+00 : f32
    %max3A_710 = vector.broadcast %max3A_709 : f32 to vector<96x256xf32>
    %max3A_711 = arith.maximumf %sub3A_708, %max3A_710 : vector<96x256xf32>
    %mul3A_712 = arith.mulf %max3A_703, %max3A_711 : vector<96x256xf32>
    %add3A_713 = vector.broadcast %mul3A_695 : f32 to vector<96x256xf32>
    %add3A_714 = arith.addf %add3A_713, %mul3A_24 : vector<96x256xf32>
    %sub3A_715 = arith.subf %add3A_714, %mul3A_712 : vector<96x256xf32>
    %div3A_716 = arith.divf %mul3A_712, %sub3A_715 : vector<96x256xf32>
    %gt3A_717 = arith.cmpf ogt, %div3A_716, %select_n3A_659 : vector<96x256xf32>
    %select_n3A_718 = arith.select %gt3A_717, %div3A_716, %select_n3A_659 : vector<96x256xi1>, vector<96x256xf32>
    %jit3A_719 = arith.constant 11 : i32
    %broadcast_in_dim3A_720 = vector.broadcast %jit3A_719 : i32 to vector<96x256xi32>
    %select_n3A_721 = arith.select %gt3A_717, %broadcast_in_dim3A_720, %select_n3A_662 : vector<96x256xi1>, vector<96x256xi32>
    %reduce_max3A_722 = arith.constant dense<0xFF800000> : vector<256xf32>
    %reduce_max3A_723 = vector.multi_reduction <maximumf>, %div3A_716, %reduce_max3A_722 [0] : vector<96x256xf32> to vector<256xf32>
    %broadcast_in_dim3A_724 = vector.shape_cast %reduce_max3A_723 : vector<256xf32> to vector<1x256xf32>
    %eq3A_725 = vector.broadcast %broadcast_in_dim3A_724 : vector<1x256xf32> to vector<96x256xf32>
    %eq3A_726 = arith.cmpf oeq, %div3A_716, %eq3A_725 : vector<96x256xf32>
    %jit3A_727 = arith.constant 24576 : i32
    %broadcast_in_dim3A_728 = vector.broadcast %jit3A_727 : i32 to vector<96x256xi32>
    %select_n3A_729 = arith.select %eq3A_726, %add3A_29, %broadcast_in_dim3A_728 : vector<96x256xi1>, vector<96x256xi32>
    %reduce_min3A_730 = arith.constant dense<2147483647> : vector<256xi32>
    %reduce_min3A_731 = vector.multi_reduction <minsi>, %select_n3A_729, %reduce_min3A_730 [0] : vector<96x256xi32> to vector<256xi32>
    %get3A_732 = arith.constant 0 : index
    %get3A_733 = arith.constant 12 : index
    %get3A_734 = arith.constant 0 : index
    %get3A_735 = vector.load %arg2[%get3A_732, %get3A_733, %get3A_734] : memref<1x20x5xf32, #tpu.memory_space<vmem>>, vector<1x1x1xf32>
    %get3A_736 = vector.extract %get3A_735[0, 0, 0] : f32 from vector<1x1x1xf32>
    %get3A_737 = arith.constant 0 : index
    %get3A_738 = arith.constant 12 : index
    %get3A_739 = arith.constant 1 : index
    %get3A_740 = vector.load %arg2[%get3A_737, %get3A_738, %get3A_739] : memref<1x20x5xf32, #tpu.memory_space<vmem>>, vector<1x1x1xf32>
    %get3A_741 = vector.extract %get3A_740[0, 0, 0] : f32 from vector<1x1x1xf32>
    %get3A_742 = arith.constant 0 : index
    %get3A_743 = arith.constant 12 : index
    %get3A_744 = arith.constant 2 : index
    %get3A_745 = vector.load %arg2[%get3A_742, %get3A_743, %get3A_744] : memref<1x20x5xf32, #tpu.memory_space<vmem>>, vector<1x1x1xf32>
    %get3A_746 = vector.extract %get3A_745[0, 0, 0] : f32 from vector<1x1x1xf32>
    %get3A_747 = arith.constant 0 : index
    %get3A_748 = arith.constant 12 : index
    %get3A_749 = arith.constant 3 : index
    %get3A_750 = vector.load %arg2[%get3A_747, %get3A_748, %get3A_749] : memref<1x20x5xf32, #tpu.memory_space<vmem>>, vector<1x1x1xf32>
    %get3A_751 = vector.extract %get3A_750[0, 0, 0] : f32 from vector<1x1x1xf32>
    %sub3A_752 = arith.subf %get3A_746, %get3A_736 : f32
    %sub3A_753 = arith.subf %get3A_751, %get3A_741 : f32
    %mul3A_754 = arith.mulf %sub3A_752, %sub3A_753 : f32
    %min3A_755 = vector.broadcast %get3A_746 : f32 to vector<96x256xf32>
    %min3A_756 = arith.minimumf %min3A_755, %add3A : vector<96x256xf32>
    %max3A_757 = vector.broadcast %get3A_736 : f32 to vector<96x256xf32>
    %max3A_758 = arith.maximumf %max3A_757, %sub3A : vector<96x256xf32>
    %sub3A_759 = arith.subf %min3A_756, %max3A_758 : vector<96x256xf32>
    %max3A_760 = arith.constant 0.000000e+00 : f32
    %max3A_761 = vector.broadcast %max3A_760 : f32 to vector<96x256xf32>
    %max3A_762 = arith.maximumf %sub3A_759, %max3A_761 : vector<96x256xf32>
    %min3A_763 = vector.broadcast %get3A_751 : f32 to vector<96x256xf32>
    %min3A_764 = arith.minimumf %min3A_763, %add3A_21 : vector<96x256xf32>
    %max3A_765 = vector.broadcast %get3A_741 : f32 to vector<96x256xf32>
    %max3A_766 = arith.maximumf %max3A_765, %sub3A_14 : vector<96x256xf32>
    %sub3A_767 = arith.subf %min3A_764, %max3A_766 : vector<96x256xf32>
    %max3A_768 = arith.constant 0.000000e+00 : f32
    %max3A_769 = vector.broadcast %max3A_768 : f32 to vector<96x256xf32>
    %max3A_770 = arith.maximumf %sub3A_767, %max3A_769 : vector<96x256xf32>
    %mul3A_771 = arith.mulf %max3A_762, %max3A_770 : vector<96x256xf32>
    %add3A_772 = vector.broadcast %mul3A_754 : f32 to vector<96x256xf32>
    %add3A_773 = arith.addf %add3A_772, %mul3A_24 : vector<96x256xf32>
    %sub3A_774 = arith.subf %add3A_773, %mul3A_771 : vector<96x256xf32>
    %div3A_775 = arith.divf %mul3A_771, %sub3A_774 : vector<96x256xf32>
    %gt3A_776 = arith.cmpf ogt, %div3A_775, %select_n3A_718 : vector<96x256xf32>
    %select_n3A_777 = arith.select %gt3A_776, %div3A_775, %select_n3A_718 : vector<96x256xi1>, vector<96x256xf32>
    %jit3A_778 = arith.constant 12 : i32
    %broadcast_in_dim3A_779 = vector.broadcast %jit3A_778 : i32 to vector<96x256xi32>
    %select_n3A_780 = arith.select %gt3A_776, %broadcast_in_dim3A_779, %select_n3A_721 : vector<96x256xi1>, vector<96x256xi32>
    %reduce_max3A_781 = arith.constant dense<0xFF800000> : vector<256xf32>
    %reduce_max3A_782 = vector.multi_reduction <maximumf>, %div3A_775, %reduce_max3A_781 [0] : vector<96x256xf32> to vector<256xf32>
    %broadcast_in_dim3A_783 = vector.shape_cast %reduce_max3A_782 : vector<256xf32> to vector<1x256xf32>
    %eq3A_784 = vector.broadcast %broadcast_in_dim3A_783 : vector<1x256xf32> to vector<96x256xf32>
    %eq3A_785 = arith.cmpf oeq, %div3A_775, %eq3A_784 : vector<96x256xf32>
    %jit3A_786 = arith.constant 24576 : i32
    %broadcast_in_dim3A_787 = vector.broadcast %jit3A_786 : i32 to vector<96x256xi32>
    %select_n3A_788 = arith.select %eq3A_785, %add3A_29, %broadcast_in_dim3A_787 : vector<96x256xi1>, vector<96x256xi32>
    %reduce_min3A_789 = arith.constant dense<2147483647> : vector<256xi32>
    %reduce_min3A_790 = vector.multi_reduction <minsi>, %select_n3A_788, %reduce_min3A_789 [0] : vector<96x256xi32> to vector<256xi32>
    %get3A_791 = arith.constant 0 : index
    %get3A_792 = arith.constant 13 : index
    %get3A_793 = arith.constant 0 : index
    %get3A_794 = vector.load %arg2[%get3A_791, %get3A_792, %get3A_793] : memref<1x20x5xf32, #tpu.memory_space<vmem>>, vector<1x1x1xf32>
    %get3A_795 = vector.extract %get3A_794[0, 0, 0] : f32 from vector<1x1x1xf32>
    %get3A_796 = arith.constant 0 : index
    %get3A_797 = arith.constant 13 : index
    %get3A_798 = arith.constant 1 : index
    %get3A_799 = vector.load %arg2[%get3A_796, %get3A_797, %get3A_798] : memref<1x20x5xf32, #tpu.memory_space<vmem>>, vector<1x1x1xf32>
    %get3A_800 = vector.extract %get3A_799[0, 0, 0] : f32 from vector<1x1x1xf32>
    %get3A_801 = arith.constant 0 : index
    %get3A_802 = arith.constant 13 : index
    %get3A_803 = arith.constant 2 : index
    %get3A_804 = vector.load %arg2[%get3A_801, %get3A_802, %get3A_803] : memref<1x20x5xf32, #tpu.memory_space<vmem>>, vector<1x1x1xf32>
    %get3A_805 = vector.extract %get3A_804[0, 0, 0] : f32 from vector<1x1x1xf32>
    %get3A_806 = arith.constant 0 : index
    %get3A_807 = arith.constant 13 : index
    %get3A_808 = arith.constant 3 : index
    %get3A_809 = vector.load %arg2[%get3A_806, %get3A_807, %get3A_808] : memref<1x20x5xf32, #tpu.memory_space<vmem>>, vector<1x1x1xf32>
    %get3A_810 = vector.extract %get3A_809[0, 0, 0] : f32 from vector<1x1x1xf32>
    %sub3A_811 = arith.subf %get3A_805, %get3A_795 : f32
    %sub3A_812 = arith.subf %get3A_810, %get3A_800 : f32
    %mul3A_813 = arith.mulf %sub3A_811, %sub3A_812 : f32
    %min3A_814 = vector.broadcast %get3A_805 : f32 to vector<96x256xf32>
    %min3A_815 = arith.minimumf %min3A_814, %add3A : vector<96x256xf32>
    %max3A_816 = vector.broadcast %get3A_795 : f32 to vector<96x256xf32>
    %max3A_817 = arith.maximumf %max3A_816, %sub3A : vector<96x256xf32>
    %sub3A_818 = arith.subf %min3A_815, %max3A_817 : vector<96x256xf32>
    %max3A_819 = arith.constant 0.000000e+00 : f32
    %max3A_820 = vector.broadcast %max3A_819 : f32 to vector<96x256xf32>
    %max3A_821 = arith.maximumf %sub3A_818, %max3A_820 : vector<96x256xf32>
    %min3A_822 = vector.broadcast %get3A_810 : f32 to vector<96x256xf32>
    %min3A_823 = arith.minimumf %min3A_822, %add3A_21 : vector<96x256xf32>
    %max3A_824 = vector.broadcast %get3A_800 : f32 to vector<96x256xf32>
    %max3A_825 = arith.maximumf %max3A_824, %sub3A_14 : vector<96x256xf32>
    %sub3A_826 = arith.subf %min3A_823, %max3A_825 : vector<96x256xf32>
    %max3A_827 = arith.constant 0.000000e+00 : f32
    %max3A_828 = vector.broadcast %max3A_827 : f32 to vector<96x256xf32>
    %max3A_829 = arith.maximumf %sub3A_826, %max3A_828 : vector<96x256xf32>
    %mul3A_830 = arith.mulf %max3A_821, %max3A_829 : vector<96x256xf32>
    %add3A_831 = vector.broadcast %mul3A_813 : f32 to vector<96x256xf32>
    %add3A_832 = arith.addf %add3A_831, %mul3A_24 : vector<96x256xf32>
    %sub3A_833 = arith.subf %add3A_832, %mul3A_830 : vector<96x256xf32>
    %div3A_834 = arith.divf %mul3A_830, %sub3A_833 : vector<96x256xf32>
    %gt3A_835 = arith.cmpf ogt, %div3A_834, %select_n3A_777 : vector<96x256xf32>
    %select_n3A_836 = arith.select %gt3A_835, %div3A_834, %select_n3A_777 : vector<96x256xi1>, vector<96x256xf32>
    %jit3A_837 = arith.constant 13 : i32
    %broadcast_in_dim3A_838 = vector.broadcast %jit3A_837 : i32 to vector<96x256xi32>
    %select_n3A_839 = arith.select %gt3A_835, %broadcast_in_dim3A_838, %select_n3A_780 : vector<96x256xi1>, vector<96x256xi32>
    %reduce_max3A_840 = arith.constant dense<0xFF800000> : vector<256xf32>
    %reduce_max3A_841 = vector.multi_reduction <maximumf>, %div3A_834, %reduce_max3A_840 [0] : vector<96x256xf32> to vector<256xf32>
    %broadcast_in_dim3A_842 = vector.shape_cast %reduce_max3A_841 : vector<256xf32> to vector<1x256xf32>
    %eq3A_843 = vector.broadcast %broadcast_in_dim3A_842 : vector<1x256xf32> to vector<96x256xf32>
    %eq3A_844 = arith.cmpf oeq, %div3A_834, %eq3A_843 : vector<96x256xf32>
    %jit3A_845 = arith.constant 24576 : i32
    %broadcast_in_dim3A_846 = vector.broadcast %jit3A_845 : i32 to vector<96x256xi32>
    %select_n3A_847 = arith.select %eq3A_844, %add3A_29, %broadcast_in_dim3A_846 : vector<96x256xi1>, vector<96x256xi32>
    %reduce_min3A_848 = arith.constant dense<2147483647> : vector<256xi32>
    %reduce_min3A_849 = vector.multi_reduction <minsi>, %select_n3A_847, %reduce_min3A_848 [0] : vector<96x256xi32> to vector<256xi32>
    %get3A_850 = arith.constant 0 : index
    %get3A_851 = arith.constant 14 : index
    %get3A_852 = arith.constant 0 : index
    %get3A_853 = vector.load %arg2[%get3A_850, %get3A_851, %get3A_852] : memref<1x20x5xf32, #tpu.memory_space<vmem>>, vector<1x1x1xf32>
    %get3A_854 = vector.extract %get3A_853[0, 0, 0] : f32 from vector<1x1x1xf32>
    %get3A_855 = arith.constant 0 : index
    %get3A_856 = arith.constant 14 : index
    %get3A_857 = arith.constant 1 : index
    %get3A_858 = vector.load %arg2[%get3A_855, %get3A_856, %get3A_857] : memref<1x20x5xf32, #tpu.memory_space<vmem>>, vector<1x1x1xf32>
    %get3A_859 = vector.extract %get3A_858[0, 0, 0] : f32 from vector<1x1x1xf32>
    %get3A_860 = arith.constant 0 : index
    %get3A_861 = arith.constant 14 : index
    %get3A_862 = arith.constant 2 : index
    %get3A_863 = vector.load %arg2[%get3A_860, %get3A_861, %get3A_862] : memref<1x20x5xf32, #tpu.memory_space<vmem>>, vector<1x1x1xf32>
    %get3A_864 = vector.extract %get3A_863[0, 0, 0] : f32 from vector<1x1x1xf32>
    %get3A_865 = arith.constant 0 : index
    %get3A_866 = arith.constant 14 : index
    %get3A_867 = arith.constant 3 : index
    %get3A_868 = vector.load %arg2[%get3A_865, %get3A_866, %get3A_867] : memref<1x20x5xf32, #tpu.memory_space<vmem>>, vector<1x1x1xf32>
    %get3A_869 = vector.extract %get3A_868[0, 0, 0] : f32 from vector<1x1x1xf32>
    %sub3A_870 = arith.subf %get3A_864, %get3A_854 : f32
    %sub3A_871 = arith.subf %get3A_869, %get3A_859 : f32
    %mul3A_872 = arith.mulf %sub3A_870, %sub3A_871 : f32
    %min3A_873 = vector.broadcast %get3A_864 : f32 to vector<96x256xf32>
    %min3A_874 = arith.minimumf %min3A_873, %add3A : vector<96x256xf32>
    %max3A_875 = vector.broadcast %get3A_854 : f32 to vector<96x256xf32>
    %max3A_876 = arith.maximumf %max3A_875, %sub3A : vector<96x256xf32>
    %sub3A_877 = arith.subf %min3A_874, %max3A_876 : vector<96x256xf32>
    %max3A_878 = arith.constant 0.000000e+00 : f32
    %max3A_879 = vector.broadcast %max3A_878 : f32 to vector<96x256xf32>
    %max3A_880 = arith.maximumf %sub3A_877, %max3A_879 : vector<96x256xf32>
    %min3A_881 = vector.broadcast %get3A_869 : f32 to vector<96x256xf32>
    %min3A_882 = arith.minimumf %min3A_881, %add3A_21 : vector<96x256xf32>
    %max3A_883 = vector.broadcast %get3A_859 : f32 to vector<96x256xf32>
    %max3A_884 = arith.maximumf %max3A_883, %sub3A_14 : vector<96x256xf32>
    %sub3A_885 = arith.subf %min3A_882, %max3A_884 : vector<96x256xf32>
    %max3A_886 = arith.constant 0.000000e+00 : f32
    %max3A_887 = vector.broadcast %max3A_886 : f32 to vector<96x256xf32>
    %max3A_888 = arith.maximumf %sub3A_885, %max3A_887 : vector<96x256xf32>
    %mul3A_889 = arith.mulf %max3A_880, %max3A_888 : vector<96x256xf32>
    %add3A_890 = vector.broadcast %mul3A_872 : f32 to vector<96x256xf32>
    %add3A_891 = arith.addf %add3A_890, %mul3A_24 : vector<96x256xf32>
    %sub3A_892 = arith.subf %add3A_891, %mul3A_889 : vector<96x256xf32>
    %div3A_893 = arith.divf %mul3A_889, %sub3A_892 : vector<96x256xf32>
    %gt3A_894 = arith.cmpf ogt, %div3A_893, %select_n3A_836 : vector<96x256xf32>
    %select_n3A_895 = arith.select %gt3A_894, %div3A_893, %select_n3A_836 : vector<96x256xi1>, vector<96x256xf32>
    %jit3A_896 = arith.constant 14 : i32
    %broadcast_in_dim3A_897 = vector.broadcast %jit3A_896 : i32 to vector<96x256xi32>
    %select_n3A_898 = arith.select %gt3A_894, %broadcast_in_dim3A_897, %select_n3A_839 : vector<96x256xi1>, vector<96x256xi32>
    %reduce_max3A_899 = arith.constant dense<0xFF800000> : vector<256xf32>
    %reduce_max3A_900 = vector.multi_reduction <maximumf>, %div3A_893, %reduce_max3A_899 [0] : vector<96x256xf32> to vector<256xf32>
    %broadcast_in_dim3A_901 = vector.shape_cast %reduce_max3A_900 : vector<256xf32> to vector<1x256xf32>
    %eq3A_902 = vector.broadcast %broadcast_in_dim3A_901 : vector<1x256xf32> to vector<96x256xf32>
    %eq3A_903 = arith.cmpf oeq, %div3A_893, %eq3A_902 : vector<96x256xf32>
    %jit3A_904 = arith.constant 24576 : i32
    %broadcast_in_dim3A_905 = vector.broadcast %jit3A_904 : i32 to vector<96x256xi32>
    %select_n3A_906 = arith.select %eq3A_903, %add3A_29, %broadcast_in_dim3A_905 : vector<96x256xi1>, vector<96x256xi32>
    %reduce_min3A_907 = arith.constant dense<2147483647> : vector<256xi32>
    %reduce_min3A_908 = vector.multi_reduction <minsi>, %select_n3A_906, %reduce_min3A_907 [0] : vector<96x256xi32> to vector<256xi32>
    %get3A_909 = arith.constant 0 : index
    %get3A_910 = arith.constant 15 : index
    %get3A_911 = arith.constant 0 : index
    %get3A_912 = vector.load %arg2[%get3A_909, %get3A_910, %get3A_911] : memref<1x20x5xf32, #tpu.memory_space<vmem>>, vector<1x1x1xf32>
    %get3A_913 = vector.extract %get3A_912[0, 0, 0] : f32 from vector<1x1x1xf32>
    %get3A_914 = arith.constant 0 : index
    %get3A_915 = arith.constant 15 : index
    %get3A_916 = arith.constant 1 : index
    %get3A_917 = vector.load %arg2[%get3A_914, %get3A_915, %get3A_916] : memref<1x20x5xf32, #tpu.memory_space<vmem>>, vector<1x1x1xf32>
    %get3A_918 = vector.extract %get3A_917[0, 0, 0] : f32 from vector<1x1x1xf32>
    %get3A_919 = arith.constant 0 : index
    %get3A_920 = arith.constant 15 : index
    %get3A_921 = arith.constant 2 : index
    %get3A_922 = vector.load %arg2[%get3A_919, %get3A_920, %get3A_921] : memref<1x20x5xf32, #tpu.memory_space<vmem>>, vector<1x1x1xf32>
    %get3A_923 = vector.extract %get3A_922[0, 0, 0] : f32 from vector<1x1x1xf32>
    %get3A_924 = arith.constant 0 : index
    %get3A_925 = arith.constant 15 : index
    %get3A_926 = arith.constant 3 : index
    %get3A_927 = vector.load %arg2[%get3A_924, %get3A_925, %get3A_926] : memref<1x20x5xf32, #tpu.memory_space<vmem>>, vector<1x1x1xf32>
    %get3A_928 = vector.extract %get3A_927[0, 0, 0] : f32 from vector<1x1x1xf32>
    %sub3A_929 = arith.subf %get3A_923, %get3A_913 : f32
    %sub3A_930 = arith.subf %get3A_928, %get3A_918 : f32
    %mul3A_931 = arith.mulf %sub3A_929, %sub3A_930 : f32
    %min3A_932 = vector.broadcast %get3A_923 : f32 to vector<96x256xf32>
    %min3A_933 = arith.minimumf %min3A_932, %add3A : vector<96x256xf32>
    %max3A_934 = vector.broadcast %get3A_913 : f32 to vector<96x256xf32>
    %max3A_935 = arith.maximumf %max3A_934, %sub3A : vector<96x256xf32>
    %sub3A_936 = arith.subf %min3A_933, %max3A_935 : vector<96x256xf32>
    %max3A_937 = arith.constant 0.000000e+00 : f32
    %max3A_938 = vector.broadcast %max3A_937 : f32 to vector<96x256xf32>
    %max3A_939 = arith.maximumf %sub3A_936, %max3A_938 : vector<96x256xf32>
    %min3A_940 = vector.broadcast %get3A_928 : f32 to vector<96x256xf32>
    %min3A_941 = arith.minimumf %min3A_940, %add3A_21 : vector<96x256xf32>
    %max3A_942 = vector.broadcast %get3A_918 : f32 to vector<96x256xf32>
    %max3A_943 = arith.maximumf %max3A_942, %sub3A_14 : vector<96x256xf32>
    %sub3A_944 = arith.subf %min3A_941, %max3A_943 : vector<96x256xf32>
    %max3A_945 = arith.constant 0.000000e+00 : f32
    %max3A_946 = vector.broadcast %max3A_945 : f32 to vector<96x256xf32>
    %max3A_947 = arith.maximumf %sub3A_944, %max3A_946 : vector<96x256xf32>
    %mul3A_948 = arith.mulf %max3A_939, %max3A_947 : vector<96x256xf32>
    %add3A_949 = vector.broadcast %mul3A_931 : f32 to vector<96x256xf32>
    %add3A_950 = arith.addf %add3A_949, %mul3A_24 : vector<96x256xf32>
    %sub3A_951 = arith.subf %add3A_950, %mul3A_948 : vector<96x256xf32>
    %div3A_952 = arith.divf %mul3A_948, %sub3A_951 : vector<96x256xf32>
    %gt3A_953 = arith.cmpf ogt, %div3A_952, %select_n3A_895 : vector<96x256xf32>
    %select_n3A_954 = arith.select %gt3A_953, %div3A_952, %select_n3A_895 : vector<96x256xi1>, vector<96x256xf32>
    %jit3A_955 = arith.constant 15 : i32
    %broadcast_in_dim3A_956 = vector.broadcast %jit3A_955 : i32 to vector<96x256xi32>
    %select_n3A_957 = arith.select %gt3A_953, %broadcast_in_dim3A_956, %select_n3A_898 : vector<96x256xi1>, vector<96x256xi32>
    %reduce_max3A_958 = arith.constant dense<0xFF800000> : vector<256xf32>
    %reduce_max3A_959 = vector.multi_reduction <maximumf>, %div3A_952, %reduce_max3A_958 [0] : vector<96x256xf32> to vector<256xf32>
    %broadcast_in_dim3A_960 = vector.shape_cast %reduce_max3A_959 : vector<256xf32> to vector<1x256xf32>
    %eq3A_961 = vector.broadcast %broadcast_in_dim3A_960 : vector<1x256xf32> to vector<96x256xf32>
    %eq3A_962 = arith.cmpf oeq, %div3A_952, %eq3A_961 : vector<96x256xf32>
    %jit3A_963 = arith.constant 24576 : i32
    %broadcast_in_dim3A_964 = vector.broadcast %jit3A_963 : i32 to vector<96x256xi32>
    %select_n3A_965 = arith.select %eq3A_962, %add3A_29, %broadcast_in_dim3A_964 : vector<96x256xi1>, vector<96x256xi32>
    %reduce_min3A_966 = arith.constant dense<2147483647> : vector<256xi32>
    %reduce_min3A_967 = vector.multi_reduction <minsi>, %select_n3A_965, %reduce_min3A_966 [0] : vector<96x256xi32> to vector<256xi32>
    %get3A_968 = arith.constant 0 : index
    %get3A_969 = arith.constant 16 : index
    %get3A_970 = arith.constant 0 : index
    %get3A_971 = vector.load %arg2[%get3A_968, %get3A_969, %get3A_970] : memref<1x20x5xf32, #tpu.memory_space<vmem>>, vector<1x1x1xf32>
    %get3A_972 = vector.extract %get3A_971[0, 0, 0] : f32 from vector<1x1x1xf32>
    %get3A_973 = arith.constant 0 : index
    %get3A_974 = arith.constant 16 : index
    %get3A_975 = arith.constant 1 : index
    %get3A_976 = vector.load %arg2[%get3A_973, %get3A_974, %get3A_975] : memref<1x20x5xf32, #tpu.memory_space<vmem>>, vector<1x1x1xf32>
    %get3A_977 = vector.extract %get3A_976[0, 0, 0] : f32 from vector<1x1x1xf32>
    %get3A_978 = arith.constant 0 : index
    %get3A_979 = arith.constant 16 : index
    %get3A_980 = arith.constant 2 : index
    %get3A_981 = vector.load %arg2[%get3A_978, %get3A_979, %get3A_980] : memref<1x20x5xf32, #tpu.memory_space<vmem>>, vector<1x1x1xf32>
    %get3A_982 = vector.extract %get3A_981[0, 0, 0] : f32 from vector<1x1x1xf32>
    %get3A_983 = arith.constant 0 : index
    %get3A_984 = arith.constant 16 : index
    %get3A_985 = arith.constant 3 : index
    %get3A_986 = vector.load %arg2[%get3A_983, %get3A_984, %get3A_985] : memref<1x20x5xf32, #tpu.memory_space<vmem>>, vector<1x1x1xf32>
    %get3A_987 = vector.extract %get3A_986[0, 0, 0] : f32 from vector<1x1x1xf32>
    %sub3A_988 = arith.subf %get3A_982, %get3A_972 : f32
    %sub3A_989 = arith.subf %get3A_987, %get3A_977 : f32
    %mul3A_990 = arith.mulf %sub3A_988, %sub3A_989 : f32
    %min3A_991 = vector.broadcast %get3A_982 : f32 to vector<96x256xf32>
    %min3A_992 = arith.minimumf %min3A_991, %add3A : vector<96x256xf32>
    %max3A_993 = vector.broadcast %get3A_972 : f32 to vector<96x256xf32>
    %max3A_994 = arith.maximumf %max3A_993, %sub3A : vector<96x256xf32>
    %sub3A_995 = arith.subf %min3A_992, %max3A_994 : vector<96x256xf32>
    %max3A_996 = arith.constant 0.000000e+00 : f32
    %max3A_997 = vector.broadcast %max3A_996 : f32 to vector<96x256xf32>
    %max3A_998 = arith.maximumf %sub3A_995, %max3A_997 : vector<96x256xf32>
    %min3A_999 = vector.broadcast %get3A_987 : f32 to vector<96x256xf32>
    %min3A_1000 = arith.minimumf %min3A_999, %add3A_21 : vector<96x256xf32>
    %max3A_1001 = vector.broadcast %get3A_977 : f32 to vector<96x256xf32>
    %max3A_1002 = arith.maximumf %max3A_1001, %sub3A_14 : vector<96x256xf32>
    %sub3A_1003 = arith.subf %min3A_1000, %max3A_1002 : vector<96x256xf32>
    %max3A_1004 = arith.constant 0.000000e+00 : f32
    %max3A_1005 = vector.broadcast %max3A_1004 : f32 to vector<96x256xf32>
    %max3A_1006 = arith.maximumf %sub3A_1003, %max3A_1005 : vector<96x256xf32>
    %mul3A_1007 = arith.mulf %max3A_998, %max3A_1006 : vector<96x256xf32>
    %add3A_1008 = vector.broadcast %mul3A_990 : f32 to vector<96x256xf32>
    %add3A_1009 = arith.addf %add3A_1008, %mul3A_24 : vector<96x256xf32>
    %sub3A_1010 = arith.subf %add3A_1009, %mul3A_1007 : vector<96x256xf32>
    %div3A_1011 = arith.divf %mul3A_1007, %sub3A_1010 : vector<96x256xf32>
    %gt3A_1012 = arith.cmpf ogt, %div3A_1011, %select_n3A_954 : vector<96x256xf32>
    %select_n3A_1013 = arith.select %gt3A_1012, %div3A_1011, %select_n3A_954 : vector<96x256xi1>, vector<96x256xf32>
    %jit3A_1014 = arith.constant 16 : i32
    %broadcast_in_dim3A_1015 = vector.broadcast %jit3A_1014 : i32 to vector<96x256xi32>
    %select_n3A_1016 = arith.select %gt3A_1012, %broadcast_in_dim3A_1015, %select_n3A_957 : vector<96x256xi1>, vector<96x256xi32>
    %reduce_max3A_1017 = arith.constant dense<0xFF800000> : vector<256xf32>
    %reduce_max3A_1018 = vector.multi_reduction <maximumf>, %div3A_1011, %reduce_max3A_1017 [0] : vector<96x256xf32> to vector<256xf32>
    %broadcast_in_dim3A_1019 = vector.shape_cast %reduce_max3A_1018 : vector<256xf32> to vector<1x256xf32>
    %eq3A_1020 = vector.broadcast %broadcast_in_dim3A_1019 : vector<1x256xf32> to vector<96x256xf32>
    %eq3A_1021 = arith.cmpf oeq, %div3A_1011, %eq3A_1020 : vector<96x256xf32>
    %jit3A_1022 = arith.constant 24576 : i32
    %broadcast_in_dim3A_1023 = vector.broadcast %jit3A_1022 : i32 to vector<96x256xi32>
    %select_n3A_1024 = arith.select %eq3A_1021, %add3A_29, %broadcast_in_dim3A_1023 : vector<96x256xi1>, vector<96x256xi32>
    %reduce_min3A_1025 = arith.constant dense<2147483647> : vector<256xi32>
    %reduce_min3A_1026 = vector.multi_reduction <minsi>, %select_n3A_1024, %reduce_min3A_1025 [0] : vector<96x256xi32> to vector<256xi32>
    %get3A_1027 = arith.constant 0 : index
    %get3A_1028 = arith.constant 17 : index
    %get3A_1029 = arith.constant 0 : index
    %get3A_1030 = vector.load %arg2[%get3A_1027, %get3A_1028, %get3A_1029] : memref<1x20x5xf32, #tpu.memory_space<vmem>>, vector<1x1x1xf32>
    %get3A_1031 = vector.extract %get3A_1030[0, 0, 0] : f32 from vector<1x1x1xf32>
    %get3A_1032 = arith.constant 0 : index
    %get3A_1033 = arith.constant 17 : index
    %get3A_1034 = arith.constant 1 : index
    %get3A_1035 = vector.load %arg2[%get3A_1032, %get3A_1033, %get3A_1034] : memref<1x20x5xf32, #tpu.memory_space<vmem>>, vector<1x1x1xf32>
    %get3A_1036 = vector.extract %get3A_1035[0, 0, 0] : f32 from vector<1x1x1xf32>
    %get3A_1037 = arith.constant 0 : index
    %get3A_1038 = arith.constant 17 : index
    %get3A_1039 = arith.constant 2 : index
    %get3A_1040 = vector.load %arg2[%get3A_1037, %get3A_1038, %get3A_1039] : memref<1x20x5xf32, #tpu.memory_space<vmem>>, vector<1x1x1xf32>
    %get3A_1041 = vector.extract %get3A_1040[0, 0, 0] : f32 from vector<1x1x1xf32>
    %get3A_1042 = arith.constant 0 : index
    %get3A_1043 = arith.constant 17 : index
    %get3A_1044 = arith.constant 3 : index
    %get3A_1045 = vector.load %arg2[%get3A_1042, %get3A_1043, %get3A_1044] : memref<1x20x5xf32, #tpu.memory_space<vmem>>, vector<1x1x1xf32>
    %get3A_1046 = vector.extract %get3A_1045[0, 0, 0] : f32 from vector<1x1x1xf32>
    %sub3A_1047 = arith.subf %get3A_1041, %get3A_1031 : f32
    %sub3A_1048 = arith.subf %get3A_1046, %get3A_1036 : f32
    %mul3A_1049 = arith.mulf %sub3A_1047, %sub3A_1048 : f32
    %min3A_1050 = vector.broadcast %get3A_1041 : f32 to vector<96x256xf32>
    %min3A_1051 = arith.minimumf %min3A_1050, %add3A : vector<96x256xf32>
    %max3A_1052 = vector.broadcast %get3A_1031 : f32 to vector<96x256xf32>
    %max3A_1053 = arith.maximumf %max3A_1052, %sub3A : vector<96x256xf32>
    %sub3A_1054 = arith.subf %min3A_1051, %max3A_1053 : vector<96x256xf32>
    %max3A_1055 = arith.constant 0.000000e+00 : f32
    %max3A_1056 = vector.broadcast %max3A_1055 : f32 to vector<96x256xf32>
    %max3A_1057 = arith.maximumf %sub3A_1054, %max3A_1056 : vector<96x256xf32>
    %min3A_1058 = vector.broadcast %get3A_1046 : f32 to vector<96x256xf32>
    %min3A_1059 = arith.minimumf %min3A_1058, %add3A_21 : vector<96x256xf32>
    %max3A_1060 = vector.broadcast %get3A_1036 : f32 to vector<96x256xf32>
    %max3A_1061 = arith.maximumf %max3A_1060, %sub3A_14 : vector<96x256xf32>
    %sub3A_1062 = arith.subf %min3A_1059, %max3A_1061 : vector<96x256xf32>
    %max3A_1063 = arith.constant 0.000000e+00 : f32
    %max3A_1064 = vector.broadcast %max3A_1063 : f32 to vector<96x256xf32>
    %max3A_1065 = arith.maximumf %sub3A_1062, %max3A_1064 : vector<96x256xf32>
    %mul3A_1066 = arith.mulf %max3A_1057, %max3A_1065 : vector<96x256xf32>
    %add3A_1067 = vector.broadcast %mul3A_1049 : f32 to vector<96x256xf32>
    %add3A_1068 = arith.addf %add3A_1067, %mul3A_24 : vector<96x256xf32>
    %sub3A_1069 = arith.subf %add3A_1068, %mul3A_1066 : vector<96x256xf32>
    %div3A_1070 = arith.divf %mul3A_1066, %sub3A_1069 : vector<96x256xf32>
    %gt3A_1071 = arith.cmpf ogt, %div3A_1070, %select_n3A_1013 : vector<96x256xf32>
    %select_n3A_1072 = arith.select %gt3A_1071, %div3A_1070, %select_n3A_1013 : vector<96x256xi1>, vector<96x256xf32>
    %jit3A_1073 = arith.constant 17 : i32
    %broadcast_in_dim3A_1074 = vector.broadcast %jit3A_1073 : i32 to vector<96x256xi32>
    %select_n3A_1075 = arith.select %gt3A_1071, %broadcast_in_dim3A_1074, %select_n3A_1016 : vector<96x256xi1>, vector<96x256xi32>
    %reduce_max3A_1076 = arith.constant dense<0xFF800000> : vector<256xf32>
    %reduce_max3A_1077 = vector.multi_reduction <maximumf>, %div3A_1070, %reduce_max3A_1076 [0] : vector<96x256xf32> to vector<256xf32>
    %broadcast_in_dim3A_1078 = vector.shape_cast %reduce_max3A_1077 : vector<256xf32> to vector<1x256xf32>
    %eq3A_1079 = vector.broadcast %broadcast_in_dim3A_1078 : vector<1x256xf32> to vector<96x256xf32>
    %eq3A_1080 = arith.cmpf oeq, %div3A_1070, %eq3A_1079 : vector<96x256xf32>
    %jit3A_1081 = arith.constant 24576 : i32
    %broadcast_in_dim3A_1082 = vector.broadcast %jit3A_1081 : i32 to vector<96x256xi32>
    %select_n3A_1083 = arith.select %eq3A_1080, %add3A_29, %broadcast_in_dim3A_1082 : vector<96x256xi1>, vector<96x256xi32>
    %reduce_min3A_1084 = arith.constant dense<2147483647> : vector<256xi32>
    %reduce_min3A_1085 = vector.multi_reduction <minsi>, %select_n3A_1083, %reduce_min3A_1084 [0] : vector<96x256xi32> to vector<256xi32>
    %get3A_1086 = arith.constant 0 : index
    %get3A_1087 = arith.constant 18 : index
    %get3A_1088 = arith.constant 0 : index
    %get3A_1089 = vector.load %arg2[%get3A_1086, %get3A_1087, %get3A_1088] : memref<1x20x5xf32, #tpu.memory_space<vmem>>, vector<1x1x1xf32>
    %get3A_1090 = vector.extract %get3A_1089[0, 0, 0] : f32 from vector<1x1x1xf32>
    %get3A_1091 = arith.constant 0 : index
    %get3A_1092 = arith.constant 18 : index
    %get3A_1093 = arith.constant 1 : index
    %get3A_1094 = vector.load %arg2[%get3A_1091, %get3A_1092, %get3A_1093] : memref<1x20x5xf32, #tpu.memory_space<vmem>>, vector<1x1x1xf32>
    %get3A_1095 = vector.extract %get3A_1094[0, 0, 0] : f32 from vector<1x1x1xf32>
    %get3A_1096 = arith.constant 0 : index
    %get3A_1097 = arith.constant 18 : index
    %get3A_1098 = arith.constant 2 : index
    %get3A_1099 = vector.load %arg2[%get3A_1096, %get3A_1097, %get3A_1098] : memref<1x20x5xf32, #tpu.memory_space<vmem>>, vector<1x1x1xf32>
    %get3A_1100 = vector.extract %get3A_1099[0, 0, 0] : f32 from vector<1x1x1xf32>
    %get3A_1101 = arith.constant 0 : index
    %get3A_1102 = arith.constant 18 : index
    %get3A_1103 = arith.constant 3 : index
    %get3A_1104 = vector.load %arg2[%get3A_1101, %get3A_1102, %get3A_1103] : memref<1x20x5xf32, #tpu.memory_space<vmem>>, vector<1x1x1xf32>
    %get3A_1105 = vector.extract %get3A_1104[0, 0, 0] : f32 from vector<1x1x1xf32>
    %sub3A_1106 = arith.subf %get3A_1100, %get3A_1090 : f32
    %sub3A_1107 = arith.subf %get3A_1105, %get3A_1095 : f32
    %mul3A_1108 = arith.mulf %sub3A_1106, %sub3A_1107 : f32
    %min3A_1109 = vector.broadcast %get3A_1100 : f32 to vector<96x256xf32>
    %min3A_1110 = arith.minimumf %min3A_1109, %add3A : vector<96x256xf32>
    %max3A_1111 = vector.broadcast %get3A_1090 : f32 to vector<96x256xf32>
    %max3A_1112 = arith.maximumf %max3A_1111, %sub3A : vector<96x256xf32>
    %sub3A_1113 = arith.subf %min3A_1110, %max3A_1112 : vector<96x256xf32>
    %max3A_1114 = arith.constant 0.000000e+00 : f32
    %max3A_1115 = vector.broadcast %max3A_1114 : f32 to vector<96x256xf32>
    %max3A_1116 = arith.maximumf %sub3A_1113, %max3A_1115 : vector<96x256xf32>
    %min3A_1117 = vector.broadcast %get3A_1105 : f32 to vector<96x256xf32>
    %min3A_1118 = arith.minimumf %min3A_1117, %add3A_21 : vector<96x256xf32>
    %max3A_1119 = vector.broadcast %get3A_1095 : f32 to vector<96x256xf32>
    %max3A_1120 = arith.maximumf %max3A_1119, %sub3A_14 : vector<96x256xf32>
    %sub3A_1121 = arith.subf %min3A_1118, %max3A_1120 : vector<96x256xf32>
    %max3A_1122 = arith.constant 0.000000e+00 : f32
    %max3A_1123 = vector.broadcast %max3A_1122 : f32 to vector<96x256xf32>
    %max3A_1124 = arith.maximumf %sub3A_1121, %max3A_1123 : vector<96x256xf32>
    %mul3A_1125 = arith.mulf %max3A_1116, %max3A_1124 : vector<96x256xf32>
    %add3A_1126 = vector.broadcast %mul3A_1108 : f32 to vector<96x256xf32>
    %add3A_1127 = arith.addf %add3A_1126, %mul3A_24 : vector<96x256xf32>
    %sub3A_1128 = arith.subf %add3A_1127, %mul3A_1125 : vector<96x256xf32>
    %div3A_1129 = arith.divf %mul3A_1125, %sub3A_1128 : vector<96x256xf32>
    %gt3A_1130 = arith.cmpf ogt, %div3A_1129, %select_n3A_1072 : vector<96x256xf32>
    %select_n3A_1131 = arith.select %gt3A_1130, %div3A_1129, %select_n3A_1072 : vector<96x256xi1>, vector<96x256xf32>
    %jit3A_1132 = arith.constant 18 : i32
    %broadcast_in_dim3A_1133 = vector.broadcast %jit3A_1132 : i32 to vector<96x256xi32>
    %select_n3A_1134 = arith.select %gt3A_1130, %broadcast_in_dim3A_1133, %select_n3A_1075 : vector<96x256xi1>, vector<96x256xi32>
    %reduce_max3A_1135 = arith.constant dense<0xFF800000> : vector<256xf32>
    %reduce_max3A_1136 = vector.multi_reduction <maximumf>, %div3A_1129, %reduce_max3A_1135 [0] : vector<96x256xf32> to vector<256xf32>
    %broadcast_in_dim3A_1137 = vector.shape_cast %reduce_max3A_1136 : vector<256xf32> to vector<1x256xf32>
    %eq3A_1138 = vector.broadcast %broadcast_in_dim3A_1137 : vector<1x256xf32> to vector<96x256xf32>
    %eq3A_1139 = arith.cmpf oeq, %div3A_1129, %eq3A_1138 : vector<96x256xf32>
    %jit3A_1140 = arith.constant 24576 : i32
    %broadcast_in_dim3A_1141 = vector.broadcast %jit3A_1140 : i32 to vector<96x256xi32>
    %select_n3A_1142 = arith.select %eq3A_1139, %add3A_29, %broadcast_in_dim3A_1141 : vector<96x256xi1>, vector<96x256xi32>
    %reduce_min3A_1143 = arith.constant dense<2147483647> : vector<256xi32>
    %reduce_min3A_1144 = vector.multi_reduction <minsi>, %select_n3A_1142, %reduce_min3A_1143 [0] : vector<96x256xi32> to vector<256xi32>
    %get3A_1145 = arith.constant 0 : index
    %get3A_1146 = arith.constant 19 : index
    %get3A_1147 = arith.constant 0 : index
    %get3A_1148 = vector.load %arg2[%get3A_1145, %get3A_1146, %get3A_1147] : memref<1x20x5xf32, #tpu.memory_space<vmem>>, vector<1x1x1xf32>
    %get3A_1149 = vector.extract %get3A_1148[0, 0, 0] : f32 from vector<1x1x1xf32>
    %get3A_1150 = arith.constant 0 : index
    %get3A_1151 = arith.constant 19 : index
    %get3A_1152 = arith.constant 1 : index
    %get3A_1153 = vector.load %arg2[%get3A_1150, %get3A_1151, %get3A_1152] : memref<1x20x5xf32, #tpu.memory_space<vmem>>, vector<1x1x1xf32>
    %get3A_1154 = vector.extract %get3A_1153[0, 0, 0] : f32 from vector<1x1x1xf32>
    %get3A_1155 = arith.constant 0 : index
    %get3A_1156 = arith.constant 19 : index
    %get3A_1157 = arith.constant 2 : index
    %get3A_1158 = vector.load %arg2[%get3A_1155, %get3A_1156, %get3A_1157] : memref<1x20x5xf32, #tpu.memory_space<vmem>>, vector<1x1x1xf32>
    %get3A_1159 = vector.extract %get3A_1158[0, 0, 0] : f32 from vector<1x1x1xf32>
    %get3A_1160 = arith.constant 0 : index
    %get3A_1161 = arith.constant 19 : index
    %get3A_1162 = arith.constant 3 : index
    %get3A_1163 = vector.load %arg2[%get3A_1160, %get3A_1161, %get3A_1162] : memref<1x20x5xf32, #tpu.memory_space<vmem>>, vector<1x1x1xf32>
    %get3A_1164 = vector.extract %get3A_1163[0, 0, 0] : f32 from vector<1x1x1xf32>
    %sub3A_1165 = arith.subf %get3A_1159, %get3A_1149 : f32
    %sub3A_1166 = arith.subf %get3A_1164, %get3A_1154 : f32
    %mul3A_1167 = arith.mulf %sub3A_1165, %sub3A_1166 : f32
    %min3A_1168 = vector.broadcast %get3A_1159 : f32 to vector<96x256xf32>
    %min3A_1169 = arith.minimumf %min3A_1168, %add3A : vector<96x256xf32>
    %max3A_1170 = vector.broadcast %get3A_1149 : f32 to vector<96x256xf32>
    %max3A_1171 = arith.maximumf %max3A_1170, %sub3A : vector<96x256xf32>
    %sub3A_1172 = arith.subf %min3A_1169, %max3A_1171 : vector<96x256xf32>
    %max3A_1173 = arith.constant 0.000000e+00 : f32
    %max3A_1174 = vector.broadcast %max3A_1173 : f32 to vector<96x256xf32>
    %max3A_1175 = arith.maximumf %sub3A_1172, %max3A_1174 : vector<96x256xf32>
    %min3A_1176 = vector.broadcast %get3A_1164 : f32 to vector<96x256xf32>
    %min3A_1177 = arith.minimumf %min3A_1176, %add3A_21 : vector<96x256xf32>
    %max3A_1178 = vector.broadcast %get3A_1154 : f32 to vector<96x256xf32>
    %max3A_1179 = arith.maximumf %max3A_1178, %sub3A_14 : vector<96x256xf32>
    %sub3A_1180 = arith.subf %min3A_1177, %max3A_1179 : vector<96x256xf32>
    %max3A_1181 = arith.constant 0.000000e+00 : f32
    %max3A_1182 = vector.broadcast %max3A_1181 : f32 to vector<96x256xf32>
    %max3A_1183 = arith.maximumf %sub3A_1180, %max3A_1182 : vector<96x256xf32>
    %mul3A_1184 = arith.mulf %max3A_1175, %max3A_1183 : vector<96x256xf32>
    %add3A_1185 = vector.broadcast %mul3A_1167 : f32 to vector<96x256xf32>
    %add3A_1186 = arith.addf %add3A_1185, %mul3A_24 : vector<96x256xf32>
    %sub3A_1187 = arith.subf %add3A_1186, %mul3A_1184 : vector<96x256xf32>
    %div3A_1188 = arith.divf %mul3A_1184, %sub3A_1187 : vector<96x256xf32>
    %gt3A_1189 = arith.cmpf ogt, %div3A_1188, %select_n3A_1131 : vector<96x256xf32>
    %select_n3A_1190 = arith.select %gt3A_1189, %div3A_1188, %select_n3A_1131 : vector<96x256xi1>, vector<96x256xf32>
    %jit3A_1191 = arith.constant 19 : i32
    %broadcast_in_dim3A_1192 = vector.broadcast %jit3A_1191 : i32 to vector<96x256xi32>
    %select_n3A_1193 = arith.select %gt3A_1189, %broadcast_in_dim3A_1192, %select_n3A_1134 : vector<96x256xi1>, vector<96x256xi32>
    %reduce_max3A_1194 = arith.constant dense<0xFF800000> : vector<256xf32>
    %reduce_max3A_1195 = vector.multi_reduction <maximumf>, %div3A_1188, %reduce_max3A_1194 [0] : vector<96x256xf32> to vector<256xf32>
    %broadcast_in_dim3A_1196 = vector.shape_cast %reduce_max3A_1195 : vector<256xf32> to vector<1x256xf32>
    %eq3A_1197 = vector.broadcast %broadcast_in_dim3A_1196 : vector<1x256xf32> to vector<96x256xf32>
    %eq3A_1198 = arith.cmpf oeq, %div3A_1188, %eq3A_1197 : vector<96x256xf32>
    %jit3A_1199 = arith.constant 24576 : i32
    %broadcast_in_dim3A_1200 = vector.broadcast %jit3A_1199 : i32 to vector<96x256xi32>
    %select_n3A_1201 = arith.select %eq3A_1198, %add3A_29, %broadcast_in_dim3A_1200 : vector<96x256xi1>, vector<96x256xi32>
    %reduce_min3A_1202 = arith.constant dense<2147483647> : vector<256xi32>
    %reduce_min3A_1203 = vector.multi_reduction <minsi>, %select_n3A_1201, %reduce_min3A_1202 [0] : vector<96x256xi32> to vector<256xi32>
    %stack3A = vector.shape_cast %reduce_max3A_76 : vector<256xf32> to vector<1x256xf32>
    %stack3A_1204 = vector.shape_cast %reduce_max3A_133 : vector<256xf32> to vector<1x256xf32>
    %stack3A_1205 = vector.shape_cast %reduce_max3A_192 : vector<256xf32> to vector<1x256xf32>
    %stack3A_1206 = vector.shape_cast %reduce_max3A_251 : vector<256xf32> to vector<1x256xf32>
    %stack3A_1207 = vector.shape_cast %reduce_max3A_310 : vector<256xf32> to vector<1x256xf32>
    %stack3A_1208 = vector.shape_cast %reduce_max3A_369 : vector<256xf32> to vector<1x256xf32>
    %stack3A_1209 = vector.shape_cast %reduce_max3A_428 : vector<256xf32> to vector<1x256xf32>
    %stack3A_1210 = vector.shape_cast %reduce_max3A_487 : vector<256xf32> to vector<1x256xf32>
    %stack3A_1211 = vector.shape_cast %reduce_max3A_546 : vector<256xf32> to vector<1x256xf32>
    %stack3A_1212 = vector.shape_cast %reduce_max3A_605 : vector<256xf32> to vector<1x256xf32>
    %stack3A_1213 = vector.shape_cast %reduce_max3A_664 : vector<256xf32> to vector<1x256xf32>
    %stack3A_1214 = vector.shape_cast %reduce_max3A_723 : vector<256xf32> to vector<1x256xf32>
    %stack3A_1215 = vector.shape_cast %reduce_max3A_782 : vector<256xf32> to vector<1x256xf32>
    %stack3A_1216 = vector.shape_cast %reduce_max3A_841 : vector<256xf32> to vector<1x256xf32>
    %stack3A_1217 = vector.shape_cast %reduce_max3A_900 : vector<256xf32> to vector<1x256xf32>
    %stack3A_1218 = vector.shape_cast %reduce_max3A_959 : vector<256xf32> to vector<1x256xf32>
    %stack3A_1219 = vector.shape_cast %reduce_max3A_1018 : vector<256xf32> to vector<1x256xf32>
    %stack3A_1220 = vector.shape_cast %reduce_max3A_1077 : vector<256xf32> to vector<1x256xf32>
    %stack3A_1221 = vector.shape_cast %reduce_max3A_1136 : vector<256xf32> to vector<1x256xf32>
    %stack3A_1222 = vector.shape_cast %reduce_max3A_1195 : vector<256xf32> to vector<1x256xf32>
    %stack3A_1223 = tpu.concatenate %stack3A, %stack3A_1204, %stack3A_1205, %stack3A_1206, %stack3A_1207, %stack3A_1208, %stack3A_1209, %stack3A_1210, %stack3A_1211, %stack3A_1212, %stack3A_1213, %stack3A_1214, %stack3A_1215, %stack3A_1216, %stack3A_1217, %stack3A_1218, %stack3A_1219, %stack3A_1220, %stack3A_1221, %stack3A_1222 in 0 : vector<1x256xf32>, vector<1x256xf32>, vector<1x256xf32>, vector<1x256xf32>, vector<1x256xf32>, vector<1x256xf32>, vector<1x256xf32>, vector<1x256xf32>, vector<1x256xf32>, vector<1x256xf32>, vector<1x256xf32>, vector<1x256xf32>, vector<1x256xf32>, vector<1x256xf32>, vector<1x256xf32>, vector<1x256xf32>, vector<1x256xf32>, vector<1x256xf32>, vector<1x256xf32>, vector<1x256xf32> -> vector<20x256xf32>
    %stack3A_1224 = vector.shape_cast %reduce_min3A_82 : vector<256xi32> to vector<1x256xi32>
    %stack3A_1225 = vector.shape_cast %reduce_min3A_141 : vector<256xi32> to vector<1x256xi32>
    %stack3A_1226 = vector.shape_cast %reduce_min3A_200 : vector<256xi32> to vector<1x256xi32>
    %stack3A_1227 = vector.shape_cast %reduce_min3A_259 : vector<256xi32> to vector<1x256xi32>
    %stack3A_1228 = vector.shape_cast %reduce_min3A_318 : vector<256xi32> to vector<1x256xi32>
    %stack3A_1229 = vector.shape_cast %reduce_min3A_377 : vector<256xi32> to vector<1x256xi32>
    %stack3A_1230 = vector.shape_cast %reduce_min3A_436 : vector<256xi32> to vector<1x256xi32>
    %stack3A_1231 = vector.shape_cast %reduce_min3A_495 : vector<256xi32> to vector<1x256xi32>
    %stack3A_1232 = vector.shape_cast %reduce_min3A_554 : vector<256xi32> to vector<1x256xi32>
    %stack3A_1233 = vector.shape_cast %reduce_min3A_613 : vector<256xi32> to vector<1x256xi32>
    %stack3A_1234 = vector.shape_cast %reduce_min3A_672 : vector<256xi32> to vector<1x256xi32>
    %stack3A_1235 = vector.shape_cast %reduce_min3A_731 : vector<256xi32> to vector<1x256xi32>
    %stack3A_1236 = vector.shape_cast %reduce_min3A_790 : vector<256xi32> to vector<1x256xi32>
    %stack3A_1237 = vector.shape_cast %reduce_min3A_849 : vector<256xi32> to vector<1x256xi32>
    %stack3A_1238 = vector.shape_cast %reduce_min3A_908 : vector<256xi32> to vector<1x256xi32>
    %stack3A_1239 = vector.shape_cast %reduce_min3A_967 : vector<256xi32> to vector<1x256xi32>
    %stack3A_1240 = vector.shape_cast %reduce_min3A_1026 : vector<256xi32> to vector<1x256xi32>
    %stack3A_1241 = vector.shape_cast %reduce_min3A_1085 : vector<256xi32> to vector<1x256xi32>
    %stack3A_1242 = vector.shape_cast %reduce_min3A_1144 : vector<256xi32> to vector<1x256xi32>
    %stack3A_1243 = vector.shape_cast %reduce_min3A_1203 : vector<256xi32> to vector<1x256xi32>
    %stack3A_1244 = tpu.concatenate %stack3A_1224, %stack3A_1225, %stack3A_1226, %stack3A_1227, %stack3A_1228, %stack3A_1229, %stack3A_1230, %stack3A_1231, %stack3A_1232, %stack3A_1233, %stack3A_1234, %stack3A_1235, %stack3A_1236, %stack3A_1237, %stack3A_1238, %stack3A_1239, %stack3A_1240, %stack3A_1241, %stack3A_1242, %stack3A_1243 in 0 : vector<1x256xi32>, vector<1x256xi32>, vector<1x256xi32>, vector<1x256xi32>, vector<1x256xi32>, vector<1x256xi32>, vector<1x256xi32>, vector<1x256xi32>, vector<1x256xi32>, vector<1x256xi32>, vector<1x256xi32>, vector<1x256xi32>, vector<1x256xi32>, vector<1x256xi32>, vector<1x256xi32>, vector<1x256xi32>, vector<1x256xi32>, vector<1x256xi32>, vector<1x256xi32>, vector<1x256xi32> -> vector<20x256xi32>
    %reduce_max3A_1245 = arith.constant dense<0xFF800000> : vector<20xf32>
    %reduce_max3A_1246 = vector.multi_reduction <maximumf>, %stack3A_1223, %reduce_max3A_1245 [1] : vector<20x256xf32> to vector<20xf32>
    %broadcast_in_dim3A_1247 = vector.shape_cast %reduce_max3A_1246 : vector<20xf32> to vector<20x1xf32>
    %eq3A_1248 = vector.broadcast %broadcast_in_dim3A_1247 : vector<20x1xf32> to vector<20x256xf32>
    %eq3A_1249 = arith.cmpf oeq, %stack3A_1223, %eq3A_1248 : vector<20x256xf32>
    %jit3A_1250 = arith.constant 24576 : i32
    %broadcast_in_dim3A_1251 = vector.broadcast %jit3A_1250 : i32 to vector<20x256xi32>
    %select_n3A_1252 = arith.select %eq3A_1249, %stack3A_1244, %broadcast_in_dim3A_1251 : vector<20x256xi1>, vector<20x256xi32>
    %reduce_min3A_1253 = arith.constant dense<2147483647> : vector<20xi32>
    %reduce_min3A_1254 = vector.multi_reduction <minsi>, %select_n3A_1252, %reduce_min3A_1253 [1] : vector<20x256xi32> to vector<20xi32>
    %broadcast_in_dim3A_1255 = arith.constant 24576 : i32
    %broadcast_in_dim3A_1256 = vector.broadcast %broadcast_in_dim3A_1255 : i32 to vector<12xi32>
    %concatenate3A = tpu.concatenate %reduce_min3A_1254, %broadcast_in_dim3A_1256 in 0 : vector<20xi32>, vector<12xi32> -> vector<32xi32>
    %reshape3A = vector.shape_cast %concatenate3A : vector<32xi32> to vector<1x1x32xi32>
    %swap3A = arith.constant 0 : index
    %swap3A_1257 = arith.constant 0 : index
    %swap3A_1258 = arith.constant 0 : index
    %swap3A_1259 = vector.load %arg5[%swap3A, %swap3A_1257, %swap3A_1258] : memref<1x1x32xi32, #tpu.memory_space<vmem>>, vector<1x1x32xi32>
    tpu.vector_store %arg5[%swap3A, %swap3A_1257, %swap3A_1258], %reshape3A {strides = array<i32>} : memref<1x1x32xi32, #tpu.memory_space<vmem>>, vector<1x1x32xi32>,
    %swap3A_1260 = arith.constant 0 : index
    %swap3A_1261 = arith.constant 0 : index
    %swap3A_1262 = arith.constant 0 : index
    %swap3A_1263 = vector.load %arg3[%swap3A_1260, %swap3A_1261, %swap3A_1262] : memref<1x96x256xf32, #tpu.memory_space<vmem>>, vector<1x96x256xf32>
    %swap3A_1264 = vector.shape_cast %swap3A_1263 : vector<1x96x256xf32> to vector<96x256xf32>
    %swap3A_1265 = vector.shape_cast %select_n3A_1190 : vector<96x256xf32> to vector<1x96x256xf32>
    tpu.vector_store %arg3[%swap3A_1260, %swap3A_1261, %swap3A_1262], %swap3A_1265 {strides = array<i32>} : memref<1x96x256xf32, #tpu.memory_space<vmem>>, vector<1x96x256xf32>,
    %swap3A_1266 = arith.constant 0 : index
    %swap3A_1267 = arith.constant 0 : index
    %swap3A_1268 = arith.constant 0 : index
    %swap3A_1269 = vector.load %arg4[%swap3A_1266, %swap3A_1267, %swap3A_1268] : memref<1x96x256xi32, #tpu.memory_space<vmem>>, vector<1x96x256xi32>
    %swap3A_1270 = vector.shape_cast %swap3A_1269 : vector<1x96x256xi32> to vector<96x256xi32>
    %swap3A_1271 = vector.shape_cast %select_n3A_1193 : vector<96x256xi32> to vector<1x96x256xi32>
    tpu.vector_store %arg4[%swap3A_1266, %swap3A_1267, %swap3A_1268], %swap3A_1271 {strides = array<i32>} : memref<1x96x256xi32, #tpu.memory_space<vmem>>, vector<1x96x256xi32>,
    return
  }
  func.func @transform_0(%arg0: i32) -> (i32, i32, i32) {
    %c0_i32 = arith.constant 0 : i32
    %c0_i32_0 = arith.constant 0 : i32
    %c0_i32_1 = arith.constant 0 : i32
    %c0_i32_2 = arith.constant 0 : i32
    return %c0_i32, %c0_i32_0, %c0_i32_1 : i32, i32, i32
  }
  func.func @transform_1(%arg0: i32) -> (i32, i32, i32) {
    %c0_i32 = arith.constant 0 : i32
    %c0_i32_0 = arith.constant 0 : i32
    %c0_i32_1 = arith.constant 0 : i32
    return %arg0, %c0_i32, %c0_i32_0 : i32, i32, i32
  }
  func.func @transform_2(%arg0: i32) -> (i32, i32, i32) {
    %c0_i32 = arith.constant 0 : i32
    %c0_i32_0 = arith.constant 0 : i32
    %c0_i32_1 = arith.constant 0 : i32
    return %arg0, %c0_i32, %c0_i32_0 : i32, i32, i32
  }
  func.func @transform_3(%arg0: i32) -> (i32, i32, i32) {
    %c0_i32 = arith.constant 0 : i32
    %c0_i32_0 = arith.constant 0 : i32
    %c0_i32_1 = arith.constant 0 : i32
    return %arg0, %c0_i32, %c0_i32_0 : i32, i32, i32
  }
  func.func @transform_4(%arg0: i32) -> (i32, i32, i32) {
    %c0_i32 = arith.constant 0 : i32
    %c0_i32_0 = arith.constant 0 : i32
    %c0_i32_1 = arith.constant 0 : i32
    return %arg0, %c0_i32, %c0_i32_0 : i32, i32, i32
  }
}

module attributes {stable_mosaic.version = 14 : i64} {
  func.func @_loss_kernel(%arg0: i32, %arg1: memref<1x25x96x256xf32, #tpu.memory_space<vmem>>, %arg2: memref<4x96x256xf32, #tpu.memory_space<vmem>>, %arg3: memref<1x20x5xf32, #tpu.memory_space<vmem>>, %arg4: memref<1x96x256xf32, #tpu.memory_space<vmem>>, %arg5: memref<1x96x256xi32, #tpu.memory_space<vmem>>, %arg6: memref<1x1x32xi32, #tpu.memory_space<vmem>>, %arg7: memref<1x96x256xf32, #tpu.memory_space<vmem>>, %arg8: memref<1x96x256xf32, #tpu.memory_space<vmem>>, %arg9: memref<1x1x128xf32, #tpu.memory_space<vmem>>) attributes {dimension_semantics = [#tpu.dimension_semantics<arbitrary>], iteration_bounds = array<i64: 32>, scalar_prefetch = 0 : i64, scratch_operands = 0 : i64, tpu.core_type = #tpu.core_type<tc>, window_params = [{transform_indices = @transform_0, window_bounds = array<i64: 1, 25, 96, 256>}, {pipeline_mode = #tpu.pipeline_mode<synchronous>, transform_indices = @transform_1, window_bounds = array<i64: 4, 96, 256>}, {transform_indices = @transform_2, window_bounds = array<i64: 1, 20, 5>}, {transform_indices = @transform_3, window_bounds = array<i64: 1, 96, 256>}, {transform_indices = @transform_4, window_bounds = array<i64: 1, 96, 256>}, {transform_indices = @transform_5, window_bounds = array<i64: 1, 1, 32>}, {transform_indices = @transform_6, window_bounds = array<i64: 1, 96, 256>}, {transform_indices = @transform_7, window_bounds = array<i64: 1, 96, 256>}, {transform_indices = @transform_8, window_bounds = array<i64: 1, 1, 128>}]} {
    %iota3A = tpu.iota {dimensions = array<i32: 0>} : vector<96x256xi32>
    %iota3A_0 = tpu.iota {dimensions = array<i32: 1>} : vector<96x256xi32>
    %mul3A = arith.constant 256 : i32
    %mul3A_1 = vector.broadcast %mul3A : i32 to vector<96x256xi32>
    %mul3A_2 = arith.muli %iota3A, %mul3A_1 : vector<96x256xi32>
    %add3A = arith.addi %mul3A_2, %iota3A_0 : vector<96x256xi32>
    %get3A = arith.constant 0 : index
    %get3A_3 = arith.constant 0 : index
    %get3A_4 = arith.constant 0 : index
    %get3A_5 = vector.load %arg4[%get3A, %get3A_3, %get3A_4] : memref<1x96x256xf32, #tpu.memory_space<vmem>>, vector<1x96x256xf32>
    %get3A_6 = vector.shape_cast %get3A_5 : vector<1x96x256xf32> to vector<96x256xf32>
    %get3A_7 = arith.constant 0 : index
    %get3A_8 = arith.constant 0 : index
    %get3A_9 = arith.constant 0 : index
    %get3A_10 = vector.load %arg5[%get3A_7, %get3A_8, %get3A_9] : memref<1x96x256xi32, #tpu.memory_space<vmem>>, vector<1x96x256xi32>
    %get3A_11 = vector.shape_cast %get3A_10 : vector<1x96x256xi32> to vector<96x256xi32>
    %iota3A_12 = tpu.iota {dimensions = array<i32: 2>} : vector<1x1x32xi32>
    %get3A_13 = arith.constant 0 : index
    %get3A_14 = arith.constant 0 : index
    %get3A_15 = arith.constant 0 : index
    %get3A_16 = vector.load %arg6[%get3A_13, %get3A_14, %get3A_15] : memref<1x1x32xi32, #tpu.memory_space<vmem>>, vector<1x1x32xi32>
    %eq3A = arith.constant 0 : i32
    %eq3A_17 = vector.broadcast %eq3A : i32 to vector<1x1x32xi32>
    %eq3A_18 = arith.cmpi eq, %iota3A_12, %eq3A_17 : vector<1x1x32xi32>
    %jit3A = arith.constant 0 : i32
    %broadcast_in_dim3A = vector.broadcast %jit3A : i32 to vector<1x1x32xi32>
    %select_n3A = arith.select %eq3A_18, %get3A_16, %broadcast_in_dim3A : vector<1x1x32xi1>, vector<1x1x32xi32>
    %reduce_sum3A = vector.shape_cast %select_n3A : vector<1x1x32xi32> to vector<1x1x1x32xi32>
    %reduce_sum3A_19 = arith.constant dense<0> : vector<1xi32>
    %reduce_sum3A_20 = vector.multi_reduction <add>, %reduce_sum3A, %reduce_sum3A_19 [1, 2, 3] : vector<1x1x1x32xi32> to vector<1xi32>
    %reduce_sum3A_21 = vector.shape_cast %reduce_sum3A_20 : vector<1xi32> to vector<1x1x1x1xi32>
    %reduce_sum3A_22 = vector.extract %reduce_sum3A_21[0, 0, 0, 0] : i32 from vector<1x1x1x1xi32>
    %eq3A_23 = vector.broadcast %reduce_sum3A_22 : i32 to vector<96x256xi32>
    %eq3A_24 = arith.cmpi eq, %add3A, %eq3A_23 : vector<96x256xi32>
    %jit3A_25 = arith.constant 2.000000e+00 : f32
    %broadcast_in_dim3A_26 = vector.broadcast %jit3A_25 : f32 to vector<96x256xf32>
    %select_n3A_27 = arith.select %eq3A_24, %broadcast_in_dim3A_26, %get3A_6 : vector<96x256xi1>, vector<96x256xf32>
    %jit3A_28 = arith.constant 0 : i32
    %broadcast_in_dim3A_29 = vector.broadcast %jit3A_28 : i32 to vector<96x256xi32>
    %select_n3A_30 = arith.select %eq3A_24, %broadcast_in_dim3A_29, %get3A_11 : vector<96x256xi1>, vector<96x256xi32>
    %eq3A_31 = arith.constant 1 : i32
    %eq3A_32 = vector.broadcast %eq3A_31 : i32 to vector<1x1x32xi32>
    %eq3A_33 = arith.cmpi eq, %iota3A_12, %eq3A_32 : vector<1x1x32xi32>
    %jit3A_34 = arith.constant 0 : i32
    %broadcast_in_dim3A_35 = vector.broadcast %jit3A_34 : i32 to vector<1x1x32xi32>
    %select_n3A_36 = arith.select %eq3A_33, %get3A_16, %broadcast_in_dim3A_35 : vector<1x1x32xi1>, vector<1x1x32xi32>
    %reduce_sum3A_37 = vector.shape_cast %select_n3A_36 : vector<1x1x32xi32> to vector<1x1x1x32xi32>
    %reduce_sum3A_38 = arith.constant dense<0> : vector<1xi32>
    %reduce_sum3A_39 = vector.multi_reduction <add>, %reduce_sum3A_37, %reduce_sum3A_38 [1, 2, 3] : vector<1x1x1x32xi32> to vector<1xi32>
    %reduce_sum3A_40 = vector.shape_cast %reduce_sum3A_39 : vector<1xi32> to vector<1x1x1x1xi32>
    %reduce_sum3A_41 = vector.extract %reduce_sum3A_40[0, 0, 0, 0] : i32 from vector<1x1x1x1xi32>
    %eq3A_42 = vector.broadcast %reduce_sum3A_41 : i32 to vector<96x256xi32>
    %eq3A_43 = arith.cmpi eq, %add3A, %eq3A_42 : vector<96x256xi32>
    %jit3A_44 = arith.constant 2.000000e+00 : f32
    %broadcast_in_dim3A_45 = vector.broadcast %jit3A_44 : f32 to vector<96x256xf32>
    %select_n3A_46 = arith.select %eq3A_43, %broadcast_in_dim3A_45, %select_n3A_27 : vector<96x256xi1>, vector<96x256xf32>
    %jit3A_47 = arith.constant 1 : i32
    %broadcast_in_dim3A_48 = vector.broadcast %jit3A_47 : i32 to vector<96x256xi32>
    %select_n3A_49 = arith.select %eq3A_43, %broadcast_in_dim3A_48, %select_n3A_30 : vector<96x256xi1>, vector<96x256xi32>
    %eq3A_50 = arith.constant 2 : i32
    %eq3A_51 = vector.broadcast %eq3A_50 : i32 to vector<1x1x32xi32>
    %eq3A_52 = arith.cmpi eq, %iota3A_12, %eq3A_51 : vector<1x1x32xi32>
    %jit3A_53 = arith.constant 0 : i32
    %broadcast_in_dim3A_54 = vector.broadcast %jit3A_53 : i32 to vector<1x1x32xi32>
    %select_n3A_55 = arith.select %eq3A_52, %get3A_16, %broadcast_in_dim3A_54 : vector<1x1x32xi1>, vector<1x1x32xi32>
    %reduce_sum3A_56 = vector.shape_cast %select_n3A_55 : vector<1x1x32xi32> to vector<1x1x1x32xi32>
    %reduce_sum3A_57 = arith.constant dense<0> : vector<1xi32>
    %reduce_sum3A_58 = vector.multi_reduction <add>, %reduce_sum3A_56, %reduce_sum3A_57 [1, 2, 3] : vector<1x1x1x32xi32> to vector<1xi32>
    %reduce_sum3A_59 = vector.shape_cast %reduce_sum3A_58 : vector<1xi32> to vector<1x1x1x1xi32>
    %reduce_sum3A_60 = vector.extract %reduce_sum3A_59[0, 0, 0, 0] : i32 from vector<1x1x1x1xi32>
    %eq3A_61 = vector.broadcast %reduce_sum3A_60 : i32 to vector<96x256xi32>
    %eq3A_62 = arith.cmpi eq, %add3A, %eq3A_61 : vector<96x256xi32>
    %jit3A_63 = arith.constant 2.000000e+00 : f32
    %broadcast_in_dim3A_64 = vector.broadcast %jit3A_63 : f32 to vector<96x256xf32>
    %select_n3A_65 = arith.select %eq3A_62, %broadcast_in_dim3A_64, %select_n3A_46 : vector<96x256xi1>, vector<96x256xf32>
    %jit3A_66 = arith.constant 2 : i32
    %broadcast_in_dim3A_67 = vector.broadcast %jit3A_66 : i32 to vector<96x256xi32>
    %select_n3A_68 = arith.select %eq3A_62, %broadcast_in_dim3A_67, %select_n3A_49 : vector<96x256xi1>, vector<96x256xi32>
    %eq3A_69 = arith.constant 3 : i32
    %eq3A_70 = vector.broadcast %eq3A_69 : i32 to vector<1x1x32xi32>
    %eq3A_71 = arith.cmpi eq, %iota3A_12, %eq3A_70 : vector<1x1x32xi32>
    %jit3A_72 = arith.constant 0 : i32
    %broadcast_in_dim3A_73 = vector.broadcast %jit3A_72 : i32 to vector<1x1x32xi32>
    %select_n3A_74 = arith.select %eq3A_71, %get3A_16, %broadcast_in_dim3A_73 : vector<1x1x32xi1>, vector<1x1x32xi32>
    %reduce_sum3A_75 = vector.shape_cast %select_n3A_74 : vector<1x1x32xi32> to vector<1x1x1x32xi32>
    %reduce_sum3A_76 = arith.constant dense<0> : vector<1xi32>
    %reduce_sum3A_77 = vector.multi_reduction <add>, %reduce_sum3A_75, %reduce_sum3A_76 [1, 2, 3] : vector<1x1x1x32xi32> to vector<1xi32>
    %reduce_sum3A_78 = vector.shape_cast %reduce_sum3A_77 : vector<1xi32> to vector<1x1x1x1xi32>
    %reduce_sum3A_79 = vector.extract %reduce_sum3A_78[0, 0, 0, 0] : i32 from vector<1x1x1x1xi32>
    %eq3A_80 = vector.broadcast %reduce_sum3A_79 : i32 to vector<96x256xi32>
    %eq3A_81 = arith.cmpi eq, %add3A, %eq3A_80 : vector<96x256xi32>
    %jit3A_82 = arith.constant 2.000000e+00 : f32
    %broadcast_in_dim3A_83 = vector.broadcast %jit3A_82 : f32 to vector<96x256xf32>
    %select_n3A_84 = arith.select %eq3A_81, %broadcast_in_dim3A_83, %select_n3A_65 : vector<96x256xi1>, vector<96x256xf32>
    %jit3A_85 = arith.constant 3 : i32
    %broadcast_in_dim3A_86 = vector.broadcast %jit3A_85 : i32 to vector<96x256xi32>
    %select_n3A_87 = arith.select %eq3A_81, %broadcast_in_dim3A_86, %select_n3A_68 : vector<96x256xi1>, vector<96x256xi32>
    %eq3A_88 = arith.constant 4 : i32
    %eq3A_89 = vector.broadcast %eq3A_88 : i32 to vector<1x1x32xi32>
    %eq3A_90 = arith.cmpi eq, %iota3A_12, %eq3A_89 : vector<1x1x32xi32>
    %jit3A_91 = arith.constant 0 : i32
    %broadcast_in_dim3A_92 = vector.broadcast %jit3A_91 : i32 to vector<1x1x32xi32>
    %select_n3A_93 = arith.select %eq3A_90, %get3A_16, %broadcast_in_dim3A_92 : vector<1x1x32xi1>, vector<1x1x32xi32>
    %reduce_sum3A_94 = vector.shape_cast %select_n3A_93 : vector<1x1x32xi32> to vector<1x1x1x32xi32>
    %reduce_sum3A_95 = arith.constant dense<0> : vector<1xi32>
    %reduce_sum3A_96 = vector.multi_reduction <add>, %reduce_sum3A_94, %reduce_sum3A_95 [1, 2, 3] : vector<1x1x1x32xi32> to vector<1xi32>
    %reduce_sum3A_97 = vector.shape_cast %reduce_sum3A_96 : vector<1xi32> to vector<1x1x1x1xi32>
    %reduce_sum3A_98 = vector.extract %reduce_sum3A_97[0, 0, 0, 0] : i32 from vector<1x1x1x1xi32>
    %eq3A_99 = vector.broadcast %reduce_sum3A_98 : i32 to vector<96x256xi32>
    %eq3A_100 = arith.cmpi eq, %add3A, %eq3A_99 : vector<96x256xi32>
    %jit3A_101 = arith.constant 2.000000e+00 : f32
    %broadcast_in_dim3A_102 = vector.broadcast %jit3A_101 : f32 to vector<96x256xf32>
    %select_n3A_103 = arith.select %eq3A_100, %broadcast_in_dim3A_102, %select_n3A_84 : vector<96x256xi1>, vector<96x256xf32>
    %jit3A_104 = arith.constant 4 : i32
    %broadcast_in_dim3A_105 = vector.broadcast %jit3A_104 : i32 to vector<96x256xi32>
    %select_n3A_106 = arith.select %eq3A_100, %broadcast_in_dim3A_105, %select_n3A_87 : vector<96x256xi1>, vector<96x256xi32>
    %eq3A_107 = arith.constant 5 : i32
    %eq3A_108 = vector.broadcast %eq3A_107 : i32 to vector<1x1x32xi32>
    %eq3A_109 = arith.cmpi eq, %iota3A_12, %eq3A_108 : vector<1x1x32xi32>
    %jit3A_110 = arith.constant 0 : i32
    %broadcast_in_dim3A_111 = vector.broadcast %jit3A_110 : i32 to vector<1x1x32xi32>
    %select_n3A_112 = arith.select %eq3A_109, %get3A_16, %broadcast_in_dim3A_111 : vector<1x1x32xi1>, vector<1x1x32xi32>
    %reduce_sum3A_113 = vector.shape_cast %select_n3A_112 : vector<1x1x32xi32> to vector<1x1x1x32xi32>
    %reduce_sum3A_114 = arith.constant dense<0> : vector<1xi32>
    %reduce_sum3A_115 = vector.multi_reduction <add>, %reduce_sum3A_113, %reduce_sum3A_114 [1, 2, 3] : vector<1x1x1x32xi32> to vector<1xi32>
    %reduce_sum3A_116 = vector.shape_cast %reduce_sum3A_115 : vector<1xi32> to vector<1x1x1x1xi32>
    %reduce_sum3A_117 = vector.extract %reduce_sum3A_116[0, 0, 0, 0] : i32 from vector<1x1x1x1xi32>
    %eq3A_118 = vector.broadcast %reduce_sum3A_117 : i32 to vector<96x256xi32>
    %eq3A_119 = arith.cmpi eq, %add3A, %eq3A_118 : vector<96x256xi32>
    %jit3A_120 = arith.constant 2.000000e+00 : f32
    %broadcast_in_dim3A_121 = vector.broadcast %jit3A_120 : f32 to vector<96x256xf32>
    %select_n3A_122 = arith.select %eq3A_119, %broadcast_in_dim3A_121, %select_n3A_103 : vector<96x256xi1>, vector<96x256xf32>
    %jit3A_123 = arith.constant 5 : i32
    %broadcast_in_dim3A_124 = vector.broadcast %jit3A_123 : i32 to vector<96x256xi32>
    %select_n3A_125 = arith.select %eq3A_119, %broadcast_in_dim3A_124, %select_n3A_106 : vector<96x256xi1>, vector<96x256xi32>
    %eq3A_126 = arith.constant 6 : i32
    %eq3A_127 = vector.broadcast %eq3A_126 : i32 to vector<1x1x32xi32>
    %eq3A_128 = arith.cmpi eq, %iota3A_12, %eq3A_127 : vector<1x1x32xi32>
    %jit3A_129 = arith.constant 0 : i32
    %broadcast_in_dim3A_130 = vector.broadcast %jit3A_129 : i32 to vector<1x1x32xi32>
    %select_n3A_131 = arith.select %eq3A_128, %get3A_16, %broadcast_in_dim3A_130 : vector<1x1x32xi1>, vector<1x1x32xi32>
    %reduce_sum3A_132 = vector.shape_cast %select_n3A_131 : vector<1x1x32xi32> to vector<1x1x1x32xi32>
    %reduce_sum3A_133 = arith.constant dense<0> : vector<1xi32>
    %reduce_sum3A_134 = vector.multi_reduction <add>, %reduce_sum3A_132, %reduce_sum3A_133 [1, 2, 3] : vector<1x1x1x32xi32> to vector<1xi32>
    %reduce_sum3A_135 = vector.shape_cast %reduce_sum3A_134 : vector<1xi32> to vector<1x1x1x1xi32>
    %reduce_sum3A_136 = vector.extract %reduce_sum3A_135[0, 0, 0, 0] : i32 from vector<1x1x1x1xi32>
    %eq3A_137 = vector.broadcast %reduce_sum3A_136 : i32 to vector<96x256xi32>
    %eq3A_138 = arith.cmpi eq, %add3A, %eq3A_137 : vector<96x256xi32>
    %jit3A_139 = arith.constant 2.000000e+00 : f32
    %broadcast_in_dim3A_140 = vector.broadcast %jit3A_139 : f32 to vector<96x256xf32>
    %select_n3A_141 = arith.select %eq3A_138, %broadcast_in_dim3A_140, %select_n3A_122 : vector<96x256xi1>, vector<96x256xf32>
    %jit3A_142 = arith.constant 6 : i32
    %broadcast_in_dim3A_143 = vector.broadcast %jit3A_142 : i32 to vector<96x256xi32>
    %select_n3A_144 = arith.select %eq3A_138, %broadcast_in_dim3A_143, %select_n3A_125 : vector<96x256xi1>, vector<96x256xi32>
    %eq3A_145 = arith.constant 7 : i32
    %eq3A_146 = vector.broadcast %eq3A_145 : i32 to vector<1x1x32xi32>
    %eq3A_147 = arith.cmpi eq, %iota3A_12, %eq3A_146 : vector<1x1x32xi32>
    %jit3A_148 = arith.constant 0 : i32
    %broadcast_in_dim3A_149 = vector.broadcast %jit3A_148 : i32 to vector<1x1x32xi32>
    %select_n3A_150 = arith.select %eq3A_147, %get3A_16, %broadcast_in_dim3A_149 : vector<1x1x32xi1>, vector<1x1x32xi32>
    %reduce_sum3A_151 = vector.shape_cast %select_n3A_150 : vector<1x1x32xi32> to vector<1x1x1x32xi32>
    %reduce_sum3A_152 = arith.constant dense<0> : vector<1xi32>
    %reduce_sum3A_153 = vector.multi_reduction <add>, %reduce_sum3A_151, %reduce_sum3A_152 [1, 2, 3] : vector<1x1x1x32xi32> to vector<1xi32>
    %reduce_sum3A_154 = vector.shape_cast %reduce_sum3A_153 : vector<1xi32> to vector<1x1x1x1xi32>
    %reduce_sum3A_155 = vector.extract %reduce_sum3A_154[0, 0, 0, 0] : i32 from vector<1x1x1x1xi32>
    %eq3A_156 = vector.broadcast %reduce_sum3A_155 : i32 to vector<96x256xi32>
    %eq3A_157 = arith.cmpi eq, %add3A, %eq3A_156 : vector<96x256xi32>
    %jit3A_158 = arith.constant 2.000000e+00 : f32
    %broadcast_in_dim3A_159 = vector.broadcast %jit3A_158 : f32 to vector<96x256xf32>
    %select_n3A_160 = arith.select %eq3A_157, %broadcast_in_dim3A_159, %select_n3A_141 : vector<96x256xi1>, vector<96x256xf32>
    %jit3A_161 = arith.constant 7 : i32
    %broadcast_in_dim3A_162 = vector.broadcast %jit3A_161 : i32 to vector<96x256xi32>
    %select_n3A_163 = arith.select %eq3A_157, %broadcast_in_dim3A_162, %select_n3A_144 : vector<96x256xi1>, vector<96x256xi32>
    %eq3A_164 = arith.constant 8 : i32
    %eq3A_165 = vector.broadcast %eq3A_164 : i32 to vector<1x1x32xi32>
    %eq3A_166 = arith.cmpi eq, %iota3A_12, %eq3A_165 : vector<1x1x32xi32>
    %jit3A_167 = arith.constant 0 : i32
    %broadcast_in_dim3A_168 = vector.broadcast %jit3A_167 : i32 to vector<1x1x32xi32>
    %select_n3A_169 = arith.select %eq3A_166, %get3A_16, %broadcast_in_dim3A_168 : vector<1x1x32xi1>, vector<1x1x32xi32>
    %reduce_sum3A_170 = vector.shape_cast %select_n3A_169 : vector<1x1x32xi32> to vector<1x1x1x32xi32>
    %reduce_sum3A_171 = arith.constant dense<0> : vector<1xi32>
    %reduce_sum3A_172 = vector.multi_reduction <add>, %reduce_sum3A_170, %reduce_sum3A_171 [1, 2, 3] : vector<1x1x1x32xi32> to vector<1xi32>
    %reduce_sum3A_173 = vector.shape_cast %reduce_sum3A_172 : vector<1xi32> to vector<1x1x1x1xi32>
    %reduce_sum3A_174 = vector.extract %reduce_sum3A_173[0, 0, 0, 0] : i32 from vector<1x1x1x1xi32>
    %eq3A_175 = vector.broadcast %reduce_sum3A_174 : i32 to vector<96x256xi32>
    %eq3A_176 = arith.cmpi eq, %add3A, %eq3A_175 : vector<96x256xi32>
    %jit3A_177 = arith.constant 2.000000e+00 : f32
    %broadcast_in_dim3A_178 = vector.broadcast %jit3A_177 : f32 to vector<96x256xf32>
    %select_n3A_179 = arith.select %eq3A_176, %broadcast_in_dim3A_178, %select_n3A_160 : vector<96x256xi1>, vector<96x256xf32>
    %jit3A_180 = arith.constant 8 : i32
    %broadcast_in_dim3A_181 = vector.broadcast %jit3A_180 : i32 to vector<96x256xi32>
    %select_n3A_182 = arith.select %eq3A_176, %broadcast_in_dim3A_181, %select_n3A_163 : vector<96x256xi1>, vector<96x256xi32>
    %eq3A_183 = arith.constant 9 : i32
    %eq3A_184 = vector.broadcast %eq3A_183 : i32 to vector<1x1x32xi32>
    %eq3A_185 = arith.cmpi eq, %iota3A_12, %eq3A_184 : vector<1x1x32xi32>
    %jit3A_186 = arith.constant 0 : i32
    %broadcast_in_dim3A_187 = vector.broadcast %jit3A_186 : i32 to vector<1x1x32xi32>
    %select_n3A_188 = arith.select %eq3A_185, %get3A_16, %broadcast_in_dim3A_187 : vector<1x1x32xi1>, vector<1x1x32xi32>
    %reduce_sum3A_189 = vector.shape_cast %select_n3A_188 : vector<1x1x32xi32> to vector<1x1x1x32xi32>
    %reduce_sum3A_190 = arith.constant dense<0> : vector<1xi32>
    %reduce_sum3A_191 = vector.multi_reduction <add>, %reduce_sum3A_189, %reduce_sum3A_190 [1, 2, 3] : vector<1x1x1x32xi32> to vector<1xi32>
    %reduce_sum3A_192 = vector.shape_cast %reduce_sum3A_191 : vector<1xi32> to vector<1x1x1x1xi32>
    %reduce_sum3A_193 = vector.extract %reduce_sum3A_192[0, 0, 0, 0] : i32 from vector<1x1x1x1xi32>
    %eq3A_194 = vector.broadcast %reduce_sum3A_193 : i32 to vector<96x256xi32>
    %eq3A_195 = arith.cmpi eq, %add3A, %eq3A_194 : vector<96x256xi32>
    %jit3A_196 = arith.constant 2.000000e+00 : f32
    %broadcast_in_dim3A_197 = vector.broadcast %jit3A_196 : f32 to vector<96x256xf32>
    %select_n3A_198 = arith.select %eq3A_195, %broadcast_in_dim3A_197, %select_n3A_179 : vector<96x256xi1>, vector<96x256xf32>
    %jit3A_199 = arith.constant 9 : i32
    %broadcast_in_dim3A_200 = vector.broadcast %jit3A_199 : i32 to vector<96x256xi32>
    %select_n3A_201 = arith.select %eq3A_195, %broadcast_in_dim3A_200, %select_n3A_182 : vector<96x256xi1>, vector<96x256xi32>
    %eq3A_202 = arith.constant 10 : i32
    %eq3A_203 = vector.broadcast %eq3A_202 : i32 to vector<1x1x32xi32>
    %eq3A_204 = arith.cmpi eq, %iota3A_12, %eq3A_203 : vector<1x1x32xi32>
    %jit3A_205 = arith.constant 0 : i32
    %broadcast_in_dim3A_206 = vector.broadcast %jit3A_205 : i32 to vector<1x1x32xi32>
    %select_n3A_207 = arith.select %eq3A_204, %get3A_16, %broadcast_in_dim3A_206 : vector<1x1x32xi1>, vector<1x1x32xi32>
    %reduce_sum3A_208 = vector.shape_cast %select_n3A_207 : vector<1x1x32xi32> to vector<1x1x1x32xi32>
    %reduce_sum3A_209 = arith.constant dense<0> : vector<1xi32>
    %reduce_sum3A_210 = vector.multi_reduction <add>, %reduce_sum3A_208, %reduce_sum3A_209 [1, 2, 3] : vector<1x1x1x32xi32> to vector<1xi32>
    %reduce_sum3A_211 = vector.shape_cast %reduce_sum3A_210 : vector<1xi32> to vector<1x1x1x1xi32>
    %reduce_sum3A_212 = vector.extract %reduce_sum3A_211[0, 0, 0, 0] : i32 from vector<1x1x1x1xi32>
    %eq3A_213 = vector.broadcast %reduce_sum3A_212 : i32 to vector<96x256xi32>
    %eq3A_214 = arith.cmpi eq, %add3A, %eq3A_213 : vector<96x256xi32>
    %jit3A_215 = arith.constant 2.000000e+00 : f32
    %broadcast_in_dim3A_216 = vector.broadcast %jit3A_215 : f32 to vector<96x256xf32>
    %select_n3A_217 = arith.select %eq3A_214, %broadcast_in_dim3A_216, %select_n3A_198 : vector<96x256xi1>, vector<96x256xf32>
    %jit3A_218 = arith.constant 10 : i32
    %broadcast_in_dim3A_219 = vector.broadcast %jit3A_218 : i32 to vector<96x256xi32>
    %select_n3A_220 = arith.select %eq3A_214, %broadcast_in_dim3A_219, %select_n3A_201 : vector<96x256xi1>, vector<96x256xi32>
    %eq3A_221 = arith.constant 11 : i32
    %eq3A_222 = vector.broadcast %eq3A_221 : i32 to vector<1x1x32xi32>
    %eq3A_223 = arith.cmpi eq, %iota3A_12, %eq3A_222 : vector<1x1x32xi32>
    %jit3A_224 = arith.constant 0 : i32
    %broadcast_in_dim3A_225 = vector.broadcast %jit3A_224 : i32 to vector<1x1x32xi32>
    %select_n3A_226 = arith.select %eq3A_223, %get3A_16, %broadcast_in_dim3A_225 : vector<1x1x32xi1>, vector<1x1x32xi32>
    %reduce_sum3A_227 = vector.shape_cast %select_n3A_226 : vector<1x1x32xi32> to vector<1x1x1x32xi32>
    %reduce_sum3A_228 = arith.constant dense<0> : vector<1xi32>
    %reduce_sum3A_229 = vector.multi_reduction <add>, %reduce_sum3A_227, %reduce_sum3A_228 [1, 2, 3] : vector<1x1x1x32xi32> to vector<1xi32>
    %reduce_sum3A_230 = vector.shape_cast %reduce_sum3A_229 : vector<1xi32> to vector<1x1x1x1xi32>
    %reduce_sum3A_231 = vector.extract %reduce_sum3A_230[0, 0, 0, 0] : i32 from vector<1x1x1x1xi32>
    %eq3A_232 = vector.broadcast %reduce_sum3A_231 : i32 to vector<96x256xi32>
    %eq3A_233 = arith.cmpi eq, %add3A, %eq3A_232 : vector<96x256xi32>
    %jit3A_234 = arith.constant 2.000000e+00 : f32
    %broadcast_in_dim3A_235 = vector.broadcast %jit3A_234 : f32 to vector<96x256xf32>
    %select_n3A_236 = arith.select %eq3A_233, %broadcast_in_dim3A_235, %select_n3A_217 : vector<96x256xi1>, vector<96x256xf32>
    %jit3A_237 = arith.constant 11 : i32
    %broadcast_in_dim3A_238 = vector.broadcast %jit3A_237 : i32 to vector<96x256xi32>
    %select_n3A_239 = arith.select %eq3A_233, %broadcast_in_dim3A_238, %select_n3A_220 : vector<96x256xi1>, vector<96x256xi32>
    %eq3A_240 = arith.constant 12 : i32
    %eq3A_241 = vector.broadcast %eq3A_240 : i32 to vector<1x1x32xi32>
    %eq3A_242 = arith.cmpi eq, %iota3A_12, %eq3A_241 : vector<1x1x32xi32>
    %jit3A_243 = arith.constant 0 : i32
    %broadcast_in_dim3A_244 = vector.broadcast %jit3A_243 : i32 to vector<1x1x32xi32>
    %select_n3A_245 = arith.select %eq3A_242, %get3A_16, %broadcast_in_dim3A_244 : vector<1x1x32xi1>, vector<1x1x32xi32>
    %reduce_sum3A_246 = vector.shape_cast %select_n3A_245 : vector<1x1x32xi32> to vector<1x1x1x32xi32>
    %reduce_sum3A_247 = arith.constant dense<0> : vector<1xi32>
    %reduce_sum3A_248 = vector.multi_reduction <add>, %reduce_sum3A_246, %reduce_sum3A_247 [1, 2, 3] : vector<1x1x1x32xi32> to vector<1xi32>
    %reduce_sum3A_249 = vector.shape_cast %reduce_sum3A_248 : vector<1xi32> to vector<1x1x1x1xi32>
    %reduce_sum3A_250 = vector.extract %reduce_sum3A_249[0, 0, 0, 0] : i32 from vector<1x1x1x1xi32>
    %eq3A_251 = vector.broadcast %reduce_sum3A_250 : i32 to vector<96x256xi32>
    %eq3A_252 = arith.cmpi eq, %add3A, %eq3A_251 : vector<96x256xi32>
    %jit3A_253 = arith.constant 2.000000e+00 : f32
    %broadcast_in_dim3A_254 = vector.broadcast %jit3A_253 : f32 to vector<96x256xf32>
    %select_n3A_255 = arith.select %eq3A_252, %broadcast_in_dim3A_254, %select_n3A_236 : vector<96x256xi1>, vector<96x256xf32>
    %jit3A_256 = arith.constant 12 : i32
    %broadcast_in_dim3A_257 = vector.broadcast %jit3A_256 : i32 to vector<96x256xi32>
    %select_n3A_258 = arith.select %eq3A_252, %broadcast_in_dim3A_257, %select_n3A_239 : vector<96x256xi1>, vector<96x256xi32>
    %eq3A_259 = arith.constant 13 : i32
    %eq3A_260 = vector.broadcast %eq3A_259 : i32 to vector<1x1x32xi32>
    %eq3A_261 = arith.cmpi eq, %iota3A_12, %eq3A_260 : vector<1x1x32xi32>
    %jit3A_262 = arith.constant 0 : i32
    %broadcast_in_dim3A_263 = vector.broadcast %jit3A_262 : i32 to vector<1x1x32xi32>
    %select_n3A_264 = arith.select %eq3A_261, %get3A_16, %broadcast_in_dim3A_263 : vector<1x1x32xi1>, vector<1x1x32xi32>
    %reduce_sum3A_265 = vector.shape_cast %select_n3A_264 : vector<1x1x32xi32> to vector<1x1x1x32xi32>
    %reduce_sum3A_266 = arith.constant dense<0> : vector<1xi32>
    %reduce_sum3A_267 = vector.multi_reduction <add>, %reduce_sum3A_265, %reduce_sum3A_266 [1, 2, 3] : vector<1x1x1x32xi32> to vector<1xi32>
    %reduce_sum3A_268 = vector.shape_cast %reduce_sum3A_267 : vector<1xi32> to vector<1x1x1x1xi32>
    %reduce_sum3A_269 = vector.extract %reduce_sum3A_268[0, 0, 0, 0] : i32 from vector<1x1x1x1xi32>
    %eq3A_270 = vector.broadcast %reduce_sum3A_269 : i32 to vector<96x256xi32>
    %eq3A_271 = arith.cmpi eq, %add3A, %eq3A_270 : vector<96x256xi32>
    %jit3A_272 = arith.constant 2.000000e+00 : f32
    %broadcast_in_dim3A_273 = vector.broadcast %jit3A_272 : f32 to vector<96x256xf32>
    %select_n3A_274 = arith.select %eq3A_271, %broadcast_in_dim3A_273, %select_n3A_255 : vector<96x256xi1>, vector<96x256xf32>
    %jit3A_275 = arith.constant 13 : i32
    %broadcast_in_dim3A_276 = vector.broadcast %jit3A_275 : i32 to vector<96x256xi32>
    %select_n3A_277 = arith.select %eq3A_271, %broadcast_in_dim3A_276, %select_n3A_258 : vector<96x256xi1>, vector<96x256xi32>
    %eq3A_278 = arith.constant 14 : i32
    %eq3A_279 = vector.broadcast %eq3A_278 : i32 to vector<1x1x32xi32>
    %eq3A_280 = arith.cmpi eq, %iota3A_12, %eq3A_279 : vector<1x1x32xi32>
    %jit3A_281 = arith.constant 0 : i32
    %broadcast_in_dim3A_282 = vector.broadcast %jit3A_281 : i32 to vector<1x1x32xi32>
    %select_n3A_283 = arith.select %eq3A_280, %get3A_16, %broadcast_in_dim3A_282 : vector<1x1x32xi1>, vector<1x1x32xi32>
    %reduce_sum3A_284 = vector.shape_cast %select_n3A_283 : vector<1x1x32xi32> to vector<1x1x1x32xi32>
    %reduce_sum3A_285 = arith.constant dense<0> : vector<1xi32>
    %reduce_sum3A_286 = vector.multi_reduction <add>, %reduce_sum3A_284, %reduce_sum3A_285 [1, 2, 3] : vector<1x1x1x32xi32> to vector<1xi32>
    %reduce_sum3A_287 = vector.shape_cast %reduce_sum3A_286 : vector<1xi32> to vector<1x1x1x1xi32>
    %reduce_sum3A_288 = vector.extract %reduce_sum3A_287[0, 0, 0, 0] : i32 from vector<1x1x1x1xi32>
    %eq3A_289 = vector.broadcast %reduce_sum3A_288 : i32 to vector<96x256xi32>
    %eq3A_290 = arith.cmpi eq, %add3A, %eq3A_289 : vector<96x256xi32>
    %jit3A_291 = arith.constant 2.000000e+00 : f32
    %broadcast_in_dim3A_292 = vector.broadcast %jit3A_291 : f32 to vector<96x256xf32>
    %select_n3A_293 = arith.select %eq3A_290, %broadcast_in_dim3A_292, %select_n3A_274 : vector<96x256xi1>, vector<96x256xf32>
    %jit3A_294 = arith.constant 14 : i32
    %broadcast_in_dim3A_295 = vector.broadcast %jit3A_294 : i32 to vector<96x256xi32>
    %select_n3A_296 = arith.select %eq3A_290, %broadcast_in_dim3A_295, %select_n3A_277 : vector<96x256xi1>, vector<96x256xi32>
    %eq3A_297 = arith.constant 15 : i32
    %eq3A_298 = vector.broadcast %eq3A_297 : i32 to vector<1x1x32xi32>
    %eq3A_299 = arith.cmpi eq, %iota3A_12, %eq3A_298 : vector<1x1x32xi32>
    %jit3A_300 = arith.constant 0 : i32
    %broadcast_in_dim3A_301 = vector.broadcast %jit3A_300 : i32 to vector<1x1x32xi32>
    %select_n3A_302 = arith.select %eq3A_299, %get3A_16, %broadcast_in_dim3A_301 : vector<1x1x32xi1>, vector<1x1x32xi32>
    %reduce_sum3A_303 = vector.shape_cast %select_n3A_302 : vector<1x1x32xi32> to vector<1x1x1x32xi32>
    %reduce_sum3A_304 = arith.constant dense<0> : vector<1xi32>
    %reduce_sum3A_305 = vector.multi_reduction <add>, %reduce_sum3A_303, %reduce_sum3A_304 [1, 2, 3] : vector<1x1x1x32xi32> to vector<1xi32>
    %reduce_sum3A_306 = vector.shape_cast %reduce_sum3A_305 : vector<1xi32> to vector<1x1x1x1xi32>
    %reduce_sum3A_307 = vector.extract %reduce_sum3A_306[0, 0, 0, 0] : i32 from vector<1x1x1x1xi32>
    %eq3A_308 = vector.broadcast %reduce_sum3A_307 : i32 to vector<96x256xi32>
    %eq3A_309 = arith.cmpi eq, %add3A, %eq3A_308 : vector<96x256xi32>
    %jit3A_310 = arith.constant 2.000000e+00 : f32
    %broadcast_in_dim3A_311 = vector.broadcast %jit3A_310 : f32 to vector<96x256xf32>
    %select_n3A_312 = arith.select %eq3A_309, %broadcast_in_dim3A_311, %select_n3A_293 : vector<96x256xi1>, vector<96x256xf32>
    %jit3A_313 = arith.constant 15 : i32
    %broadcast_in_dim3A_314 = vector.broadcast %jit3A_313 : i32 to vector<96x256xi32>
    %select_n3A_315 = arith.select %eq3A_309, %broadcast_in_dim3A_314, %select_n3A_296 : vector<96x256xi1>, vector<96x256xi32>
    %eq3A_316 = arith.constant 16 : i32
    %eq3A_317 = vector.broadcast %eq3A_316 : i32 to vector<1x1x32xi32>
    %eq3A_318 = arith.cmpi eq, %iota3A_12, %eq3A_317 : vector<1x1x32xi32>
    %jit3A_319 = arith.constant 0 : i32
    %broadcast_in_dim3A_320 = vector.broadcast %jit3A_319 : i32 to vector<1x1x32xi32>
    %select_n3A_321 = arith.select %eq3A_318, %get3A_16, %broadcast_in_dim3A_320 : vector<1x1x32xi1>, vector<1x1x32xi32>
    %reduce_sum3A_322 = vector.shape_cast %select_n3A_321 : vector<1x1x32xi32> to vector<1x1x1x32xi32>
    %reduce_sum3A_323 = arith.constant dense<0> : vector<1xi32>
    %reduce_sum3A_324 = vector.multi_reduction <add>, %reduce_sum3A_322, %reduce_sum3A_323 [1, 2, 3] : vector<1x1x1x32xi32> to vector<1xi32>
    %reduce_sum3A_325 = vector.shape_cast %reduce_sum3A_324 : vector<1xi32> to vector<1x1x1x1xi32>
    %reduce_sum3A_326 = vector.extract %reduce_sum3A_325[0, 0, 0, 0] : i32 from vector<1x1x1x1xi32>
    %eq3A_327 = vector.broadcast %reduce_sum3A_326 : i32 to vector<96x256xi32>
    %eq3A_328 = arith.cmpi eq, %add3A, %eq3A_327 : vector<96x256xi32>
    %jit3A_329 = arith.constant 2.000000e+00 : f32
    %broadcast_in_dim3A_330 = vector.broadcast %jit3A_329 : f32 to vector<96x256xf32>
    %select_n3A_331 = arith.select %eq3A_328, %broadcast_in_dim3A_330, %select_n3A_312 : vector<96x256xi1>, vector<96x256xf32>
    %jit3A_332 = arith.constant 16 : i32
    %broadcast_in_dim3A_333 = vector.broadcast %jit3A_332 : i32 to vector<96x256xi32>
    %select_n3A_334 = arith.select %eq3A_328, %broadcast_in_dim3A_333, %select_n3A_315 : vector<96x256xi1>, vector<96x256xi32>
    %eq3A_335 = arith.constant 17 : i32
    %eq3A_336 = vector.broadcast %eq3A_335 : i32 to vector<1x1x32xi32>
    %eq3A_337 = arith.cmpi eq, %iota3A_12, %eq3A_336 : vector<1x1x32xi32>
    %jit3A_338 = arith.constant 0 : i32
    %broadcast_in_dim3A_339 = vector.broadcast %jit3A_338 : i32 to vector<1x1x32xi32>
    %select_n3A_340 = arith.select %eq3A_337, %get3A_16, %broadcast_in_dim3A_339 : vector<1x1x32xi1>, vector<1x1x32xi32>
    %reduce_sum3A_341 = vector.shape_cast %select_n3A_340 : vector<1x1x32xi32> to vector<1x1x1x32xi32>
    %reduce_sum3A_342 = arith.constant dense<0> : vector<1xi32>
    %reduce_sum3A_343 = vector.multi_reduction <add>, %reduce_sum3A_341, %reduce_sum3A_342 [1, 2, 3] : vector<1x1x1x32xi32> to vector<1xi32>
    %reduce_sum3A_344 = vector.shape_cast %reduce_sum3A_343 : vector<1xi32> to vector<1x1x1x1xi32>
    %reduce_sum3A_345 = vector.extract %reduce_sum3A_344[0, 0, 0, 0] : i32 from vector<1x1x1x1xi32>
    %eq3A_346 = vector.broadcast %reduce_sum3A_345 : i32 to vector<96x256xi32>
    %eq3A_347 = arith.cmpi eq, %add3A, %eq3A_346 : vector<96x256xi32>
    %jit3A_348 = arith.constant 2.000000e+00 : f32
    %broadcast_in_dim3A_349 = vector.broadcast %jit3A_348 : f32 to vector<96x256xf32>
    %select_n3A_350 = arith.select %eq3A_347, %broadcast_in_dim3A_349, %select_n3A_331 : vector<96x256xi1>, vector<96x256xf32>
    %jit3A_351 = arith.constant 17 : i32
    %broadcast_in_dim3A_352 = vector.broadcast %jit3A_351 : i32 to vector<96x256xi32>
    %select_n3A_353 = arith.select %eq3A_347, %broadcast_in_dim3A_352, %select_n3A_334 : vector<96x256xi1>, vector<96x256xi32>
    %eq3A_354 = arith.constant 18 : i32
    %eq3A_355 = vector.broadcast %eq3A_354 : i32 to vector<1x1x32xi32>
    %eq3A_356 = arith.cmpi eq, %iota3A_12, %eq3A_355 : vector<1x1x32xi32>
    %jit3A_357 = arith.constant 0 : i32
    %broadcast_in_dim3A_358 = vector.broadcast %jit3A_357 : i32 to vector<1x1x32xi32>
    %select_n3A_359 = arith.select %eq3A_356, %get3A_16, %broadcast_in_dim3A_358 : vector<1x1x32xi1>, vector<1x1x32xi32>
    %reduce_sum3A_360 = vector.shape_cast %select_n3A_359 : vector<1x1x32xi32> to vector<1x1x1x32xi32>
    %reduce_sum3A_361 = arith.constant dense<0> : vector<1xi32>
    %reduce_sum3A_362 = vector.multi_reduction <add>, %reduce_sum3A_360, %reduce_sum3A_361 [1, 2, 3] : vector<1x1x1x32xi32> to vector<1xi32>
    %reduce_sum3A_363 = vector.shape_cast %reduce_sum3A_362 : vector<1xi32> to vector<1x1x1x1xi32>
    %reduce_sum3A_364 = vector.extract %reduce_sum3A_363[0, 0, 0, 0] : i32 from vector<1x1x1x1xi32>
    %eq3A_365 = vector.broadcast %reduce_sum3A_364 : i32 to vector<96x256xi32>
    %eq3A_366 = arith.cmpi eq, %add3A, %eq3A_365 : vector<96x256xi32>
    %jit3A_367 = arith.constant 2.000000e+00 : f32
    %broadcast_in_dim3A_368 = vector.broadcast %jit3A_367 : f32 to vector<96x256xf32>
    %select_n3A_369 = arith.select %eq3A_366, %broadcast_in_dim3A_368, %select_n3A_350 : vector<96x256xi1>, vector<96x256xf32>
    %jit3A_370 = arith.constant 18 : i32
    %broadcast_in_dim3A_371 = vector.broadcast %jit3A_370 : i32 to vector<96x256xi32>
    %select_n3A_372 = arith.select %eq3A_366, %broadcast_in_dim3A_371, %select_n3A_353 : vector<96x256xi1>, vector<96x256xi32>
    %eq3A_373 = arith.constant 19 : i32
    %eq3A_374 = vector.broadcast %eq3A_373 : i32 to vector<1x1x32xi32>
    %eq3A_375 = arith.cmpi eq, %iota3A_12, %eq3A_374 : vector<1x1x32xi32>
    %jit3A_376 = arith.constant 0 : i32
    %broadcast_in_dim3A_377 = vector.broadcast %jit3A_376 : i32 to vector<1x1x32xi32>
    %select_n3A_378 = arith.select %eq3A_375, %get3A_16, %broadcast_in_dim3A_377 : vector<1x1x32xi1>, vector<1x1x32xi32>
    %reduce_sum3A_379 = vector.shape_cast %select_n3A_378 : vector<1x1x32xi32> to vector<1x1x1x32xi32>
    %reduce_sum3A_380 = arith.constant dense<0> : vector<1xi32>
    %reduce_sum3A_381 = vector.multi_reduction <add>, %reduce_sum3A_379, %reduce_sum3A_380 [1, 2, 3] : vector<1x1x1x32xi32> to vector<1xi32>
    %reduce_sum3A_382 = vector.shape_cast %reduce_sum3A_381 : vector<1xi32> to vector<1x1x1x1xi32>
    %reduce_sum3A_383 = vector.extract %reduce_sum3A_382[0, 0, 0, 0] : i32 from vector<1x1x1x1xi32>
    %eq3A_384 = vector.broadcast %reduce_sum3A_383 : i32 to vector<96x256xi32>
    %eq3A_385 = arith.cmpi eq, %add3A, %eq3A_384 : vector<96x256xi32>
    %jit3A_386 = arith.constant 2.000000e+00 : f32
    %broadcast_in_dim3A_387 = vector.broadcast %jit3A_386 : f32 to vector<96x256xf32>
    %select_n3A_388 = arith.select %eq3A_385, %broadcast_in_dim3A_387, %select_n3A_369 : vector<96x256xi1>, vector<96x256xf32>
    %jit3A_389 = arith.constant 19 : i32
    %broadcast_in_dim3A_390 = vector.broadcast %jit3A_389 : i32 to vector<96x256xi32>
    %select_n3A_391 = arith.select %eq3A_385, %broadcast_in_dim3A_390, %select_n3A_372 : vector<96x256xi1>, vector<96x256xi32>
    %ge3A = arith.constant 5.000000e-01 : f32
    %ge3A_392 = vector.broadcast %ge3A : f32 to vector<96x256xf32>
    %ge3A_393 = arith.cmpf oge, %select_n3A_388, %ge3A_392 : vector<96x256xf32>
    %convert_element_type3A = arith.extui %ge3A_393 : vector<96x256xi1> to vector<96x256xi32>
    %convert_element_type3A_394 = arith.sitofp %convert_element_type3A : vector<96x256xi32> to vector<96x256xf32>
    %broadcast_in_dim3A_395 = arith.constant 0.000000e+00 : f32
    %broadcast_in_dim3A_396 = vector.broadcast %broadcast_in_dim3A_395 : f32 to vector<96x256xf32>
    %broadcast_in_dim3A_397 = arith.constant 0.000000e+00 : f32
    %broadcast_in_dim3A_398 = vector.broadcast %broadcast_in_dim3A_397 : f32 to vector<96x256xf32>
    %broadcast_in_dim3A_399 = arith.constant 0.000000e+00 : f32
    %broadcast_in_dim3A_400 = vector.broadcast %broadcast_in_dim3A_399 : f32 to vector<96x256xf32>
    %broadcast_in_dim3A_401 = arith.constant 0.000000e+00 : f32
    %broadcast_in_dim3A_402 = vector.broadcast %broadcast_in_dim3A_401 : f32 to vector<96x256xf32>
    %broadcast_in_dim3A_403 = arith.constant 0.000000e+00 : f32
    %broadcast_in_dim3A_404 = vector.broadcast %broadcast_in_dim3A_403 : f32 to vector<96x256xf32>
    %eq3A_405 = arith.constant 0 : i32
    %eq3A_406 = vector.broadcast %eq3A_405 : i32 to vector<96x256xi32>
    %eq3A_407 = arith.cmpi eq, %select_n3A_391, %eq3A_406 : vector<96x256xi32>
    %get3A_408 = arith.constant 0 : index
    %get3A_409 = arith.constant 0 : index
    %get3A_410 = arith.constant 4 : index
    %get3A_411 = vector.load %arg3[%get3A_408, %get3A_409, %get3A_410] : memref<1x20x5xf32, #tpu.memory_space<vmem>>, vector<1x1x1xf32>
    %get3A_412 = vector.extract %get3A_411[0, 0, 0] : f32 from vector<1x1x1xf32>
    %broadcast_in_dim3A_413 = vector.broadcast %get3A_412 : f32 to vector<96x256xf32>
    %select_n3A_414 = arith.select %eq3A_407, %broadcast_in_dim3A_413, %broadcast_in_dim3A_396 : vector<96x256xi1>, vector<96x256xf32>
    %get3A_415 = arith.constant 0 : index
    %get3A_416 = arith.constant 0 : index
    %get3A_417 = arith.constant 0 : index
    %get3A_418 = vector.load %arg3[%get3A_415, %get3A_416, %get3A_417] : memref<1x20x5xf32, #tpu.memory_space<vmem>>, vector<1x1x1xf32>
    %get3A_419 = vector.extract %get3A_418[0, 0, 0] : f32 from vector<1x1x1xf32>
    %broadcast_in_dim3A_420 = vector.broadcast %get3A_419 : f32 to vector<96x256xf32>
    %select_n3A_421 = arith.select %eq3A_407, %broadcast_in_dim3A_420, %broadcast_in_dim3A_398 : vector<96x256xi1>, vector<96x256xf32>
    %get3A_422 = arith.constant 0 : index
    %get3A_423 = arith.constant 0 : index
    %get3A_424 = arith.constant 1 : index
    %get3A_425 = vector.load %arg3[%get3A_422, %get3A_423, %get3A_424] : memref<1x20x5xf32, #tpu.memory_space<vmem>>, vector<1x1x1xf32>
    %get3A_426 = vector.extract %get3A_425[0, 0, 0] : f32 from vector<1x1x1xf32>
    %broadcast_in_dim3A_427 = vector.broadcast %get3A_426 : f32 to vector<96x256xf32>
    %select_n3A_428 = arith.select %eq3A_407, %broadcast_in_dim3A_427, %broadcast_in_dim3A_400 : vector<96x256xi1>, vector<96x256xf32>
    %get3A_429 = arith.constant 0 : index
    %get3A_430 = arith.constant 0 : index
    %get3A_431 = arith.constant 2 : index
    %get3A_432 = vector.load %arg3[%get3A_429, %get3A_430, %get3A_431] : memref<1x20x5xf32, #tpu.memory_space<vmem>>, vector<1x1x1xf32>
    %get3A_433 = vector.extract %get3A_432[0, 0, 0] : f32 from vector<1x1x1xf32>
    %broadcast_in_dim3A_434 = vector.broadcast %get3A_433 : f32 to vector<96x256xf32>
    %select_n3A_435 = arith.select %eq3A_407, %broadcast_in_dim3A_434, %broadcast_in_dim3A_402 : vector<96x256xi1>, vector<96x256xf32>
    %get3A_436 = arith.constant 0 : index
    %get3A_437 = arith.constant 0 : index
    %get3A_438 = arith.constant 3 : index
    %get3A_439 = vector.load %arg3[%get3A_436, %get3A_437, %get3A_438] : memref<1x20x5xf32, #tpu.memory_space<vmem>>, vector<1x1x1xf32>
    %get3A_440 = vector.extract %get3A_439[0, 0, 0] : f32 from vector<1x1x1xf32>
    %broadcast_in_dim3A_441 = vector.broadcast %get3A_440 : f32 to vector<96x256xf32>
    %select_n3A_442 = arith.select %eq3A_407, %broadcast_in_dim3A_441, %broadcast_in_dim3A_404 : vector<96x256xi1>, vector<96x256xf32>
    %eq3A_443 = arith.constant 1 : i32
    %eq3A_444 = vector.broadcast %eq3A_443 : i32 to vector<96x256xi32>
    %eq3A_445 = arith.cmpi eq, %select_n3A_391, %eq3A_444 : vector<96x256xi32>
    %get3A_446 = arith.constant 0 : index
    %get3A_447 = arith.constant 1 : index
    %get3A_448 = arith.constant 4 : index
    %get3A_449 = vector.load %arg3[%get3A_446, %get3A_447, %get3A_448] : memref<1x20x5xf32, #tpu.memory_space<vmem>>, vector<1x1x1xf32>
    %get3A_450 = vector.extract %get3A_449[0, 0, 0] : f32 from vector<1x1x1xf32>
    %broadcast_in_dim3A_451 = vector.broadcast %get3A_450 : f32 to vector<96x256xf32>
    %select_n3A_452 = arith.select %eq3A_445, %broadcast_in_dim3A_451, %select_n3A_414 : vector<96x256xi1>, vector<96x256xf32>
    %get3A_453 = arith.constant 0 : index
    %get3A_454 = arith.constant 1 : index
    %get3A_455 = arith.constant 0 : index
    %get3A_456 = vector.load %arg3[%get3A_453, %get3A_454, %get3A_455] : memref<1x20x5xf32, #tpu.memory_space<vmem>>, vector<1x1x1xf32>
    %get3A_457 = vector.extract %get3A_456[0, 0, 0] : f32 from vector<1x1x1xf32>
    %broadcast_in_dim3A_458 = vector.broadcast %get3A_457 : f32 to vector<96x256xf32>
    %select_n3A_459 = arith.select %eq3A_445, %broadcast_in_dim3A_458, %select_n3A_421 : vector<96x256xi1>, vector<96x256xf32>
    %get3A_460 = arith.constant 0 : index
    %get3A_461 = arith.constant 1 : index
    %get3A_462 = arith.constant 1 : index
    %get3A_463 = vector.load %arg3[%get3A_460, %get3A_461, %get3A_462] : memref<1x20x5xf32, #tpu.memory_space<vmem>>, vector<1x1x1xf32>
    %get3A_464 = vector.extract %get3A_463[0, 0, 0] : f32 from vector<1x1x1xf32>
    %broadcast_in_dim3A_465 = vector.broadcast %get3A_464 : f32 to vector<96x256xf32>
    %select_n3A_466 = arith.select %eq3A_445, %broadcast_in_dim3A_465, %select_n3A_428 : vector<96x256xi1>, vector<96x256xf32>
    %get3A_467 = arith.constant 0 : index
    %get3A_468 = arith.constant 1 : index
    %get3A_469 = arith.constant 2 : index
    %get3A_470 = vector.load %arg3[%get3A_467, %get3A_468, %get3A_469] : memref<1x20x5xf32, #tpu.memory_space<vmem>>, vector<1x1x1xf32>
    %get3A_471 = vector.extract %get3A_470[0, 0, 0] : f32 from vector<1x1x1xf32>
    %broadcast_in_dim3A_472 = vector.broadcast %get3A_471 : f32 to vector<96x256xf32>
    %select_n3A_473 = arith.select %eq3A_445, %broadcast_in_dim3A_472, %select_n3A_435 : vector<96x256xi1>, vector<96x256xf32>
    %get3A_474 = arith.constant 0 : index
    %get3A_475 = arith.constant 1 : index
    %get3A_476 = arith.constant 3 : index
    %get3A_477 = vector.load %arg3[%get3A_474, %get3A_475, %get3A_476] : memref<1x20x5xf32, #tpu.memory_space<vmem>>, vector<1x1x1xf32>
    %get3A_478 = vector.extract %get3A_477[0, 0, 0] : f32 from vector<1x1x1xf32>
    %broadcast_in_dim3A_479 = vector.broadcast %get3A_478 : f32 to vector<96x256xf32>
    %select_n3A_480 = arith.select %eq3A_445, %broadcast_in_dim3A_479, %select_n3A_442 : vector<96x256xi1>, vector<96x256xf32>
    %eq3A_481 = arith.constant 2 : i32
    %eq3A_482 = vector.broadcast %eq3A_481 : i32 to vector<96x256xi32>
    %eq3A_483 = arith.cmpi eq, %select_n3A_391, %eq3A_482 : vector<96x256xi32>
    %get3A_484 = arith.constant 0 : index
    %get3A_485 = arith.constant 2 : index
    %get3A_486 = arith.constant 4 : index
    %get3A_487 = vector.load %arg3[%get3A_484, %get3A_485, %get3A_486] : memref<1x20x5xf32, #tpu.memory_space<vmem>>, vector<1x1x1xf32>
    %get3A_488 = vector.extract %get3A_487[0, 0, 0] : f32 from vector<1x1x1xf32>
    %broadcast_in_dim3A_489 = vector.broadcast %get3A_488 : f32 to vector<96x256xf32>
    %select_n3A_490 = arith.select %eq3A_483, %broadcast_in_dim3A_489, %select_n3A_452 : vector<96x256xi1>, vector<96x256xf32>
    %get3A_491 = arith.constant 0 : index
    %get3A_492 = arith.constant 2 : index
    %get3A_493 = arith.constant 0 : index
    %get3A_494 = vector.load %arg3[%get3A_491, %get3A_492, %get3A_493] : memref<1x20x5xf32, #tpu.memory_space<vmem>>, vector<1x1x1xf32>
    %get3A_495 = vector.extract %get3A_494[0, 0, 0] : f32 from vector<1x1x1xf32>
    %broadcast_in_dim3A_496 = vector.broadcast %get3A_495 : f32 to vector<96x256xf32>
    %select_n3A_497 = arith.select %eq3A_483, %broadcast_in_dim3A_496, %select_n3A_459 : vector<96x256xi1>, vector<96x256xf32>
    %get3A_498 = arith.constant 0 : index
    %get3A_499 = arith.constant 2 : index
    %get3A_500 = arith.constant 1 : index
    %get3A_501 = vector.load %arg3[%get3A_498, %get3A_499, %get3A_500] : memref<1x20x5xf32, #tpu.memory_space<vmem>>, vector<1x1x1xf32>
    %get3A_502 = vector.extract %get3A_501[0, 0, 0] : f32 from vector<1x1x1xf32>
    %broadcast_in_dim3A_503 = vector.broadcast %get3A_502 : f32 to vector<96x256xf32>
    %select_n3A_504 = arith.select %eq3A_483, %broadcast_in_dim3A_503, %select_n3A_466 : vector<96x256xi1>, vector<96x256xf32>
    %get3A_505 = arith.constant 0 : index
    %get3A_506 = arith.constant 2 : index
    %get3A_507 = arith.constant 2 : index
    %get3A_508 = vector.load %arg3[%get3A_505, %get3A_506, %get3A_507] : memref<1x20x5xf32, #tpu.memory_space<vmem>>, vector<1x1x1xf32>
    %get3A_509 = vector.extract %get3A_508[0, 0, 0] : f32 from vector<1x1x1xf32>
    %broadcast_in_dim3A_510 = vector.broadcast %get3A_509 : f32 to vector<96x256xf32>
    %select_n3A_511 = arith.select %eq3A_483, %broadcast_in_dim3A_510, %select_n3A_473 : vector<96x256xi1>, vector<96x256xf32>
    %get3A_512 = arith.constant 0 : index
    %get3A_513 = arith.constant 2 : index
    %get3A_514 = arith.constant 3 : index
    %get3A_515 = vector.load %arg3[%get3A_512, %get3A_513, %get3A_514] : memref<1x20x5xf32, #tpu.memory_space<vmem>>, vector<1x1x1xf32>
    %get3A_516 = vector.extract %get3A_515[0, 0, 0] : f32 from vector<1x1x1xf32>
    %broadcast_in_dim3A_517 = vector.broadcast %get3A_516 : f32 to vector<96x256xf32>
    %select_n3A_518 = arith.select %eq3A_483, %broadcast_in_dim3A_517, %select_n3A_480 : vector<96x256xi1>, vector<96x256xf32>
    %eq3A_519 = arith.constant 3 : i32
    %eq3A_520 = vector.broadcast %eq3A_519 : i32 to vector<96x256xi32>
    %eq3A_521 = arith.cmpi eq, %select_n3A_391, %eq3A_520 : vector<96x256xi32>
    %get3A_522 = arith.constant 0 : index
    %get3A_523 = arith.constant 3 : index
    %get3A_524 = arith.constant 4 : index
    %get3A_525 = vector.load %arg3[%get3A_522, %get3A_523, %get3A_524] : memref<1x20x5xf32, #tpu.memory_space<vmem>>, vector<1x1x1xf32>
    %get3A_526 = vector.extract %get3A_525[0, 0, 0] : f32 from vector<1x1x1xf32>
    %broadcast_in_dim3A_527 = vector.broadcast %get3A_526 : f32 to vector<96x256xf32>
    %select_n3A_528 = arith.select %eq3A_521, %broadcast_in_dim3A_527, %select_n3A_490 : vector<96x256xi1>, vector<96x256xf32>
    %get3A_529 = arith.constant 0 : index
    %get3A_530 = arith.constant 3 : index
    %get3A_531 = arith.constant 0 : index
    %get3A_532 = vector.load %arg3[%get3A_529, %get3A_530, %get3A_531] : memref<1x20x5xf32, #tpu.memory_space<vmem>>, vector<1x1x1xf32>
    %get3A_533 = vector.extract %get3A_532[0, 0, 0] : f32 from vector<1x1x1xf32>
    %broadcast_in_dim3A_534 = vector.broadcast %get3A_533 : f32 to vector<96x256xf32>
    %select_n3A_535 = arith.select %eq3A_521, %broadcast_in_dim3A_534, %select_n3A_497 : vector<96x256xi1>, vector<96x256xf32>
    %get3A_536 = arith.constant 0 : index
    %get3A_537 = arith.constant 3 : index
    %get3A_538 = arith.constant 1 : index
    %get3A_539 = vector.load %arg3[%get3A_536, %get3A_537, %get3A_538] : memref<1x20x5xf32, #tpu.memory_space<vmem>>, vector<1x1x1xf32>
    %get3A_540 = vector.extract %get3A_539[0, 0, 0] : f32 from vector<1x1x1xf32>
    %broadcast_in_dim3A_541 = vector.broadcast %get3A_540 : f32 to vector<96x256xf32>
    %select_n3A_542 = arith.select %eq3A_521, %broadcast_in_dim3A_541, %select_n3A_504 : vector<96x256xi1>, vector<96x256xf32>
    %get3A_543 = arith.constant 0 : index
    %get3A_544 = arith.constant 3 : index
    %get3A_545 = arith.constant 2 : index
    %get3A_546 = vector.load %arg3[%get3A_543, %get3A_544, %get3A_545] : memref<1x20x5xf32, #tpu.memory_space<vmem>>, vector<1x1x1xf32>
    %get3A_547 = vector.extract %get3A_546[0, 0, 0] : f32 from vector<1x1x1xf32>
    %broadcast_in_dim3A_548 = vector.broadcast %get3A_547 : f32 to vector<96x256xf32>
    %select_n3A_549 = arith.select %eq3A_521, %broadcast_in_dim3A_548, %select_n3A_511 : vector<96x256xi1>, vector<96x256xf32>
    %get3A_550 = arith.constant 0 : index
    %get3A_551 = arith.constant 3 : index
    %get3A_552 = arith.constant 3 : index
    %get3A_553 = vector.load %arg3[%get3A_550, %get3A_551, %get3A_552] : memref<1x20x5xf32, #tpu.memory_space<vmem>>, vector<1x1x1xf32>
    %get3A_554 = vector.extract %get3A_553[0, 0, 0] : f32 from vector<1x1x1xf32>
    %broadcast_in_dim3A_555 = vector.broadcast %get3A_554 : f32 to vector<96x256xf32>
    %select_n3A_556 = arith.select %eq3A_521, %broadcast_in_dim3A_555, %select_n3A_518 : vector<96x256xi1>, vector<96x256xf32>
    %eq3A_557 = arith.constant 4 : i32
    %eq3A_558 = vector.broadcast %eq3A_557 : i32 to vector<96x256xi32>
    %eq3A_559 = arith.cmpi eq, %select_n3A_391, %eq3A_558 : vector<96x256xi32>
    %get3A_560 = arith.constant 0 : index
    %get3A_561 = arith.constant 4 : index
    %get3A_562 = arith.constant 4 : index
    %get3A_563 = vector.load %arg3[%get3A_560, %get3A_561, %get3A_562] : memref<1x20x5xf32, #tpu.memory_space<vmem>>, vector<1x1x1xf32>
    %get3A_564 = vector.extract %get3A_563[0, 0, 0] : f32 from vector<1x1x1xf32>
    %broadcast_in_dim3A_565 = vector.broadcast %get3A_564 : f32 to vector<96x256xf32>
    %select_n3A_566 = arith.select %eq3A_559, %broadcast_in_dim3A_565, %select_n3A_528 : vector<96x256xi1>, vector<96x256xf32>
    %get3A_567 = arith.constant 0 : index
    %get3A_568 = arith.constant 4 : index
    %get3A_569 = arith.constant 0 : index
    %get3A_570 = vector.load %arg3[%get3A_567, %get3A_568, %get3A_569] : memref<1x20x5xf32, #tpu.memory_space<vmem>>, vector<1x1x1xf32>
    %get3A_571 = vector.extract %get3A_570[0, 0, 0] : f32 from vector<1x1x1xf32>
    %broadcast_in_dim3A_572 = vector.broadcast %get3A_571 : f32 to vector<96x256xf32>
    %select_n3A_573 = arith.select %eq3A_559, %broadcast_in_dim3A_572, %select_n3A_535 : vector<96x256xi1>, vector<96x256xf32>
    %get3A_574 = arith.constant 0 : index
    %get3A_575 = arith.constant 4 : index
    %get3A_576 = arith.constant 1 : index
    %get3A_577 = vector.load %arg3[%get3A_574, %get3A_575, %get3A_576] : memref<1x20x5xf32, #tpu.memory_space<vmem>>, vector<1x1x1xf32>
    %get3A_578 = vector.extract %get3A_577[0, 0, 0] : f32 from vector<1x1x1xf32>
    %broadcast_in_dim3A_579 = vector.broadcast %get3A_578 : f32 to vector<96x256xf32>
    %select_n3A_580 = arith.select %eq3A_559, %broadcast_in_dim3A_579, %select_n3A_542 : vector<96x256xi1>, vector<96x256xf32>
    %get3A_581 = arith.constant 0 : index
    %get3A_582 = arith.constant 4 : index
    %get3A_583 = arith.constant 2 : index
    %get3A_584 = vector.load %arg3[%get3A_581, %get3A_582, %get3A_583] : memref<1x20x5xf32, #tpu.memory_space<vmem>>, vector<1x1x1xf32>
    %get3A_585 = vector.extract %get3A_584[0, 0, 0] : f32 from vector<1x1x1xf32>
    %broadcast_in_dim3A_586 = vector.broadcast %get3A_585 : f32 to vector<96x256xf32>
    %select_n3A_587 = arith.select %eq3A_559, %broadcast_in_dim3A_586, %select_n3A_549 : vector<96x256xi1>, vector<96x256xf32>
    %get3A_588 = arith.constant 0 : index
    %get3A_589 = arith.constant 4 : index
    %get3A_590 = arith.constant 3 : index
    %get3A_591 = vector.load %arg3[%get3A_588, %get3A_589, %get3A_590] : memref<1x20x5xf32, #tpu.memory_space<vmem>>, vector<1x1x1xf32>
    %get3A_592 = vector.extract %get3A_591[0, 0, 0] : f32 from vector<1x1x1xf32>
    %broadcast_in_dim3A_593 = vector.broadcast %get3A_592 : f32 to vector<96x256xf32>
    %select_n3A_594 = arith.select %eq3A_559, %broadcast_in_dim3A_593, %select_n3A_556 : vector<96x256xi1>, vector<96x256xf32>
    %eq3A_595 = arith.constant 5 : i32
    %eq3A_596 = vector.broadcast %eq3A_595 : i32 to vector<96x256xi32>
    %eq3A_597 = arith.cmpi eq, %select_n3A_391, %eq3A_596 : vector<96x256xi32>
    %get3A_598 = arith.constant 0 : index
    %get3A_599 = arith.constant 5 : index
    %get3A_600 = arith.constant 4 : index
    %get3A_601 = vector.load %arg3[%get3A_598, %get3A_599, %get3A_600] : memref<1x20x5xf32, #tpu.memory_space<vmem>>, vector<1x1x1xf32>
    %get3A_602 = vector.extract %get3A_601[0, 0, 0] : f32 from vector<1x1x1xf32>
    %broadcast_in_dim3A_603 = vector.broadcast %get3A_602 : f32 to vector<96x256xf32>
    %select_n3A_604 = arith.select %eq3A_597, %broadcast_in_dim3A_603, %select_n3A_566 : vector<96x256xi1>, vector<96x256xf32>
    %get3A_605 = arith.constant 0 : index
    %get3A_606 = arith.constant 5 : index
    %get3A_607 = arith.constant 0 : index
    %get3A_608 = vector.load %arg3[%get3A_605, %get3A_606, %get3A_607] : memref<1x20x5xf32, #tpu.memory_space<vmem>>, vector<1x1x1xf32>
    %get3A_609 = vector.extract %get3A_608[0, 0, 0] : f32 from vector<1x1x1xf32>
    %broadcast_in_dim3A_610 = vector.broadcast %get3A_609 : f32 to vector<96x256xf32>
    %select_n3A_611 = arith.select %eq3A_597, %broadcast_in_dim3A_610, %select_n3A_573 : vector<96x256xi1>, vector<96x256xf32>
    %get3A_612 = arith.constant 0 : index
    %get3A_613 = arith.constant 5 : index
    %get3A_614 = arith.constant 1 : index
    %get3A_615 = vector.load %arg3[%get3A_612, %get3A_613, %get3A_614] : memref<1x20x5xf32, #tpu.memory_space<vmem>>, vector<1x1x1xf32>
    %get3A_616 = vector.extract %get3A_615[0, 0, 0] : f32 from vector<1x1x1xf32>
    %broadcast_in_dim3A_617 = vector.broadcast %get3A_616 : f32 to vector<96x256xf32>
    %select_n3A_618 = arith.select %eq3A_597, %broadcast_in_dim3A_617, %select_n3A_580 : vector<96x256xi1>, vector<96x256xf32>
    %get3A_619 = arith.constant 0 : index
    %get3A_620 = arith.constant 5 : index
    %get3A_621 = arith.constant 2 : index
    %get3A_622 = vector.load %arg3[%get3A_619, %get3A_620, %get3A_621] : memref<1x20x5xf32, #tpu.memory_space<vmem>>, vector<1x1x1xf32>
    %get3A_623 = vector.extract %get3A_622[0, 0, 0] : f32 from vector<1x1x1xf32>
    %broadcast_in_dim3A_624 = vector.broadcast %get3A_623 : f32 to vector<96x256xf32>
    %select_n3A_625 = arith.select %eq3A_597, %broadcast_in_dim3A_624, %select_n3A_587 : vector<96x256xi1>, vector<96x256xf32>
    %get3A_626 = arith.constant 0 : index
    %get3A_627 = arith.constant 5 : index
    %get3A_628 = arith.constant 3 : index
    %get3A_629 = vector.load %arg3[%get3A_626, %get3A_627, %get3A_628] : memref<1x20x5xf32, #tpu.memory_space<vmem>>, vector<1x1x1xf32>
    %get3A_630 = vector.extract %get3A_629[0, 0, 0] : f32 from vector<1x1x1xf32>
    %broadcast_in_dim3A_631 = vector.broadcast %get3A_630 : f32 to vector<96x256xf32>
    %select_n3A_632 = arith.select %eq3A_597, %broadcast_in_dim3A_631, %select_n3A_594 : vector<96x256xi1>, vector<96x256xf32>
    %eq3A_633 = arith.constant 6 : i32
    %eq3A_634 = vector.broadcast %eq3A_633 : i32 to vector<96x256xi32>
    %eq3A_635 = arith.cmpi eq, %select_n3A_391, %eq3A_634 : vector<96x256xi32>
    %get3A_636 = arith.constant 0 : index
    %get3A_637 = arith.constant 6 : index
    %get3A_638 = arith.constant 4 : index
    %get3A_639 = vector.load %arg3[%get3A_636, %get3A_637, %get3A_638] : memref<1x20x5xf32, #tpu.memory_space<vmem>>, vector<1x1x1xf32>
    %get3A_640 = vector.extract %get3A_639[0, 0, 0] : f32 from vector<1x1x1xf32>
    %broadcast_in_dim3A_641 = vector.broadcast %get3A_640 : f32 to vector<96x256xf32>
    %select_n3A_642 = arith.select %eq3A_635, %broadcast_in_dim3A_641, %select_n3A_604 : vector<96x256xi1>, vector<96x256xf32>
    %get3A_643 = arith.constant 0 : index
    %get3A_644 = arith.constant 6 : index
    %get3A_645 = arith.constant 0 : index
    %get3A_646 = vector.load %arg3[%get3A_643, %get3A_644, %get3A_645] : memref<1x20x5xf32, #tpu.memory_space<vmem>>, vector<1x1x1xf32>
    %get3A_647 = vector.extract %get3A_646[0, 0, 0] : f32 from vector<1x1x1xf32>
    %broadcast_in_dim3A_648 = vector.broadcast %get3A_647 : f32 to vector<96x256xf32>
    %select_n3A_649 = arith.select %eq3A_635, %broadcast_in_dim3A_648, %select_n3A_611 : vector<96x256xi1>, vector<96x256xf32>
    %get3A_650 = arith.constant 0 : index
    %get3A_651 = arith.constant 6 : index
    %get3A_652 = arith.constant 1 : index
    %get3A_653 = vector.load %arg3[%get3A_650, %get3A_651, %get3A_652] : memref<1x20x5xf32, #tpu.memory_space<vmem>>, vector<1x1x1xf32>
    %get3A_654 = vector.extract %get3A_653[0, 0, 0] : f32 from vector<1x1x1xf32>
    %broadcast_in_dim3A_655 = vector.broadcast %get3A_654 : f32 to vector<96x256xf32>
    %select_n3A_656 = arith.select %eq3A_635, %broadcast_in_dim3A_655, %select_n3A_618 : vector<96x256xi1>, vector<96x256xf32>
    %get3A_657 = arith.constant 0 : index
    %get3A_658 = arith.constant 6 : index
    %get3A_659 = arith.constant 2 : index
    %get3A_660 = vector.load %arg3[%get3A_657, %get3A_658, %get3A_659] : memref<1x20x5xf32, #tpu.memory_space<vmem>>, vector<1x1x1xf32>
    %get3A_661 = vector.extract %get3A_660[0, 0, 0] : f32 from vector<1x1x1xf32>
    %broadcast_in_dim3A_662 = vector.broadcast %get3A_661 : f32 to vector<96x256xf32>
    %select_n3A_663 = arith.select %eq3A_635, %broadcast_in_dim3A_662, %select_n3A_625 : vector<96x256xi1>, vector<96x256xf32>
    %get3A_664 = arith.constant 0 : index
    %get3A_665 = arith.constant 6 : index
    %get3A_666 = arith.constant 3 : index
    %get3A_667 = vector.load %arg3[%get3A_664, %get3A_665, %get3A_666] : memref<1x20x5xf32, #tpu.memory_space<vmem>>, vector<1x1x1xf32>
    %get3A_668 = vector.extract %get3A_667[0, 0, 0] : f32 from vector<1x1x1xf32>
    %broadcast_in_dim3A_669 = vector.broadcast %get3A_668 : f32 to vector<96x256xf32>
    %select_n3A_670 = arith.select %eq3A_635, %broadcast_in_dim3A_669, %select_n3A_632 : vector<96x256xi1>, vector<96x256xf32>
    %eq3A_671 = arith.constant 7 : i32
    %eq3A_672 = vector.broadcast %eq3A_671 : i32 to vector<96x256xi32>
    %eq3A_673 = arith.cmpi eq, %select_n3A_391, %eq3A_672 : vector<96x256xi32>
    %get3A_674 = arith.constant 0 : index
    %get3A_675 = arith.constant 7 : index
    %get3A_676 = arith.constant 4 : index
    %get3A_677 = vector.load %arg3[%get3A_674, %get3A_675, %get3A_676] : memref<1x20x5xf32, #tpu.memory_space<vmem>>, vector<1x1x1xf32>
    %get3A_678 = vector.extract %get3A_677[0, 0, 0] : f32 from vector<1x1x1xf32>
    %broadcast_in_dim3A_679 = vector.broadcast %get3A_678 : f32 to vector<96x256xf32>
    %select_n3A_680 = arith.select %eq3A_673, %broadcast_in_dim3A_679, %select_n3A_642 : vector<96x256xi1>, vector<96x256xf32>
    %get3A_681 = arith.constant 0 : index
    %get3A_682 = arith.constant 7 : index
    %get3A_683 = arith.constant 0 : index
    %get3A_684 = vector.load %arg3[%get3A_681, %get3A_682, %get3A_683] : memref<1x20x5xf32, #tpu.memory_space<vmem>>, vector<1x1x1xf32>
    %get3A_685 = vector.extract %get3A_684[0, 0, 0] : f32 from vector<1x1x1xf32>
    %broadcast_in_dim3A_686 = vector.broadcast %get3A_685 : f32 to vector<96x256xf32>
    %select_n3A_687 = arith.select %eq3A_673, %broadcast_in_dim3A_686, %select_n3A_649 : vector<96x256xi1>, vector<96x256xf32>
    %get3A_688 = arith.constant 0 : index
    %get3A_689 = arith.constant 7 : index
    %get3A_690 = arith.constant 1 : index
    %get3A_691 = vector.load %arg3[%get3A_688, %get3A_689, %get3A_690] : memref<1x20x5xf32, #tpu.memory_space<vmem>>, vector<1x1x1xf32>
    %get3A_692 = vector.extract %get3A_691[0, 0, 0] : f32 from vector<1x1x1xf32>
    %broadcast_in_dim3A_693 = vector.broadcast %get3A_692 : f32 to vector<96x256xf32>
    %select_n3A_694 = arith.select %eq3A_673, %broadcast_in_dim3A_693, %select_n3A_656 : vector<96x256xi1>, vector<96x256xf32>
    %get3A_695 = arith.constant 0 : index
    %get3A_696 = arith.constant 7 : index
    %get3A_697 = arith.constant 2 : index
    %get3A_698 = vector.load %arg3[%get3A_695, %get3A_696, %get3A_697] : memref<1x20x5xf32, #tpu.memory_space<vmem>>, vector<1x1x1xf32>
    %get3A_699 = vector.extract %get3A_698[0, 0, 0] : f32 from vector<1x1x1xf32>
    %broadcast_in_dim3A_700 = vector.broadcast %get3A_699 : f32 to vector<96x256xf32>
    %select_n3A_701 = arith.select %eq3A_673, %broadcast_in_dim3A_700, %select_n3A_663 : vector<96x256xi1>, vector<96x256xf32>
    %get3A_702 = arith.constant 0 : index
    %get3A_703 = arith.constant 7 : index
    %get3A_704 = arith.constant 3 : index
    %get3A_705 = vector.load %arg3[%get3A_702, %get3A_703, %get3A_704] : memref<1x20x5xf32, #tpu.memory_space<vmem>>, vector<1x1x1xf32>
    %get3A_706 = vector.extract %get3A_705[0, 0, 0] : f32 from vector<1x1x1xf32>
    %broadcast_in_dim3A_707 = vector.broadcast %get3A_706 : f32 to vector<96x256xf32>
    %select_n3A_708 = arith.select %eq3A_673, %broadcast_in_dim3A_707, %select_n3A_670 : vector<96x256xi1>, vector<96x256xf32>
    %eq3A_709 = arith.constant 8 : i32
    %eq3A_710 = vector.broadcast %eq3A_709 : i32 to vector<96x256xi32>
    %eq3A_711 = arith.cmpi eq, %select_n3A_391, %eq3A_710 : vector<96x256xi32>
    %get3A_712 = arith.constant 0 : index
    %get3A_713 = arith.constant 8 : index
    %get3A_714 = arith.constant 4 : index
    %get3A_715 = vector.load %arg3[%get3A_712, %get3A_713, %get3A_714] : memref<1x20x5xf32, #tpu.memory_space<vmem>>, vector<1x1x1xf32>
    %get3A_716 = vector.extract %get3A_715[0, 0, 0] : f32 from vector<1x1x1xf32>
    %broadcast_in_dim3A_717 = vector.broadcast %get3A_716 : f32 to vector<96x256xf32>
    %select_n3A_718 = arith.select %eq3A_711, %broadcast_in_dim3A_717, %select_n3A_680 : vector<96x256xi1>, vector<96x256xf32>
    %get3A_719 = arith.constant 0 : index
    %get3A_720 = arith.constant 8 : index
    %get3A_721 = arith.constant 0 : index
    %get3A_722 = vector.load %arg3[%get3A_719, %get3A_720, %get3A_721] : memref<1x20x5xf32, #tpu.memory_space<vmem>>, vector<1x1x1xf32>
    %get3A_723 = vector.extract %get3A_722[0, 0, 0] : f32 from vector<1x1x1xf32>
    %broadcast_in_dim3A_724 = vector.broadcast %get3A_723 : f32 to vector<96x256xf32>
    %select_n3A_725 = arith.select %eq3A_711, %broadcast_in_dim3A_724, %select_n3A_687 : vector<96x256xi1>, vector<96x256xf32>
    %get3A_726 = arith.constant 0 : index
    %get3A_727 = arith.constant 8 : index
    %get3A_728 = arith.constant 1 : index
    %get3A_729 = vector.load %arg3[%get3A_726, %get3A_727, %get3A_728] : memref<1x20x5xf32, #tpu.memory_space<vmem>>, vector<1x1x1xf32>
    %get3A_730 = vector.extract %get3A_729[0, 0, 0] : f32 from vector<1x1x1xf32>
    %broadcast_in_dim3A_731 = vector.broadcast %get3A_730 : f32 to vector<96x256xf32>
    %select_n3A_732 = arith.select %eq3A_711, %broadcast_in_dim3A_731, %select_n3A_694 : vector<96x256xi1>, vector<96x256xf32>
    %get3A_733 = arith.constant 0 : index
    %get3A_734 = arith.constant 8 : index
    %get3A_735 = arith.constant 2 : index
    %get3A_736 = vector.load %arg3[%get3A_733, %get3A_734, %get3A_735] : memref<1x20x5xf32, #tpu.memory_space<vmem>>, vector<1x1x1xf32>
    %get3A_737 = vector.extract %get3A_736[0, 0, 0] : f32 from vector<1x1x1xf32>
    %broadcast_in_dim3A_738 = vector.broadcast %get3A_737 : f32 to vector<96x256xf32>
    %select_n3A_739 = arith.select %eq3A_711, %broadcast_in_dim3A_738, %select_n3A_701 : vector<96x256xi1>, vector<96x256xf32>
    %get3A_740 = arith.constant 0 : index
    %get3A_741 = arith.constant 8 : index
    %get3A_742 = arith.constant 3 : index
    %get3A_743 = vector.load %arg3[%get3A_740, %get3A_741, %get3A_742] : memref<1x20x5xf32, #tpu.memory_space<vmem>>, vector<1x1x1xf32>
    %get3A_744 = vector.extract %get3A_743[0, 0, 0] : f32 from vector<1x1x1xf32>
    %broadcast_in_dim3A_745 = vector.broadcast %get3A_744 : f32 to vector<96x256xf32>
    %select_n3A_746 = arith.select %eq3A_711, %broadcast_in_dim3A_745, %select_n3A_708 : vector<96x256xi1>, vector<96x256xf32>
    %eq3A_747 = arith.constant 9 : i32
    %eq3A_748 = vector.broadcast %eq3A_747 : i32 to vector<96x256xi32>
    %eq3A_749 = arith.cmpi eq, %select_n3A_391, %eq3A_748 : vector<96x256xi32>
    %get3A_750 = arith.constant 0 : index
    %get3A_751 = arith.constant 9 : index
    %get3A_752 = arith.constant 4 : index
    %get3A_753 = vector.load %arg3[%get3A_750, %get3A_751, %get3A_752] : memref<1x20x5xf32, #tpu.memory_space<vmem>>, vector<1x1x1xf32>
    %get3A_754 = vector.extract %get3A_753[0, 0, 0] : f32 from vector<1x1x1xf32>
    %broadcast_in_dim3A_755 = vector.broadcast %get3A_754 : f32 to vector<96x256xf32>
    %select_n3A_756 = arith.select %eq3A_749, %broadcast_in_dim3A_755, %select_n3A_718 : vector<96x256xi1>, vector<96x256xf32>
    %get3A_757 = arith.constant 0 : index
    %get3A_758 = arith.constant 9 : index
    %get3A_759 = arith.constant 0 : index
    %get3A_760 = vector.load %arg3[%get3A_757, %get3A_758, %get3A_759] : memref<1x20x5xf32, #tpu.memory_space<vmem>>, vector<1x1x1xf32>
    %get3A_761 = vector.extract %get3A_760[0, 0, 0] : f32 from vector<1x1x1xf32>
    %broadcast_in_dim3A_762 = vector.broadcast %get3A_761 : f32 to vector<96x256xf32>
    %select_n3A_763 = arith.select %eq3A_749, %broadcast_in_dim3A_762, %select_n3A_725 : vector<96x256xi1>, vector<96x256xf32>
    %get3A_764 = arith.constant 0 : index
    %get3A_765 = arith.constant 9 : index
    %get3A_766 = arith.constant 1 : index
    %get3A_767 = vector.load %arg3[%get3A_764, %get3A_765, %get3A_766] : memref<1x20x5xf32, #tpu.memory_space<vmem>>, vector<1x1x1xf32>
    %get3A_768 = vector.extract %get3A_767[0, 0, 0] : f32 from vector<1x1x1xf32>
    %broadcast_in_dim3A_769 = vector.broadcast %get3A_768 : f32 to vector<96x256xf32>
    %select_n3A_770 = arith.select %eq3A_749, %broadcast_in_dim3A_769, %select_n3A_732 : vector<96x256xi1>, vector<96x256xf32>
    %get3A_771 = arith.constant 0 : index
    %get3A_772 = arith.constant 9 : index
    %get3A_773 = arith.constant 2 : index
    %get3A_774 = vector.load %arg3[%get3A_771, %get3A_772, %get3A_773] : memref<1x20x5xf32, #tpu.memory_space<vmem>>, vector<1x1x1xf32>
    %get3A_775 = vector.extract %get3A_774[0, 0, 0] : f32 from vector<1x1x1xf32>
    %broadcast_in_dim3A_776 = vector.broadcast %get3A_775 : f32 to vector<96x256xf32>
    %select_n3A_777 = arith.select %eq3A_749, %broadcast_in_dim3A_776, %select_n3A_739 : vector<96x256xi1>, vector<96x256xf32>
    %get3A_778 = arith.constant 0 : index
    %get3A_779 = arith.constant 9 : index
    %get3A_780 = arith.constant 3 : index
    %get3A_781 = vector.load %arg3[%get3A_778, %get3A_779, %get3A_780] : memref<1x20x5xf32, #tpu.memory_space<vmem>>, vector<1x1x1xf32>
    %get3A_782 = vector.extract %get3A_781[0, 0, 0] : f32 from vector<1x1x1xf32>
    %broadcast_in_dim3A_783 = vector.broadcast %get3A_782 : f32 to vector<96x256xf32>
    %select_n3A_784 = arith.select %eq3A_749, %broadcast_in_dim3A_783, %select_n3A_746 : vector<96x256xi1>, vector<96x256xf32>
    %eq3A_785 = arith.constant 10 : i32
    %eq3A_786 = vector.broadcast %eq3A_785 : i32 to vector<96x256xi32>
    %eq3A_787 = arith.cmpi eq, %select_n3A_391, %eq3A_786 : vector<96x256xi32>
    %get3A_788 = arith.constant 0 : index
    %get3A_789 = arith.constant 10 : index
    %get3A_790 = arith.constant 4 : index
    %get3A_791 = vector.load %arg3[%get3A_788, %get3A_789, %get3A_790] : memref<1x20x5xf32, #tpu.memory_space<vmem>>, vector<1x1x1xf32>
    %get3A_792 = vector.extract %get3A_791[0, 0, 0] : f32 from vector<1x1x1xf32>
    %broadcast_in_dim3A_793 = vector.broadcast %get3A_792 : f32 to vector<96x256xf32>
    %select_n3A_794 = arith.select %eq3A_787, %broadcast_in_dim3A_793, %select_n3A_756 : vector<96x256xi1>, vector<96x256xf32>
    %get3A_795 = arith.constant 0 : index
    %get3A_796 = arith.constant 10 : index
    %get3A_797 = arith.constant 0 : index
    %get3A_798 = vector.load %arg3[%get3A_795, %get3A_796, %get3A_797] : memref<1x20x5xf32, #tpu.memory_space<vmem>>, vector<1x1x1xf32>
    %get3A_799 = vector.extract %get3A_798[0, 0, 0] : f32 from vector<1x1x1xf32>
    %broadcast_in_dim3A_800 = vector.broadcast %get3A_799 : f32 to vector<96x256xf32>
    %select_n3A_801 = arith.select %eq3A_787, %broadcast_in_dim3A_800, %select_n3A_763 : vector<96x256xi1>, vector<96x256xf32>
    %get3A_802 = arith.constant 0 : index
    %get3A_803 = arith.constant 10 : index
    %get3A_804 = arith.constant 1 : index
    %get3A_805 = vector.load %arg3[%get3A_802, %get3A_803, %get3A_804] : memref<1x20x5xf32, #tpu.memory_space<vmem>>, vector<1x1x1xf32>
    %get3A_806 = vector.extract %get3A_805[0, 0, 0] : f32 from vector<1x1x1xf32>
    %broadcast_in_dim3A_807 = vector.broadcast %get3A_806 : f32 to vector<96x256xf32>
    %select_n3A_808 = arith.select %eq3A_787, %broadcast_in_dim3A_807, %select_n3A_770 : vector<96x256xi1>, vector<96x256xf32>
    %get3A_809 = arith.constant 0 : index
    %get3A_810 = arith.constant 10 : index
    %get3A_811 = arith.constant 2 : index
    %get3A_812 = vector.load %arg3[%get3A_809, %get3A_810, %get3A_811] : memref<1x20x5xf32, #tpu.memory_space<vmem>>, vector<1x1x1xf32>
    %get3A_813 = vector.extract %get3A_812[0, 0, 0] : f32 from vector<1x1x1xf32>
    %broadcast_in_dim3A_814 = vector.broadcast %get3A_813 : f32 to vector<96x256xf32>
    %select_n3A_815 = arith.select %eq3A_787, %broadcast_in_dim3A_814, %select_n3A_777 : vector<96x256xi1>, vector<96x256xf32>
    %get3A_816 = arith.constant 0 : index
    %get3A_817 = arith.constant 10 : index
    %get3A_818 = arith.constant 3 : index
    %get3A_819 = vector.load %arg3[%get3A_816, %get3A_817, %get3A_818] : memref<1x20x5xf32, #tpu.memory_space<vmem>>, vector<1x1x1xf32>
    %get3A_820 = vector.extract %get3A_819[0, 0, 0] : f32 from vector<1x1x1xf32>
    %broadcast_in_dim3A_821 = vector.broadcast %get3A_820 : f32 to vector<96x256xf32>
    %select_n3A_822 = arith.select %eq3A_787, %broadcast_in_dim3A_821, %select_n3A_784 : vector<96x256xi1>, vector<96x256xf32>
    %eq3A_823 = arith.constant 11 : i32
    %eq3A_824 = vector.broadcast %eq3A_823 : i32 to vector<96x256xi32>
    %eq3A_825 = arith.cmpi eq, %select_n3A_391, %eq3A_824 : vector<96x256xi32>
    %get3A_826 = arith.constant 0 : index
    %get3A_827 = arith.constant 11 : index
    %get3A_828 = arith.constant 4 : index
    %get3A_829 = vector.load %arg3[%get3A_826, %get3A_827, %get3A_828] : memref<1x20x5xf32, #tpu.memory_space<vmem>>, vector<1x1x1xf32>
    %get3A_830 = vector.extract %get3A_829[0, 0, 0] : f32 from vector<1x1x1xf32>
    %broadcast_in_dim3A_831 = vector.broadcast %get3A_830 : f32 to vector<96x256xf32>
    %select_n3A_832 = arith.select %eq3A_825, %broadcast_in_dim3A_831, %select_n3A_794 : vector<96x256xi1>, vector<96x256xf32>
    %get3A_833 = arith.constant 0 : index
    %get3A_834 = arith.constant 11 : index
    %get3A_835 = arith.constant 0 : index
    %get3A_836 = vector.load %arg3[%get3A_833, %get3A_834, %get3A_835] : memref<1x20x5xf32, #tpu.memory_space<vmem>>, vector<1x1x1xf32>
    %get3A_837 = vector.extract %get3A_836[0, 0, 0] : f32 from vector<1x1x1xf32>
    %broadcast_in_dim3A_838 = vector.broadcast %get3A_837 : f32 to vector<96x256xf32>
    %select_n3A_839 = arith.select %eq3A_825, %broadcast_in_dim3A_838, %select_n3A_801 : vector<96x256xi1>, vector<96x256xf32>
    %get3A_840 = arith.constant 0 : index
    %get3A_841 = arith.constant 11 : index
    %get3A_842 = arith.constant 1 : index
    %get3A_843 = vector.load %arg3[%get3A_840, %get3A_841, %get3A_842] : memref<1x20x5xf32, #tpu.memory_space<vmem>>, vector<1x1x1xf32>
    %get3A_844 = vector.extract %get3A_843[0, 0, 0] : f32 from vector<1x1x1xf32>
    %broadcast_in_dim3A_845 = vector.broadcast %get3A_844 : f32 to vector<96x256xf32>
    %select_n3A_846 = arith.select %eq3A_825, %broadcast_in_dim3A_845, %select_n3A_808 : vector<96x256xi1>, vector<96x256xf32>
    %get3A_847 = arith.constant 0 : index
    %get3A_848 = arith.constant 11 : index
    %get3A_849 = arith.constant 2 : index
    %get3A_850 = vector.load %arg3[%get3A_847, %get3A_848, %get3A_849] : memref<1x20x5xf32, #tpu.memory_space<vmem>>, vector<1x1x1xf32>
    %get3A_851 = vector.extract %get3A_850[0, 0, 0] : f32 from vector<1x1x1xf32>
    %broadcast_in_dim3A_852 = vector.broadcast %get3A_851 : f32 to vector<96x256xf32>
    %select_n3A_853 = arith.select %eq3A_825, %broadcast_in_dim3A_852, %select_n3A_815 : vector<96x256xi1>, vector<96x256xf32>
    %get3A_854 = arith.constant 0 : index
    %get3A_855 = arith.constant 11 : index
    %get3A_856 = arith.constant 3 : index
    %get3A_857 = vector.load %arg3[%get3A_854, %get3A_855, %get3A_856] : memref<1x20x5xf32, #tpu.memory_space<vmem>>, vector<1x1x1xf32>
    %get3A_858 = vector.extract %get3A_857[0, 0, 0] : f32 from vector<1x1x1xf32>
    %broadcast_in_dim3A_859 = vector.broadcast %get3A_858 : f32 to vector<96x256xf32>
    %select_n3A_860 = arith.select %eq3A_825, %broadcast_in_dim3A_859, %select_n3A_822 : vector<96x256xi1>, vector<96x256xf32>
    %eq3A_861 = arith.constant 12 : i32
    %eq3A_862 = vector.broadcast %eq3A_861 : i32 to vector<96x256xi32>
    %eq3A_863 = arith.cmpi eq, %select_n3A_391, %eq3A_862 : vector<96x256xi32>
    %get3A_864 = arith.constant 0 : index
    %get3A_865 = arith.constant 12 : index
    %get3A_866 = arith.constant 4 : index
    %get3A_867 = vector.load %arg3[%get3A_864, %get3A_865, %get3A_866] : memref<1x20x5xf32, #tpu.memory_space<vmem>>, vector<1x1x1xf32>
    %get3A_868 = vector.extract %get3A_867[0, 0, 0] : f32 from vector<1x1x1xf32>
    %broadcast_in_dim3A_869 = vector.broadcast %get3A_868 : f32 to vector<96x256xf32>
    %select_n3A_870 = arith.select %eq3A_863, %broadcast_in_dim3A_869, %select_n3A_832 : vector<96x256xi1>, vector<96x256xf32>
    %get3A_871 = arith.constant 0 : index
    %get3A_872 = arith.constant 12 : index
    %get3A_873 = arith.constant 0 : index
    %get3A_874 = vector.load %arg3[%get3A_871, %get3A_872, %get3A_873] : memref<1x20x5xf32, #tpu.memory_space<vmem>>, vector<1x1x1xf32>
    %get3A_875 = vector.extract %get3A_874[0, 0, 0] : f32 from vector<1x1x1xf32>
    %broadcast_in_dim3A_876 = vector.broadcast %get3A_875 : f32 to vector<96x256xf32>
    %select_n3A_877 = arith.select %eq3A_863, %broadcast_in_dim3A_876, %select_n3A_839 : vector<96x256xi1>, vector<96x256xf32>
    %get3A_878 = arith.constant 0 : index
    %get3A_879 = arith.constant 12 : index
    %get3A_880 = arith.constant 1 : index
    %get3A_881 = vector.load %arg3[%get3A_878, %get3A_879, %get3A_880] : memref<1x20x5xf32, #tpu.memory_space<vmem>>, vector<1x1x1xf32>
    %get3A_882 = vector.extract %get3A_881[0, 0, 0] : f32 from vector<1x1x1xf32>
    %broadcast_in_dim3A_883 = vector.broadcast %get3A_882 : f32 to vector<96x256xf32>
    %select_n3A_884 = arith.select %eq3A_863, %broadcast_in_dim3A_883, %select_n3A_846 : vector<96x256xi1>, vector<96x256xf32>
    %get3A_885 = arith.constant 0 : index
    %get3A_886 = arith.constant 12 : index
    %get3A_887 = arith.constant 2 : index
    %get3A_888 = vector.load %arg3[%get3A_885, %get3A_886, %get3A_887] : memref<1x20x5xf32, #tpu.memory_space<vmem>>, vector<1x1x1xf32>
    %get3A_889 = vector.extract %get3A_888[0, 0, 0] : f32 from vector<1x1x1xf32>
    %broadcast_in_dim3A_890 = vector.broadcast %get3A_889 : f32 to vector<96x256xf32>
    %select_n3A_891 = arith.select %eq3A_863, %broadcast_in_dim3A_890, %select_n3A_853 : vector<96x256xi1>, vector<96x256xf32>
    %get3A_892 = arith.constant 0 : index
    %get3A_893 = arith.constant 12 : index
    %get3A_894 = arith.constant 3 : index
    %get3A_895 = vector.load %arg3[%get3A_892, %get3A_893, %get3A_894] : memref<1x20x5xf32, #tpu.memory_space<vmem>>, vector<1x1x1xf32>
    %get3A_896 = vector.extract %get3A_895[0, 0, 0] : f32 from vector<1x1x1xf32>
    %broadcast_in_dim3A_897 = vector.broadcast %get3A_896 : f32 to vector<96x256xf32>
    %select_n3A_898 = arith.select %eq3A_863, %broadcast_in_dim3A_897, %select_n3A_860 : vector<96x256xi1>, vector<96x256xf32>
    %eq3A_899 = arith.constant 13 : i32
    %eq3A_900 = vector.broadcast %eq3A_899 : i32 to vector<96x256xi32>
    %eq3A_901 = arith.cmpi eq, %select_n3A_391, %eq3A_900 : vector<96x256xi32>
    %get3A_902 = arith.constant 0 : index
    %get3A_903 = arith.constant 13 : index
    %get3A_904 = arith.constant 4 : index
    %get3A_905 = vector.load %arg3[%get3A_902, %get3A_903, %get3A_904] : memref<1x20x5xf32, #tpu.memory_space<vmem>>, vector<1x1x1xf32>
    %get3A_906 = vector.extract %get3A_905[0, 0, 0] : f32 from vector<1x1x1xf32>
    %broadcast_in_dim3A_907 = vector.broadcast %get3A_906 : f32 to vector<96x256xf32>
    %select_n3A_908 = arith.select %eq3A_901, %broadcast_in_dim3A_907, %select_n3A_870 : vector<96x256xi1>, vector<96x256xf32>
    %get3A_909 = arith.constant 0 : index
    %get3A_910 = arith.constant 13 : index
    %get3A_911 = arith.constant 0 : index
    %get3A_912 = vector.load %arg3[%get3A_909, %get3A_910, %get3A_911] : memref<1x20x5xf32, #tpu.memory_space<vmem>>, vector<1x1x1xf32>
    %get3A_913 = vector.extract %get3A_912[0, 0, 0] : f32 from vector<1x1x1xf32>
    %broadcast_in_dim3A_914 = vector.broadcast %get3A_913 : f32 to vector<96x256xf32>
    %select_n3A_915 = arith.select %eq3A_901, %broadcast_in_dim3A_914, %select_n3A_877 : vector<96x256xi1>, vector<96x256xf32>
    %get3A_916 = arith.constant 0 : index
    %get3A_917 = arith.constant 13 : index
    %get3A_918 = arith.constant 1 : index
    %get3A_919 = vector.load %arg3[%get3A_916, %get3A_917, %get3A_918] : memref<1x20x5xf32, #tpu.memory_space<vmem>>, vector<1x1x1xf32>
    %get3A_920 = vector.extract %get3A_919[0, 0, 0] : f32 from vector<1x1x1xf32>
    %broadcast_in_dim3A_921 = vector.broadcast %get3A_920 : f32 to vector<96x256xf32>
    %select_n3A_922 = arith.select %eq3A_901, %broadcast_in_dim3A_921, %select_n3A_884 : vector<96x256xi1>, vector<96x256xf32>
    %get3A_923 = arith.constant 0 : index
    %get3A_924 = arith.constant 13 : index
    %get3A_925 = arith.constant 2 : index
    %get3A_926 = vector.load %arg3[%get3A_923, %get3A_924, %get3A_925] : memref<1x20x5xf32, #tpu.memory_space<vmem>>, vector<1x1x1xf32>
    %get3A_927 = vector.extract %get3A_926[0, 0, 0] : f32 from vector<1x1x1xf32>
    %broadcast_in_dim3A_928 = vector.broadcast %get3A_927 : f32 to vector<96x256xf32>
    %select_n3A_929 = arith.select %eq3A_901, %broadcast_in_dim3A_928, %select_n3A_891 : vector<96x256xi1>, vector<96x256xf32>
    %get3A_930 = arith.constant 0 : index
    %get3A_931 = arith.constant 13 : index
    %get3A_932 = arith.constant 3 : index
    %get3A_933 = vector.load %arg3[%get3A_930, %get3A_931, %get3A_932] : memref<1x20x5xf32, #tpu.memory_space<vmem>>, vector<1x1x1xf32>
    %get3A_934 = vector.extract %get3A_933[0, 0, 0] : f32 from vector<1x1x1xf32>
    %broadcast_in_dim3A_935 = vector.broadcast %get3A_934 : f32 to vector<96x256xf32>
    %select_n3A_936 = arith.select %eq3A_901, %broadcast_in_dim3A_935, %select_n3A_898 : vector<96x256xi1>, vector<96x256xf32>
    %eq3A_937 = arith.constant 14 : i32
    %eq3A_938 = vector.broadcast %eq3A_937 : i32 to vector<96x256xi32>
    %eq3A_939 = arith.cmpi eq, %select_n3A_391, %eq3A_938 : vector<96x256xi32>
    %get3A_940 = arith.constant 0 : index
    %get3A_941 = arith.constant 14 : index
    %get3A_942 = arith.constant 4 : index
    %get3A_943 = vector.load %arg3[%get3A_940, %get3A_941, %get3A_942] : memref<1x20x5xf32, #tpu.memory_space<vmem>>, vector<1x1x1xf32>
    %get3A_944 = vector.extract %get3A_943[0, 0, 0] : f32 from vector<1x1x1xf32>
    %broadcast_in_dim3A_945 = vector.broadcast %get3A_944 : f32 to vector<96x256xf32>
    %select_n3A_946 = arith.select %eq3A_939, %broadcast_in_dim3A_945, %select_n3A_908 : vector<96x256xi1>, vector<96x256xf32>
    %get3A_947 = arith.constant 0 : index
    %get3A_948 = arith.constant 14 : index
    %get3A_949 = arith.constant 0 : index
    %get3A_950 = vector.load %arg3[%get3A_947, %get3A_948, %get3A_949] : memref<1x20x5xf32, #tpu.memory_space<vmem>>, vector<1x1x1xf32>
    %get3A_951 = vector.extract %get3A_950[0, 0, 0] : f32 from vector<1x1x1xf32>
    %broadcast_in_dim3A_952 = vector.broadcast %get3A_951 : f32 to vector<96x256xf32>
    %select_n3A_953 = arith.select %eq3A_939, %broadcast_in_dim3A_952, %select_n3A_915 : vector<96x256xi1>, vector<96x256xf32>
    %get3A_954 = arith.constant 0 : index
    %get3A_955 = arith.constant 14 : index
    %get3A_956 = arith.constant 1 : index
    %get3A_957 = vector.load %arg3[%get3A_954, %get3A_955, %get3A_956] : memref<1x20x5xf32, #tpu.memory_space<vmem>>, vector<1x1x1xf32>
    %get3A_958 = vector.extract %get3A_957[0, 0, 0] : f32 from vector<1x1x1xf32>
    %broadcast_in_dim3A_959 = vector.broadcast %get3A_958 : f32 to vector<96x256xf32>
    %select_n3A_960 = arith.select %eq3A_939, %broadcast_in_dim3A_959, %select_n3A_922 : vector<96x256xi1>, vector<96x256xf32>
    %get3A_961 = arith.constant 0 : index
    %get3A_962 = arith.constant 14 : index
    %get3A_963 = arith.constant 2 : index
    %get3A_964 = vector.load %arg3[%get3A_961, %get3A_962, %get3A_963] : memref<1x20x5xf32, #tpu.memory_space<vmem>>, vector<1x1x1xf32>
    %get3A_965 = vector.extract %get3A_964[0, 0, 0] : f32 from vector<1x1x1xf32>
    %broadcast_in_dim3A_966 = vector.broadcast %get3A_965 : f32 to vector<96x256xf32>
    %select_n3A_967 = arith.select %eq3A_939, %broadcast_in_dim3A_966, %select_n3A_929 : vector<96x256xi1>, vector<96x256xf32>
    %get3A_968 = arith.constant 0 : index
    %get3A_969 = arith.constant 14 : index
    %get3A_970 = arith.constant 3 : index
    %get3A_971 = vector.load %arg3[%get3A_968, %get3A_969, %get3A_970] : memref<1x20x5xf32, #tpu.memory_space<vmem>>, vector<1x1x1xf32>
    %get3A_972 = vector.extract %get3A_971[0, 0, 0] : f32 from vector<1x1x1xf32>
    %broadcast_in_dim3A_973 = vector.broadcast %get3A_972 : f32 to vector<96x256xf32>
    %select_n3A_974 = arith.select %eq3A_939, %broadcast_in_dim3A_973, %select_n3A_936 : vector<96x256xi1>, vector<96x256xf32>
    %eq3A_975 = arith.constant 15 : i32
    %eq3A_976 = vector.broadcast %eq3A_975 : i32 to vector<96x256xi32>
    %eq3A_977 = arith.cmpi eq, %select_n3A_391, %eq3A_976 : vector<96x256xi32>
    %get3A_978 = arith.constant 0 : index
    %get3A_979 = arith.constant 15 : index
    %get3A_980 = arith.constant 4 : index
    %get3A_981 = vector.load %arg3[%get3A_978, %get3A_979, %get3A_980] : memref<1x20x5xf32, #tpu.memory_space<vmem>>, vector<1x1x1xf32>
    %get3A_982 = vector.extract %get3A_981[0, 0, 0] : f32 from vector<1x1x1xf32>
    %broadcast_in_dim3A_983 = vector.broadcast %get3A_982 : f32 to vector<96x256xf32>
    %select_n3A_984 = arith.select %eq3A_977, %broadcast_in_dim3A_983, %select_n3A_946 : vector<96x256xi1>, vector<96x256xf32>
    %get3A_985 = arith.constant 0 : index
    %get3A_986 = arith.constant 15 : index
    %get3A_987 = arith.constant 0 : index
    %get3A_988 = vector.load %arg3[%get3A_985, %get3A_986, %get3A_987] : memref<1x20x5xf32, #tpu.memory_space<vmem>>, vector<1x1x1xf32>
    %get3A_989 = vector.extract %get3A_988[0, 0, 0] : f32 from vector<1x1x1xf32>
    %broadcast_in_dim3A_990 = vector.broadcast %get3A_989 : f32 to vector<96x256xf32>
    %select_n3A_991 = arith.select %eq3A_977, %broadcast_in_dim3A_990, %select_n3A_953 : vector<96x256xi1>, vector<96x256xf32>
    %get3A_992 = arith.constant 0 : index
    %get3A_993 = arith.constant 15 : index
    %get3A_994 = arith.constant 1 : index
    %get3A_995 = vector.load %arg3[%get3A_992, %get3A_993, %get3A_994] : memref<1x20x5xf32, #tpu.memory_space<vmem>>, vector<1x1x1xf32>
    %get3A_996 = vector.extract %get3A_995[0, 0, 0] : f32 from vector<1x1x1xf32>
    %broadcast_in_dim3A_997 = vector.broadcast %get3A_996 : f32 to vector<96x256xf32>
    %select_n3A_998 = arith.select %eq3A_977, %broadcast_in_dim3A_997, %select_n3A_960 : vector<96x256xi1>, vector<96x256xf32>
    %get3A_999 = arith.constant 0 : index
    %get3A_1000 = arith.constant 15 : index
    %get3A_1001 = arith.constant 2 : index
    %get3A_1002 = vector.load %arg3[%get3A_999, %get3A_1000, %get3A_1001] : memref<1x20x5xf32, #tpu.memory_space<vmem>>, vector<1x1x1xf32>
    %get3A_1003 = vector.extract %get3A_1002[0, 0, 0] : f32 from vector<1x1x1xf32>
    %broadcast_in_dim3A_1004 = vector.broadcast %get3A_1003 : f32 to vector<96x256xf32>
    %select_n3A_1005 = arith.select %eq3A_977, %broadcast_in_dim3A_1004, %select_n3A_967 : vector<96x256xi1>, vector<96x256xf32>
    %get3A_1006 = arith.constant 0 : index
    %get3A_1007 = arith.constant 15 : index
    %get3A_1008 = arith.constant 3 : index
    %get3A_1009 = vector.load %arg3[%get3A_1006, %get3A_1007, %get3A_1008] : memref<1x20x5xf32, #tpu.memory_space<vmem>>, vector<1x1x1xf32>
    %get3A_1010 = vector.extract %get3A_1009[0, 0, 0] : f32 from vector<1x1x1xf32>
    %broadcast_in_dim3A_1011 = vector.broadcast %get3A_1010 : f32 to vector<96x256xf32>
    %select_n3A_1012 = arith.select %eq3A_977, %broadcast_in_dim3A_1011, %select_n3A_974 : vector<96x256xi1>, vector<96x256xf32>
    %eq3A_1013 = arith.constant 16 : i32
    %eq3A_1014 = vector.broadcast %eq3A_1013 : i32 to vector<96x256xi32>
    %eq3A_1015 = arith.cmpi eq, %select_n3A_391, %eq3A_1014 : vector<96x256xi32>
    %get3A_1016 = arith.constant 0 : index
    %get3A_1017 = arith.constant 16 : index
    %get3A_1018 = arith.constant 4 : index
    %get3A_1019 = vector.load %arg3[%get3A_1016, %get3A_1017, %get3A_1018] : memref<1x20x5xf32, #tpu.memory_space<vmem>>, vector<1x1x1xf32>
    %get3A_1020 = vector.extract %get3A_1019[0, 0, 0] : f32 from vector<1x1x1xf32>
    %broadcast_in_dim3A_1021 = vector.broadcast %get3A_1020 : f32 to vector<96x256xf32>
    %select_n3A_1022 = arith.select %eq3A_1015, %broadcast_in_dim3A_1021, %select_n3A_984 : vector<96x256xi1>, vector<96x256xf32>
    %get3A_1023 = arith.constant 0 : index
    %get3A_1024 = arith.constant 16 : index
    %get3A_1025 = arith.constant 0 : index
    %get3A_1026 = vector.load %arg3[%get3A_1023, %get3A_1024, %get3A_1025] : memref<1x20x5xf32, #tpu.memory_space<vmem>>, vector<1x1x1xf32>
    %get3A_1027 = vector.extract %get3A_1026[0, 0, 0] : f32 from vector<1x1x1xf32>
    %broadcast_in_dim3A_1028 = vector.broadcast %get3A_1027 : f32 to vector<96x256xf32>
    %select_n3A_1029 = arith.select %eq3A_1015, %broadcast_in_dim3A_1028, %select_n3A_991 : vector<96x256xi1>, vector<96x256xf32>
    %get3A_1030 = arith.constant 0 : index
    %get3A_1031 = arith.constant 16 : index
    %get3A_1032 = arith.constant 1 : index
    %get3A_1033 = vector.load %arg3[%get3A_1030, %get3A_1031, %get3A_1032] : memref<1x20x5xf32, #tpu.memory_space<vmem>>, vector<1x1x1xf32>
    %get3A_1034 = vector.extract %get3A_1033[0, 0, 0] : f32 from vector<1x1x1xf32>
    %broadcast_in_dim3A_1035 = vector.broadcast %get3A_1034 : f32 to vector<96x256xf32>
    %select_n3A_1036 = arith.select %eq3A_1015, %broadcast_in_dim3A_1035, %select_n3A_998 : vector<96x256xi1>, vector<96x256xf32>
    %get3A_1037 = arith.constant 0 : index
    %get3A_1038 = arith.constant 16 : index
    %get3A_1039 = arith.constant 2 : index
    %get3A_1040 = vector.load %arg3[%get3A_1037, %get3A_1038, %get3A_1039] : memref<1x20x5xf32, #tpu.memory_space<vmem>>, vector<1x1x1xf32>
    %get3A_1041 = vector.extract %get3A_1040[0, 0, 0] : f32 from vector<1x1x1xf32>
    %broadcast_in_dim3A_1042 = vector.broadcast %get3A_1041 : f32 to vector<96x256xf32>
    %select_n3A_1043 = arith.select %eq3A_1015, %broadcast_in_dim3A_1042, %select_n3A_1005 : vector<96x256xi1>, vector<96x256xf32>
    %get3A_1044 = arith.constant 0 : index
    %get3A_1045 = arith.constant 16 : index
    %get3A_1046 = arith.constant 3 : index
    %get3A_1047 = vector.load %arg3[%get3A_1044, %get3A_1045, %get3A_1046] : memref<1x20x5xf32, #tpu.memory_space<vmem>>, vector<1x1x1xf32>
    %get3A_1048 = vector.extract %get3A_1047[0, 0, 0] : f32 from vector<1x1x1xf32>
    %broadcast_in_dim3A_1049 = vector.broadcast %get3A_1048 : f32 to vector<96x256xf32>
    %select_n3A_1050 = arith.select %eq3A_1015, %broadcast_in_dim3A_1049, %select_n3A_1012 : vector<96x256xi1>, vector<96x256xf32>
    %eq3A_1051 = arith.constant 17 : i32
    %eq3A_1052 = vector.broadcast %eq3A_1051 : i32 to vector<96x256xi32>
    %eq3A_1053 = arith.cmpi eq, %select_n3A_391, %eq3A_1052 : vector<96x256xi32>
    %get3A_1054 = arith.constant 0 : index
    %get3A_1055 = arith.constant 17 : index
    %get3A_1056 = arith.constant 4 : index
    %get3A_1057 = vector.load %arg3[%get3A_1054, %get3A_1055, %get3A_1056] : memref<1x20x5xf32, #tpu.memory_space<vmem>>, vector<1x1x1xf32>
    %get3A_1058 = vector.extract %get3A_1057[0, 0, 0] : f32 from vector<1x1x1xf32>
    %broadcast_in_dim3A_1059 = vector.broadcast %get3A_1058 : f32 to vector<96x256xf32>
    %select_n3A_1060 = arith.select %eq3A_1053, %broadcast_in_dim3A_1059, %select_n3A_1022 : vector<96x256xi1>, vector<96x256xf32>
    %get3A_1061 = arith.constant 0 : index
    %get3A_1062 = arith.constant 17 : index
    %get3A_1063 = arith.constant 0 : index
    %get3A_1064 = vector.load %arg3[%get3A_1061, %get3A_1062, %get3A_1063] : memref<1x20x5xf32, #tpu.memory_space<vmem>>, vector<1x1x1xf32>
    %get3A_1065 = vector.extract %get3A_1064[0, 0, 0] : f32 from vector<1x1x1xf32>
    %broadcast_in_dim3A_1066 = vector.broadcast %get3A_1065 : f32 to vector<96x256xf32>
    %select_n3A_1067 = arith.select %eq3A_1053, %broadcast_in_dim3A_1066, %select_n3A_1029 : vector<96x256xi1>, vector<96x256xf32>
    %get3A_1068 = arith.constant 0 : index
    %get3A_1069 = arith.constant 17 : index
    %get3A_1070 = arith.constant 1 : index
    %get3A_1071 = vector.load %arg3[%get3A_1068, %get3A_1069, %get3A_1070] : memref<1x20x5xf32, #tpu.memory_space<vmem>>, vector<1x1x1xf32>
    %get3A_1072 = vector.extract %get3A_1071[0, 0, 0] : f32 from vector<1x1x1xf32>
    %broadcast_in_dim3A_1073 = vector.broadcast %get3A_1072 : f32 to vector<96x256xf32>
    %select_n3A_1074 = arith.select %eq3A_1053, %broadcast_in_dim3A_1073, %select_n3A_1036 : vector<96x256xi1>, vector<96x256xf32>
    %get3A_1075 = arith.constant 0 : index
    %get3A_1076 = arith.constant 17 : index
    %get3A_1077 = arith.constant 2 : index
    %get3A_1078 = vector.load %arg3[%get3A_1075, %get3A_1076, %get3A_1077] : memref<1x20x5xf32, #tpu.memory_space<vmem>>, vector<1x1x1xf32>
    %get3A_1079 = vector.extract %get3A_1078[0, 0, 0] : f32 from vector<1x1x1xf32>
    %broadcast_in_dim3A_1080 = vector.broadcast %get3A_1079 : f32 to vector<96x256xf32>
    %select_n3A_1081 = arith.select %eq3A_1053, %broadcast_in_dim3A_1080, %select_n3A_1043 : vector<96x256xi1>, vector<96x256xf32>
    %get3A_1082 = arith.constant 0 : index
    %get3A_1083 = arith.constant 17 : index
    %get3A_1084 = arith.constant 3 : index
    %get3A_1085 = vector.load %arg3[%get3A_1082, %get3A_1083, %get3A_1084] : memref<1x20x5xf32, #tpu.memory_space<vmem>>, vector<1x1x1xf32>
    %get3A_1086 = vector.extract %get3A_1085[0, 0, 0] : f32 from vector<1x1x1xf32>
    %broadcast_in_dim3A_1087 = vector.broadcast %get3A_1086 : f32 to vector<96x256xf32>
    %select_n3A_1088 = arith.select %eq3A_1053, %broadcast_in_dim3A_1087, %select_n3A_1050 : vector<96x256xi1>, vector<96x256xf32>
    %eq3A_1089 = arith.constant 18 : i32
    %eq3A_1090 = vector.broadcast %eq3A_1089 : i32 to vector<96x256xi32>
    %eq3A_1091 = arith.cmpi eq, %select_n3A_391, %eq3A_1090 : vector<96x256xi32>
    %get3A_1092 = arith.constant 0 : index
    %get3A_1093 = arith.constant 18 : index
    %get3A_1094 = arith.constant 4 : index
    %get3A_1095 = vector.load %arg3[%get3A_1092, %get3A_1093, %get3A_1094] : memref<1x20x5xf32, #tpu.memory_space<vmem>>, vector<1x1x1xf32>
    %get3A_1096 = vector.extract %get3A_1095[0, 0, 0] : f32 from vector<1x1x1xf32>
    %broadcast_in_dim3A_1097 = vector.broadcast %get3A_1096 : f32 to vector<96x256xf32>
    %select_n3A_1098 = arith.select %eq3A_1091, %broadcast_in_dim3A_1097, %select_n3A_1060 : vector<96x256xi1>, vector<96x256xf32>
    %get3A_1099 = arith.constant 0 : index
    %get3A_1100 = arith.constant 18 : index
    %get3A_1101 = arith.constant 0 : index
    %get3A_1102 = vector.load %arg3[%get3A_1099, %get3A_1100, %get3A_1101] : memref<1x20x5xf32, #tpu.memory_space<vmem>>, vector<1x1x1xf32>
    %get3A_1103 = vector.extract %get3A_1102[0, 0, 0] : f32 from vector<1x1x1xf32>
    %broadcast_in_dim3A_1104 = vector.broadcast %get3A_1103 : f32 to vector<96x256xf32>
    %select_n3A_1105 = arith.select %eq3A_1091, %broadcast_in_dim3A_1104, %select_n3A_1067 : vector<96x256xi1>, vector<96x256xf32>
    %get3A_1106 = arith.constant 0 : index
    %get3A_1107 = arith.constant 18 : index
    %get3A_1108 = arith.constant 1 : index
    %get3A_1109 = vector.load %arg3[%get3A_1106, %get3A_1107, %get3A_1108] : memref<1x20x5xf32, #tpu.memory_space<vmem>>, vector<1x1x1xf32>
    %get3A_1110 = vector.extract %get3A_1109[0, 0, 0] : f32 from vector<1x1x1xf32>
    %broadcast_in_dim3A_1111 = vector.broadcast %get3A_1110 : f32 to vector<96x256xf32>
    %select_n3A_1112 = arith.select %eq3A_1091, %broadcast_in_dim3A_1111, %select_n3A_1074 : vector<96x256xi1>, vector<96x256xf32>
    %get3A_1113 = arith.constant 0 : index
    %get3A_1114 = arith.constant 18 : index
    %get3A_1115 = arith.constant 2 : index
    %get3A_1116 = vector.load %arg3[%get3A_1113, %get3A_1114, %get3A_1115] : memref<1x20x5xf32, #tpu.memory_space<vmem>>, vector<1x1x1xf32>
    %get3A_1117 = vector.extract %get3A_1116[0, 0, 0] : f32 from vector<1x1x1xf32>
    %broadcast_in_dim3A_1118 = vector.broadcast %get3A_1117 : f32 to vector<96x256xf32>
    %select_n3A_1119 = arith.select %eq3A_1091, %broadcast_in_dim3A_1118, %select_n3A_1081 : vector<96x256xi1>, vector<96x256xf32>
    %get3A_1120 = arith.constant 0 : index
    %get3A_1121 = arith.constant 18 : index
    %get3A_1122 = arith.constant 3 : index
    %get3A_1123 = vector.load %arg3[%get3A_1120, %get3A_1121, %get3A_1122] : memref<1x20x5xf32, #tpu.memory_space<vmem>>, vector<1x1x1xf32>
    %get3A_1124 = vector.extract %get3A_1123[0, 0, 0] : f32 from vector<1x1x1xf32>
    %broadcast_in_dim3A_1125 = vector.broadcast %get3A_1124 : f32 to vector<96x256xf32>
    %select_n3A_1126 = arith.select %eq3A_1091, %broadcast_in_dim3A_1125, %select_n3A_1088 : vector<96x256xi1>, vector<96x256xf32>
    %eq3A_1127 = arith.constant 19 : i32
    %eq3A_1128 = vector.broadcast %eq3A_1127 : i32 to vector<96x256xi32>
    %eq3A_1129 = arith.cmpi eq, %select_n3A_391, %eq3A_1128 : vector<96x256xi32>
    %get3A_1130 = arith.constant 0 : index
    %get3A_1131 = arith.constant 19 : index
    %get3A_1132 = arith.constant 4 : index
    %get3A_1133 = vector.load %arg3[%get3A_1130, %get3A_1131, %get3A_1132] : memref<1x20x5xf32, #tpu.memory_space<vmem>>, vector<1x1x1xf32>
    %get3A_1134 = vector.extract %get3A_1133[0, 0, 0] : f32 from vector<1x1x1xf32>
    %broadcast_in_dim3A_1135 = vector.broadcast %get3A_1134 : f32 to vector<96x256xf32>
    %select_n3A_1136 = arith.select %eq3A_1129, %broadcast_in_dim3A_1135, %select_n3A_1098 : vector<96x256xi1>, vector<96x256xf32>
    %get3A_1137 = arith.constant 0 : index
    %get3A_1138 = arith.constant 19 : index
    %get3A_1139 = arith.constant 0 : index
    %get3A_1140 = vector.load %arg3[%get3A_1137, %get3A_1138, %get3A_1139] : memref<1x20x5xf32, #tpu.memory_space<vmem>>, vector<1x1x1xf32>
    %get3A_1141 = vector.extract %get3A_1140[0, 0, 0] : f32 from vector<1x1x1xf32>
    %broadcast_in_dim3A_1142 = vector.broadcast %get3A_1141 : f32 to vector<96x256xf32>
    %select_n3A_1143 = arith.select %eq3A_1129, %broadcast_in_dim3A_1142, %select_n3A_1105 : vector<96x256xi1>, vector<96x256xf32>
    %get3A_1144 = arith.constant 0 : index
    %get3A_1145 = arith.constant 19 : index
    %get3A_1146 = arith.constant 1 : index
    %get3A_1147 = vector.load %arg3[%get3A_1144, %get3A_1145, %get3A_1146] : memref<1x20x5xf32, #tpu.memory_space<vmem>>, vector<1x1x1xf32>
    %get3A_1148 = vector.extract %get3A_1147[0, 0, 0] : f32 from vector<1x1x1xf32>
    %broadcast_in_dim3A_1149 = vector.broadcast %get3A_1148 : f32 to vector<96x256xf32>
    %select_n3A_1150 = arith.select %eq3A_1129, %broadcast_in_dim3A_1149, %select_n3A_1112 : vector<96x256xi1>, vector<96x256xf32>
    %get3A_1151 = arith.constant 0 : index
    %get3A_1152 = arith.constant 19 : index
    %get3A_1153 = arith.constant 2 : index
    %get3A_1154 = vector.load %arg3[%get3A_1151, %get3A_1152, %get3A_1153] : memref<1x20x5xf32, #tpu.memory_space<vmem>>, vector<1x1x1xf32>
    %get3A_1155 = vector.extract %get3A_1154[0, 0, 0] : f32 from vector<1x1x1xf32>
    %broadcast_in_dim3A_1156 = vector.broadcast %get3A_1155 : f32 to vector<96x256xf32>
    %select_n3A_1157 = arith.select %eq3A_1129, %broadcast_in_dim3A_1156, %select_n3A_1119 : vector<96x256xi1>, vector<96x256xf32>
    %get3A_1158 = arith.constant 0 : index
    %get3A_1159 = arith.constant 19 : index
    %get3A_1160 = arith.constant 3 : index
    %get3A_1161 = vector.load %arg3[%get3A_1158, %get3A_1159, %get3A_1160] : memref<1x20x5xf32, #tpu.memory_space<vmem>>, vector<1x1x1xf32>
    %get3A_1162 = vector.extract %get3A_1161[0, 0, 0] : f32 from vector<1x1x1xf32>
    %broadcast_in_dim3A_1163 = vector.broadcast %get3A_1162 : f32 to vector<96x256xf32>
    %select_n3A_1164 = arith.select %eq3A_1129, %broadcast_in_dim3A_1163, %select_n3A_1126 : vector<96x256xi1>, vector<96x256xf32>
    %convert_element_type3A_1165 = arith.fptosi %select_n3A_1136 : vector<96x256xf32> to vector<96x256xi32>
    %add3A_1166 = arith.constant 1 : i32
    %add3A_1167 = vector.broadcast %add3A_1166 : i32 to vector<96x256xi32>
    %add3A_1168 = arith.addi %convert_element_type3A_1165, %add3A_1167 : vector<96x256xi32>
    %jit3A_1169 = arith.constant 0 : i32
    %broadcast_in_dim3A_1170 = vector.broadcast %jit3A_1169 : i32 to vector<96x256xi32>
    %select_n3A_1171 = arith.select %ge3A_393, %add3A_1168, %broadcast_in_dim3A_1170 : vector<96x256xi1>, vector<96x256xi32>
    %get3A_1172 = arith.constant 0 : index
    %get3A_1173 = arith.constant 0 : index
    %get3A_1174 = arith.constant 0 : index
    %get3A_1175 = arith.constant 0 : index
    %get3A_1176 = vector.load %arg1[%get3A_1172, %get3A_1173, %get3A_1174, %get3A_1175] : memref<1x25x96x256xf32, #tpu.memory_space<vmem>>, vector<1x25x96x256xf32>
    %get3A_1177 = vector.shape_cast %get3A_1176 : vector<1x25x96x256xf32> to vector<25x96x256xf32>
    %slice3A = vector.extract_strided_slice %get3A_1177 {offsets = [4, 0, 0], sizes = [21, 96, 256], strides = [1, 1, 1]} : vector<25x96x256xf32> to vector<21x96x256xf32>
    %reduce_max3A = arith.constant dense<0xFF800000> : vector<96x256xf32>
    %reduce_max3A_1178 = vector.multi_reduction <maximumf>, %slice3A, %reduce_max3A [0] : vector<21x96x256xf32> to vector<96x256xf32>
    %broadcast_in_dim3A_1179 = vector.shape_cast %reduce_max3A_1178 : vector<96x256xf32> to vector<1x96x256xf32>
    %sub3A = vector.broadcast %broadcast_in_dim3A_1179 : vector<1x96x256xf32> to vector<21x96x256xf32>
    %sub3A_1180 = arith.subf %slice3A, %sub3A : vector<21x96x256xf32>
    %exp3A = math.exp %sub3A_1180 : vector<21x96x256xf32>
    %reduce_sum3A_1181 = arith.constant dense<0.000000e+00> : vector<96x256xf32>
    %reduce_sum3A_1182 = vector.multi_reduction <add>, %exp3A, %reduce_sum3A_1181 [0] : vector<21x96x256xf32> to vector<96x256xf32>
    %log3A = math.log %reduce_sum3A_1182 : vector<96x256xf32>
    %add3A_1183 = arith.addf %log3A, %reduce_max3A_1178 : vector<96x256xf32>
    %iota3A_1184 = tpu.iota {dimensions = array<i32: 0>} : vector<21x96x256xi32>
    %broadcast_in_dim3A_1185 = vector.shape_cast %select_n3A_1171 : vector<96x256xi32> to vector<1x96x256xi32>
    %eq3A_1186 = vector.broadcast %broadcast_in_dim3A_1185 : vector<1x96x256xi32> to vector<21x96x256xi32>
    %eq3A_1187 = arith.cmpi eq, %iota3A_1184, %eq3A_1186 : vector<21x96x256xi32>
    %jit3A_1188 = arith.constant 0.000000e+00 : f32
    %broadcast_in_dim3A_1189 = vector.broadcast %jit3A_1188 : f32 to vector<21x96x256xf32>
    %select_n3A_1190 = arith.select %eq3A_1187, %slice3A, %broadcast_in_dim3A_1189 : vector<21x96x256xi1>, vector<21x96x256xf32>
    %reduce_sum3A_1191 = arith.constant dense<0.000000e+00> : vector<96x256xf32>
    %reduce_sum3A_1192 = vector.multi_reduction <add>, %select_n3A_1190, %reduce_sum3A_1191 [0] : vector<21x96x256xf32> to vector<96x256xf32>
    %sub3A_1193 = arith.subf %add3A_1183, %reduce_sum3A_1192 : vector<96x256xf32>
    %jit3A_1194 = arith.constant 0.000000e+00 : f32
    %broadcast_in_dim3A_1195 = vector.broadcast %jit3A_1194 : f32 to vector<96x256xf32>
    %select_n3A_1196 = arith.select %ge3A_393, %broadcast_in_dim3A_1195, %sub3A_1193 : vector<96x256xi1>, vector<96x256xf32>
    %swap3A = arith.constant 0 : index
    %swap3A_1197 = arith.constant 0 : index
    %swap3A_1198 = arith.constant 0 : index
    %swap3A_1199 = vector.load %arg7[%swap3A, %swap3A_1197, %swap3A_1198] : memref<1x96x256xf32, #tpu.memory_space<vmem>>, vector<1x96x256xf32>
    %swap3A_1200 = vector.shape_cast %swap3A_1199 : vector<1x96x256xf32> to vector<96x256xf32>
    %swap3A_1201 = vector.shape_cast %sub3A_1193 : vector<96x256xf32> to vector<1x96x256xf32>
    tpu.vector_store %arg7[%swap3A, %swap3A_1197, %swap3A_1198], %swap3A_1201 {strides = array<i32>} : memref<1x96x256xf32, #tpu.memory_space<vmem>>, vector<1x96x256xf32>,
    %swap3A_1202 = arith.constant 0 : index
    %swap3A_1203 = arith.constant 0 : index
    %swap3A_1204 = arith.constant 0 : index
    %swap3A_1205 = vector.load %arg8[%swap3A_1202, %swap3A_1203, %swap3A_1204] : memref<1x96x256xf32, #tpu.memory_space<vmem>>, vector<1x96x256xf32>
    %swap3A_1206 = vector.shape_cast %swap3A_1205 : vector<1x96x256xf32> to vector<96x256xf32>
    %swap3A_1207 = vector.shape_cast %select_n3A_1196 : vector<96x256xf32> to vector<1x96x256xf32>
    tpu.vector_store %arg8[%swap3A_1202, %swap3A_1203, %swap3A_1204], %swap3A_1207 {strides = array<i32>} : memref<1x96x256xf32, #tpu.memory_space<vmem>>, vector<1x96x256xf32>,
    %get3A_1208 = arith.constant 0 : index
    %get3A_1209 = arith.constant 0 : index
    %get3A_1210 = arith.constant 0 : index
    %get3A_1211 = vector.load %arg2[%get3A_1208, %get3A_1209, %get3A_1210] : memref<4x96x256xf32, #tpu.memory_space<vmem>>, vector<4x96x256xf32>
    %slice3A_1212 = vector.extract_strided_slice %get3A_1211 {offsets = [0, 0, 0], sizes = [1, 96, 256], strides = [1, 1, 1]} : vector<4x96x256xf32> to vector<1x96x256xf32>
    %squeeze3A = vector.shape_cast %slice3A_1212 : vector<1x96x256xf32> to vector<96x256xf32>
    %slice3A_1213 = vector.extract_strided_slice %get3A_1211 {offsets = [1, 0, 0], sizes = [1, 96, 256], strides = [1, 1, 1]} : vector<4x96x256xf32> to vector<1x96x256xf32>
    %squeeze3A_1214 = vector.shape_cast %slice3A_1213 : vector<1x96x256xf32> to vector<96x256xf32>
    %slice3A_1215 = vector.extract_strided_slice %get3A_1211 {offsets = [2, 0, 0], sizes = [1, 96, 256], strides = [1, 1, 1]} : vector<4x96x256xf32> to vector<1x96x256xf32>
    %squeeze3A_1216 = vector.shape_cast %slice3A_1215 : vector<1x96x256xf32> to vector<96x256xf32>
    %slice3A_1217 = vector.extract_strided_slice %get3A_1211 {offsets = [3, 0, 0], sizes = [1, 96, 256], strides = [1, 1, 1]} : vector<4x96x256xf32> to vector<1x96x256xf32>
    %squeeze3A_1218 = vector.shape_cast %slice3A_1217 : vector<1x96x256xf32> to vector<96x256xf32>
    %add3A_1219 = arith.addf %select_n3A_1143, %select_n3A_1157 : vector<96x256xf32>
    %mul3A_1220 = arith.constant 5.000000e-01 : f32
    %mul3A_1221 = vector.broadcast %mul3A_1220 : f32 to vector<96x256xf32>
    %mul3A_1222 = arith.mulf %add3A_1219, %mul3A_1221 : vector<96x256xf32>
    %sub3A_1223 = arith.subf %mul3A_1222, %squeeze3A : vector<96x256xf32>
    %mul3A_1224 = arith.constant 1.000000e-01 : f32
    %mul3A_1225 = vector.broadcast %mul3A_1224 : f32 to vector<96x256xf32>
    %mul3A_1226 = arith.mulf %mul3A_1225, %squeeze3A_1216 : vector<96x256xf32>
    %div3A = arith.divf %sub3A_1223, %mul3A_1226 : vector<96x256xf32>
    %add3A_1227 = arith.addf %select_n3A_1150, %select_n3A_1164 : vector<96x256xf32>
    %mul3A_1228 = arith.constant 5.000000e-01 : f32
    %mul3A_1229 = vector.broadcast %mul3A_1228 : f32 to vector<96x256xf32>
    %mul3A_1230 = arith.mulf %add3A_1227, %mul3A_1229 : vector<96x256xf32>
    %sub3A_1231 = arith.subf %mul3A_1230, %squeeze3A_1214 : vector<96x256xf32>
    %mul3A_1232 = arith.constant 1.000000e-01 : f32
    %mul3A_1233 = vector.broadcast %mul3A_1232 : f32 to vector<96x256xf32>
    %mul3A_1234 = arith.mulf %mul3A_1233, %squeeze3A_1218 : vector<96x256xf32>
    %div3A_1235 = arith.divf %sub3A_1231, %mul3A_1234 : vector<96x256xf32>
    %sub3A_1236 = arith.subf %select_n3A_1157, %select_n3A_1143 : vector<96x256xf32>
    %div3A_1237 = arith.divf %sub3A_1236, %squeeze3A_1216 : vector<96x256xf32>
    %max3A = arith.constant 9.99999993E-9 : f32
    %max3A_1238 = vector.broadcast %max3A : f32 to vector<96x256xf32>
    %max3A_1239 = arith.maximumf %div3A_1237, %max3A_1238 : vector<96x256xf32>
    %log3A_1240 = math.log %max3A_1239 : vector<96x256xf32>
    %div3A_1241 = arith.constant 2.000000e-01 : f32
    %div3A_1242 = vector.broadcast %div3A_1241 : f32 to vector<96x256xf32>
    %div3A_1243 = arith.divf %log3A_1240, %div3A_1242 : vector<96x256xf32>
    %sub3A_1244 = arith.subf %select_n3A_1164, %select_n3A_1150 : vector<96x256xf32>
    %div3A_1245 = arith.divf %sub3A_1244, %squeeze3A_1218 : vector<96x256xf32>
    %max3A_1246 = arith.constant 9.99999993E-9 : f32
    %max3A_1247 = vector.broadcast %max3A_1246 : f32 to vector<96x256xf32>
    %max3A_1248 = arith.maximumf %div3A_1245, %max3A_1247 : vector<96x256xf32>
    %log3A_1249 = math.log %max3A_1248 : vector<96x256xf32>
    %div3A_1250 = arith.constant 2.000000e-01 : f32
    %div3A_1251 = vector.broadcast %div3A_1250 : f32 to vector<96x256xf32>
    %div3A_1252 = arith.divf %log3A_1249, %div3A_1251 : vector<96x256xf32>
    %slice3A_1253 = vector.extract_strided_slice %get3A_1177 {offsets = [0, 0, 0], sizes = [4, 96, 256], strides = [1, 1, 1]} : vector<25x96x256xf32> to vector<4x96x256xf32>
    %slice3A_1254 = vector.extract_strided_slice %slice3A_1253 {offsets = [0, 0, 0], sizes = [1, 96, 256], strides = [1, 1, 1]} : vector<4x96x256xf32> to vector<1x96x256xf32>
    %squeeze3A_1255 = vector.shape_cast %slice3A_1254 : vector<1x96x256xf32> to vector<96x256xf32>
    %sub3A_1256 = arith.subf %squeeze3A_1255, %div3A : vector<96x256xf32>
    %abs3A = math.absf %sub3A_1256 : vector<96x256xf32>
    %lt3A = arith.constant 1.000000e+00 : f32
    %lt3A_1257 = vector.broadcast %lt3A : f32 to vector<96x256xf32>
    %lt3A_1258 = arith.cmpf olt, %abs3A, %lt3A_1257 : vector<96x256xf32>
    %mul3A_1259 = arith.constant 5.000000e-01 : f32
    %mul3A_1260 = vector.broadcast %mul3A_1259 : f32 to vector<96x256xf32>
    %mul3A_1261 = arith.mulf %mul3A_1260, %sub3A_1256 : vector<96x256xf32>
    %mul3A_1262 = arith.mulf %mul3A_1261, %sub3A_1256 : vector<96x256xf32>
    %sub3A_1263 = arith.constant 5.000000e-01 : f32
    %sub3A_1264 = vector.broadcast %sub3A_1263 : f32 to vector<96x256xf32>
    %sub3A_1265 = arith.subf %abs3A, %sub3A_1264 : vector<96x256xf32>
    %select_n3A_1266 = arith.select %lt3A_1258, %mul3A_1262, %sub3A_1265 : vector<96x256xi1>, vector<96x256xf32>
    %slice3A_1267 = vector.extract_strided_slice %slice3A_1253 {offsets = [1, 0, 0], sizes = [1, 96, 256], strides = [1, 1, 1]} : vector<4x96x256xf32> to vector<1x96x256xf32>
    %squeeze3A_1268 = vector.shape_cast %slice3A_1267 : vector<1x96x256xf32> to vector<96x256xf32>
    %sub3A_1269 = arith.subf %squeeze3A_1268, %div3A_1235 : vector<96x256xf32>
    %abs3A_1270 = math.absf %sub3A_1269 : vector<96x256xf32>
    %lt3A_1271 = arith.constant 1.000000e+00 : f32
    %lt3A_1272 = vector.broadcast %lt3A_1271 : f32 to vector<96x256xf32>
    %lt3A_1273 = arith.cmpf olt, %abs3A_1270, %lt3A_1272 : vector<96x256xf32>
    %mul3A_1274 = arith.constant 5.000000e-01 : f32
    %mul3A_1275 = vector.broadcast %mul3A_1274 : f32 to vector<96x256xf32>
    %mul3A_1276 = arith.mulf %mul3A_1275, %sub3A_1269 : vector<96x256xf32>
    %mul3A_1277 = arith.mulf %mul3A_1276, %sub3A_1269 : vector<96x256xf32>
    %sub3A_1278 = arith.constant 5.000000e-01 : f32
    %sub3A_1279 = vector.broadcast %sub3A_1278 : f32 to vector<96x256xf32>
    %sub3A_1280 = arith.subf %abs3A_1270, %sub3A_1279 : vector<96x256xf32>
    %select_n3A_1281 = arith.select %lt3A_1273, %mul3A_1277, %sub3A_1280 : vector<96x256xi1>, vector<96x256xf32>
    %add3A_1282 = arith.addf %select_n3A_1266, %select_n3A_1281 : vector<96x256xf32>
    %slice3A_1283 = vector.extract_strided_slice %slice3A_1253 {offsets = [2, 0, 0], sizes = [1, 96, 256], strides = [1, 1, 1]} : vector<4x96x256xf32> to vector<1x96x256xf32>
    %squeeze3A_1284 = vector.shape_cast %slice3A_1283 : vector<1x96x256xf32> to vector<96x256xf32>
    %sub3A_1285 = arith.subf %squeeze3A_1284, %div3A_1243 : vector<96x256xf32>
    %abs3A_1286 = math.absf %sub3A_1285 : vector<96x256xf32>
    %lt3A_1287 = arith.constant 1.000000e+00 : f32
    %lt3A_1288 = vector.broadcast %lt3A_1287 : f32 to vector<96x256xf32>
    %lt3A_1289 = arith.cmpf olt, %abs3A_1286, %lt3A_1288 : vector<96x256xf32>
    %mul3A_1290 = arith.constant 5.000000e-01 : f32
    %mul3A_1291 = vector.broadcast %mul3A_1290 : f32 to vector<96x256xf32>
    %mul3A_1292 = arith.mulf %mul3A_1291, %sub3A_1285 : vector<96x256xf32>
    %mul3A_1293 = arith.mulf %mul3A_1292, %sub3A_1285 : vector<96x256xf32>
    %sub3A_1294 = arith.constant 5.000000e-01 : f32
    %sub3A_1295 = vector.broadcast %sub3A_1294 : f32 to vector<96x256xf32>
    %sub3A_1296 = arith.subf %abs3A_1286, %sub3A_1295 : vector<96x256xf32>
    %select_n3A_1297 = arith.select %lt3A_1289, %mul3A_1293, %sub3A_1296 : vector<96x256xi1>, vector<96x256xf32>
    %add3A_1298 = arith.addf %add3A_1282, %select_n3A_1297 : vector<96x256xf32>
    %slice3A_1299 = vector.extract_strided_slice %slice3A_1253 {offsets = [3, 0, 0], sizes = [1, 96, 256], strides = [1, 1, 1]} : vector<4x96x256xf32> to vector<1x96x256xf32>
    %squeeze3A_1300 = vector.shape_cast %slice3A_1299 : vector<1x96x256xf32> to vector<96x256xf32>
    %sub3A_1301 = arith.subf %squeeze3A_1300, %div3A_1252 : vector<96x256xf32>
    %abs3A_1302 = math.absf %sub3A_1301 : vector<96x256xf32>
    %lt3A_1303 = arith.constant 1.000000e+00 : f32
    %lt3A_1304 = vector.broadcast %lt3A_1303 : f32 to vector<96x256xf32>
    %lt3A_1305 = arith.cmpf olt, %abs3A_1302, %lt3A_1304 : vector<96x256xf32>
    %mul3A_1306 = arith.constant 5.000000e-01 : f32
    %mul3A_1307 = vector.broadcast %mul3A_1306 : f32 to vector<96x256xf32>
    %mul3A_1308 = arith.mulf %mul3A_1307, %sub3A_1301 : vector<96x256xf32>
    %mul3A_1309 = arith.mulf %mul3A_1308, %sub3A_1301 : vector<96x256xf32>
    %sub3A_1310 = arith.constant 5.000000e-01 : f32
    %sub3A_1311 = vector.broadcast %sub3A_1310 : f32 to vector<96x256xf32>
    %sub3A_1312 = arith.subf %abs3A_1302, %sub3A_1311 : vector<96x256xf32>
    %select_n3A_1313 = arith.select %lt3A_1305, %mul3A_1309, %sub3A_1312 : vector<96x256xi1>, vector<96x256xf32>
    %add3A_1314 = arith.addf %add3A_1298, %select_n3A_1313 : vector<96x256xf32>
    %mul3A_1315 = arith.mulf %add3A_1314, %convert_element_type3A_394 : vector<96x256xf32>
    %reduce_sum3A_1316 = vector.shape_cast %mul3A_1315 : vector<96x256xf32> to vector<1x96x256xf32>
    %reduce_sum3A_1317 = arith.constant dense<0.000000e+00> : vector<1xf32>
    %reduce_sum3A_1318 = vector.multi_reduction <add>, %reduce_sum3A_1316, %reduce_sum3A_1317 [1, 2] : vector<1x96x256xf32> to vector<1xf32>
    %reduce_sum3A_1319 = vector.shape_cast %reduce_sum3A_1318 : vector<1xf32> to vector<1x1x1xf32>
    %reduce_sum3A_1320 = vector.extract %reduce_sum3A_1319[0, 0, 0] : f32 from vector<1x1x1xf32>
    %reduce_sum3A_1321 = vector.shape_cast %convert_element_type3A_394 : vector<96x256xf32> to vector<1x96x256xf32>
    %reduce_sum3A_1322 = arith.constant dense<0.000000e+00> : vector<1xf32>
    %reduce_sum3A_1323 = vector.multi_reduction <add>, %reduce_sum3A_1321, %reduce_sum3A_1322 [1, 2] : vector<1x96x256xf32> to vector<1xf32>
    %reduce_sum3A_1324 = vector.shape_cast %reduce_sum3A_1323 : vector<1xf32> to vector<1x1x1xf32>
    %reduce_sum3A_1325 = vector.extract %reduce_sum3A_1324[0, 0, 0] : f32 from vector<1x1x1xf32>
    %iota3A_1326 = tpu.iota {dimensions = array<i32: 2>} : vector<1x1x128xi32>
    %eq3A_1327 = arith.constant 0 : i32
    %eq3A_1328 = vector.broadcast %eq3A_1327 : i32 to vector<1x1x128xi32>
    %eq3A_1329 = arith.cmpi eq, %iota3A_1326, %eq3A_1328 : vector<1x1x128xi32>
    %jit3A_1330 = arith.constant 0.000000e+00 : f32
    %broadcast_in_dim3A_1331 = vector.broadcast %reduce_sum3A_1325 : f32 to vector<1x1x128xf32>
    %broadcast_in_dim3A_1332 = vector.broadcast %jit3A_1330 : f32 to vector<1x1x128xf32>
    %select_n3A_1333 = arith.select %eq3A_1329, %broadcast_in_dim3A_1331, %broadcast_in_dim3A_1332 : vector<1x1x128xi1>, vector<1x1x128xf32>
    %eq3A_1334 = arith.constant 1 : i32
    %eq3A_1335 = vector.broadcast %eq3A_1334 : i32 to vector<1x1x128xi32>
    %eq3A_1336 = arith.cmpi eq, %iota3A_1326, %eq3A_1335 : vector<1x1x128xi32>
    %jit3A_1337 = arith.constant 0.000000e+00 : f32
    %broadcast_in_dim3A_1338 = vector.broadcast %reduce_sum3A_1320 : f32 to vector<1x1x128xf32>
    %broadcast_in_dim3A_1339 = vector.broadcast %jit3A_1337 : f32 to vector<1x1x128xf32>
    %select_n3A_1340 = arith.select %eq3A_1336, %broadcast_in_dim3A_1338, %broadcast_in_dim3A_1339 : vector<1x1x128xi1>, vector<1x1x128xf32>
    %add3A_1341 = arith.addf %select_n3A_1333, %select_n3A_1340 : vector<1x1x128xf32>
    %swap3A_1342 = arith.constant 0 : index
    %swap3A_1343 = arith.constant 0 : index
    %swap3A_1344 = arith.constant 0 : index
    %swap3A_1345 = vector.load %arg9[%swap3A_1342, %swap3A_1343, %swap3A_1344] : memref<1x1x128xf32, #tpu.memory_space<vmem>>, vector<1x1x128xf32>
    tpu.vector_store %arg9[%swap3A_1342, %swap3A_1343, %swap3A_1344], %add3A_1341 {strides = array<i32>} : memref<1x1x128xf32, #tpu.memory_space<vmem>>, vector<1x1x128xf32>,
    return
  }
  func.func @transform_0(%arg0: i32) -> (i32, i32, i32, i32) {
    %c0_i32 = arith.constant 0 : i32
    %c0_i32_0 = arith.constant 0 : i32
    %c0_i32_1 = arith.constant 0 : i32
    %c0_i32_2 = arith.constant 0 : i32
    return %arg0, %c0_i32, %c0_i32_0, %c0_i32_1 : i32, i32, i32, i32
  }
  func.func @transform_1(%arg0: i32) -> (i32, i32, i32) {
    %c0_i32 = arith.constant 0 : i32
    %c0_i32_0 = arith.constant 0 : i32
    %c0_i32_1 = arith.constant 0 : i32
    %c0_i32_2 = arith.constant 0 : i32
    return %c0_i32, %c0_i32_0, %c0_i32_1 : i32, i32, i32
  }
  func.func @transform_2(%arg0: i32) -> (i32, i32, i32) {
    %c0_i32 = arith.constant 0 : i32
    %c0_i32_0 = arith.constant 0 : i32
    %c0_i32_1 = arith.constant 0 : i32
    return %arg0, %c0_i32, %c0_i32_0 : i32, i32, i32
  }
  func.func @transform_3(%arg0: i32) -> (i32, i32, i32) {
    %c0_i32 = arith.constant 0 : i32
    %c0_i32_0 = arith.constant 0 : i32
    %c0_i32_1 = arith.constant 0 : i32
    return %arg0, %c0_i32, %c0_i32_0 : i32, i32, i32
  }
  func.func @transform_4(%arg0: i32) -> (i32, i32, i32) {
    %c0_i32 = arith.constant 0 : i32
    %c0_i32_0 = arith.constant 0 : i32
    %c0_i32_1 = arith.constant 0 : i32
    return %arg0, %c0_i32, %c0_i32_0 : i32, i32, i32
  }
  func.func @transform_5(%arg0: i32) -> (i32, i32, i32) {
    %c0_i32 = arith.constant 0 : i32
    %c0_i32_0 = arith.constant 0 : i32
    %c0_i32_1 = arith.constant 0 : i32
    return %arg0, %c0_i32, %c0_i32_0 : i32, i32, i32
  }
  func.func @transform_6(%arg0: i32) -> (i32, i32, i32) {
    %c0_i32 = arith.constant 0 : i32
    %c0_i32_0 = arith.constant 0 : i32
    %c0_i32_1 = arith.constant 0 : i32
    return %arg0, %c0_i32, %c0_i32_0 : i32, i32, i32
  }
  func.func @transform_7(%arg0: i32) -> (i32, i32, i32) {
    %c0_i32 = arith.constant 0 : i32
    %c0_i32_0 = arith.constant 0 : i32
    %c0_i32_1 = arith.constant 0 : i32
    return %arg0, %c0_i32, %c0_i32_0 : i32, i32, i32
  }
  func.func @transform_8(%arg0: i32) -> (i32, i32, i32) {
    %c0_i32 = arith.constant 0 : i32
    %c0_i32_0 = arith.constant 0 : i32
    %c0_i32_1 = arith.constant 0 : i32
    return %arg0, %c0_i32, %c0_i32_0 : i32, i32, i32
  }
}

</mosaic_0001>

<sc_bundles>
// kernel: kernel.5.cloned.1.call-start
scs
__scs_entry_jumppad:
0x0: {  	(pc) =	sbr.rel $0x88, $3  }
0x1: {  	(tag) =	ssettag $0x0;
	lr =	simm.s32 $0x1  }
0x2: {  	[smem:$0x3F9E] =	sst lr;
	_ =	strace $0xD0000000  }
0x3: {  	_ = 	snop  }
0x4: {  	_ = 	snop  }
0x5: {  	_ = 	snop  }
0x6: {  	_ = 	snop  }
0x7: {  	_ = 	snop  }
__scs_overlays_trampoline_lowered:
0x8: {  	[smem:$0x3FAD] =	sst s0  }
0x9: {  	[smem:$0x3FAE] =	sst s1  }
0xa: {  	[smem:$0x3FAF] =	sst s2  }
0xb: {  	[smem:$0x3FB0] =	sst s3  }
0xc: {  	[smem:$0x3FB1] =	sst s4  }
0xd: {  	[smem:$0x3FB2] =	sst s5  }
0xe: {  	[smem:$0x3FB3] =	sst s6  }
0xf: {  	[smem:$0x3FB4] =	sst s7  }
0x10: {  	[smem:$0x3FB5] =	sst s8  }
0x11: {  	[smem:$0x3FB6] =	sst s9;
	s0 =	simm.s32 @!p0 $0x0  }
0x12: {  	s1 =	sld [smem:$0x3F9C];
	s0 =	simm.s32 @p0 $0x1  }
0x13: {  	[smem:$0x3FB7] =	sst s0;
	s0 =	simm.s32 @!p1 $0x0  }
0x14: {  	s2 =	sld [smem:$0x3F9B];
	s0 =	simm.s32 @p1 $0x1  }
0x15: {  	[smem:$0x3FB8] =	sst s0;
	s0 =	simm.s32 @!p2 $0x0  }
0x16: {  	s3 =	sld [smem:$0x3FDB];
	s0 =	simm.s32 @p2 $0x1  }
0x17: {  	s4 =	simm.s32 $0x1BF5;
	[smem:$0x3FBA] =	sst s0  }
0x18: {  	s0 =	sld [smem:$0x3F9D];
	_ =	swait.ge [sflag:s4], $0x0  }
0x19: {  	s7 =	sld [smem:$0x3F9E]  }
0x1a: {  	s8 =	sadd.s32 $0xFFFFE003, lr  }
0x1b: {  	s9 =	sadd.s32 $0xFFFFFEF7, lr;
	s5 =	simm.s32 $0xFFFFFFFF;
	p2 =	slt.u32 s8, $0xFFFFF086  }
0x1c: {  	p1 =	slt.u32 s9, $0xF7A;
	s5 =	simm.s32 @!p2 $0x0  }
0x1d: {  	s5 =	simm.s32 @p1 $0x1;
	p0 =	seq.s32 s7, s2  }
0x1e: {  	s7 =	smul.u32 @!p0 $0xF7A, s2;
	p2 =	seq.s32 @!p0 s5, $0x0  }
0x1f: {  	s9 =	smul.u32 $0xF7A, s1;
	s8 =	simm.s32 @!p0 $0x1BF5;
	p2 =	por !p2, p0  }
0x20: {  	[sflag:s8] =	ssyncset.s32 @!p0 $0xFFFFF086;
	s6 =	sadd.s32 @!p0 s3, s7;
	s7 =	simm.s32 @!p0 $0x108  }
0x21: {  	s3 =	sadd.s32 s3, s9;
	s6 =	sadd.s32 @!p0 $0x88, s6;
	s7 =	simm.s32 @p2 $0x1082  }
0x22: {  	[simem:s7], [sflag:s8] =	dma.local @!p0 [hbm:s6], $0xF7A  }
0x23: {  	s9 =	sor.u32 $0xD0000000, s2;
	s6 =	simm.s32 $0x108;
	_ =	swait.ge @!p0 [sflag:s8], $0x0  }
0x24: {  	s3 =	sadd.s32 $0x88, s3;
	s6 =	simm.s32 @!p1 $0x1082;
	[sflag:s4] =	ssyncset.s32 $0xFFFFF086  }
0x25: {  	[simem:s6], [sflag:s4] =	dma.local [hbm:s3], $0xF7A  }
0x26: {  	[smem:$0x3F9E] =	sst s1;
	(tag) =	ssettag s2;
	_ =	strace s9  }
0x27: {  	s1 =	sld [smem:$0x3FAE]  }
0x28: {  	s2 =	sld [smem:$0x3FAF]  }
0x29: {  	s4 =	sld [smem:$0x3FB1]  }
0x2a: {  	p0 =	seq.s32 s5, $0x0;
	s5 =	sld [smem:$0x3FB2]  }
0x2b: {  	s6 =	sld [smem:$0x3FB3]  }
0x2c: {  	s7 =	sld [smem:$0x3FB4]  }
0x2d: {  	s3 =	simm.s32 $0x108;
	s8 =	sld [smem:$0x3FB5]  }
0x2e: {  	s3 =	simm.s32 @!p0 $0x1082;
	s9 =	sld [smem:$0x3FB6]  }
0x2f: {  	lr =	sadd.s32 s0, s3;
	s0 =	sld [smem:$0x3FAD]  }
0x30: {  	s3 =	sld [smem:$0x3FB0]  }
0x31: {  	[smem:$0x3FB9] =	sst s10  }
0x32: {  	s10 =	sld [smem:$0x3FB7];
	_ =	sdelay $0x3  }
0x33: {  	p0 =	seq.s32 s10, $0x1;
	s10 =	sld [smem:$0x3FB9];
	_ =	sdelay $0x3  }
0x34: {  	[smem:$0x3FB9] =	sst s10  }
0x35: {  	s10 =	sld [smem:$0x3FB8];
	_ =	sdelay $0x3  }
0x36: {  	p1 =	seq.s32 s10, $0x1;
	s10 =	sld [smem:$0x3FB9];
	_ =	sdelay $0x3  }
0x37: {  	[smem:$0x3FB9] =	sst s10  }
0x38: {  	s10 =	sld [smem:$0x3FBA]  }
0x39: {  	_ = 	snop;
	(pc) =	sbr.ind lr, $3  }
0x3a: {  	_ = 	snop  }
0x3b: {  	_ = 	snop  }
0x3c: {  	p2 =	seq.s32 s10, $0x1;
	s10 =	sld [smem:$0x3FB9]  }
0x3d: {  	_ =	shalt  }
0x3e: {  	_ =	shalt  }
0x3f: {  	_ =	shalt  }
0x40: {  	_ =	shalt  }
0x41: {  	_ =	shalt  }
0x42: {  	_ =	shalt  }
0x43: {  	_ =	shalt  }
0x44: {  	_ =	shalt  }
0x45: {  	_ =	shalt  }
0x46: {  	_ =	shalt  }
0x47: {  	_ =	shalt  }
0x48: {  	_ =	shalt  }
0x49: {  	_ =	shalt  }
0x4a: {  	_ =	shalt  }
0x4b: {  	_ =	shalt  }
0x4c: {  	_ =	shalt  }
0x4d: {  	_ =	shalt  }
0x4e: {  	_ =	shalt  }
0x4f: {  	_ =	shalt  }
0x50: {  	_ =	shalt  }
0x51: {  	_ =	shalt  }
0x52: {  	_ =	shalt  }
0x53: {  	_ =	shalt  }
0x54: {  	_ =	shalt  }
0x55: {  	_ =	shalt  }
0x56: {  	_ =	shalt  }
0x57: {  	_ =	shalt  }
0x58: {  	_ =	shalt  }
0x59: {  	_ =	shalt  }
0x5a: {  	_ =	shalt  }
0x5b: {  	_ =	shalt  }
0x5c: {  	_ =	shalt  }
0x5d: {  	_ =	shalt  }
0x5e: {  	_ =	shalt  }
0x5f: {  	_ =	shalt  }
0x60: {  	_ =	shalt  }
0x61: {  	_ =	shalt  }
0x62: {  	_ =	shalt  }
0x63: {  	_ =	shalt  }
0x64: {  	_ =	shalt  }
0x65: {  	_ =	shalt  }
0x66: {  	_ =	shalt  }
0x67: {  	_ =	shalt  }
0x68: {  	_ =	shalt  }
0x69: {  	_ =	shalt  }
0x6a: {  	_ =	shalt  }
0x6b: {  	_ =	shalt  }
0x6c: {  	_ =	shalt  }
0x6d: {  	_ =	shalt  }
0x6e: {  	_ =	shalt  }
0x6f: {  	_ =	shalt  }
0x70: {  	_ =	shalt  }
0x71: {  	_ =	shalt  }
0x72: {  	_ =	shalt  }
0x73: {  	_ =	shalt  }
0x74: {  	_ =	shalt  }
0x75: {  	_ =	shalt  }
0x76: {  	_ =	shalt  }
0x77: {  	_ =	shalt  }
0x78: {  	_ =	shalt  }
0x79: {  	_ =	shalt  }
0x7a: {  	_ =	shalt  }
0x7b: {  	_ =	shalt  }
0x7c: {  	_ =	shalt  }
0x7d: {  	_ =	shalt  }
0x7e: {  	_ =	shalt  }
0x7f: {  	_ =	shalt  }
0x80: {  	_ =	shalt  }
0x81: {  	_ =	shalt  }
0x82: {  	_ =	shalt  }
0x83: {  	_ =	shalt  }
0x84: {  	_ =	shalt  }
0x85: {  	_ =	shalt  }
0x86: {  	_ =	shalt  }
0x87: {  	_ =	shalt  }
.Lfunc_end0:
.L_simem_size_0:
called_computation.1_lowered:
.L_overlay_start_0:
0x88: {  	s2 =	sld [smem:$0x3FD9]  }
0x89: {  	s3 =	sld [smem:$0x3FFE];
	_ =	sdelay $0x1  }
0x8a: {  	s1 =	srdreg.scid  }
0x8b: {  	s0 =	sand.u32 $0x1, s1  }
0x8c: {  	s16 =	sshll.u32 s0, $0xA;
	s2 =	sadd.s32 s3, s2  }
0x8d: {  	s2 =	sadd.s32 s2, s16  }
0x8e: {  	[smem:$0x3FC5] =	sst s2  }
0x8f: {  	_ = 	snop  }
0x90: {  	(tm) =	ssettm $0x1  }
0x91: {  	s17 =	sld [smem:$0x3FFB];
	_ =	sdelay $0x3  }
0x92: {  	_ =	strace s17  }
0x93: {  	s2 =	sld [smem:$0x3FFC];
	_ =	sdelay $0x3  }
0x94: {  	_ =	strace s2  }
0x95: {  	s2 =	sld [smem:$0x3FFD];
	_ =	sdelay $0x3  }
0x96: {  	_ =	strace s2  }
0x97: {  	_ =	strace $0x8FFFFFFF  }
0x98: {  	s18 =	sld [smem:$0x3FDB];
	_ =	sdelay $0x1  }
0x99: {  	s19 =	simm.s32 $_scs_section_size  }
0x9a: {  	s4 =	simm.s32 $_size__tile_overlayer_lowered;
	s5 =	simm.s32 $_tile_overlayer_lowered  }
0x9b: {  	s22 =	simm.s32 $0x1BFF;
	s21 =	sshll.u32 s5, $0x1;
	s2 =	sadd.s32 s19, s18  }
0x9c: {  	s6 =	simm.s32 $0x0;
	s20 =	sshll.u32 s4, $0x1;
	s4 =	sadd.s32 s21, s2  }
0x9d: {  	[timem:s6], [sflag:s22] =	dma.local [hbm:s4], s20  }
0x9e: {  	_ =	swait.ge [sflag:s22], s20  }
0x9f: {  	s3 =	ssub.s32 $0x0, s20;
	[sflag:s22] =	ssyncset.done $0x0  }
0xa0: {  	[sflag:s22] =	ssyncadd.s32 s3;
	_ =	sdelay $0x1  }
0xa1: {  	s23 =	simm.s32 $0x1B8B  }
0xa2: {  	_ =	swait.ge [sflag:s23], $0x1  }
0xa3: {  	[sflag:s23] =	ssyncset.done $0x0  }
0xa4: {  	s25 =	simm.s32 $0x1B8E;
	s24 =	sld [smem:$0x3FFE];
	[sflag:s23] =	ssyncadd.s32 $0xFFFFFFFF  }
0xa5: {  	s26 =	simm.s32 $execute0_lowered;
	[smem:$0x3FD2] =	sst s25  }
0xa6: {  	s4 =	sshll.u32 s26, $0x1;
	_ =	strace $0x80000049;
	[dreg:$0x1] =	wrdreg $0xFFFFFFFF  }
0xa7: {  	s28 =	simm.s32 $_size_execute0_lowered;
	s2 =	sadd.s32 s2, s4;
	[dreg:$0x0] =	wrdreg $0x0  }
0xa8: {  	s4 =	sshll.u32 s28, $0x1;
	[dreg:$0x2] =	wrdreg s2  }
0xa9: {  	[dreg:$0x3] =	wrdreg s4  }
0xaa: {  	[dreg:$0x4] =	wrdreg $0xC0  }
0xab: {  	_ =	task [dreg:s6], $0x5FFFF  }
0xac: {  	[dreg:$0x1] =	wrdreg $0xFFFFFFFF  }
0xad: {  	[dreg:$0x0] =	wrdreg $0x60  }
0xae: {  	[dreg:$0x2] =	wrdreg s24  }
0xaf: {  	[dreg:$0x3] =	wrdreg $0x9  }
0xb0: {  	_ =	task.clear_ibuf [dreg:s6], $0x4FFFF;
	_ =	strace $0x90000049  }
0xb1: {  	s29 =	simm.s32 $0x9;
	_ =	strace $0x8000004B  }
0xb2: {  	_ =	swait.ge [sflag:s29], $0x1  }
0xb3: {  	[sflag:s29] =	ssyncadd.s32 $0xFFFFFFFF  }
0xb4: {  	_ =	strace $0x9000004B  }
0xb5: {  	_ =	sfence  }
0xb6: {  	s30 =	sld [smem:$0x0];
	_ =	sdelay $0x2  }
0xb7: {  	s31 =	sshll.u32 s1, $0xD;
	s1 =	sshrl.u32 s1, $0x2  }
0xb8: {  	s3 =	sand.u32 $0x4000, s31;
	s1 =	sadd.s32 s1, s30  }
0xb9: {  	s0 =	sor.u32 s3, s0;
	s1 =	sshll.u32 s1, $0x11  }
0xba: {  	s0 =	sor.u32 s1, s0  }
0xbb: {  	s0 =	sadd.s32 $0x8F2B, s0  }
0xbc: {  	[sflag:s0] =	ssyncadd.remote.s32 $0x1  }
0xbd: {  	_ =	sfence.sel $0xFFFF  }
0xbe: {  	[dreg:$0x0] =	wrdreg $0xFFFFFFFF;
	(pc) =	sbr.abs _section_cstart, $3  }
0xbf: {  	[dreg:$0x1] =	wrdreg $0xFFFFFFFF  }
0xc0: {  	_ =	task.clear_ibuf [dreg:s6], $0x2FFFF;
	_ =	strace $0x9FFFFFFF  }
0xc1: {  	(tm) =	ssettm $0x7FFFFFFF  }
tec
execute0_lowered:
.L_overlay_start_1:
0x0: {  	(tag) =	ssettag $0x1  }
0x1: {  	v0 =	vimm.s32 $0xFEDCBA98;
	v1 =	vimm.s32 $0x76543210  }
0x2: {  	v2 =	vimm.s32 $0xBA98FEDC;
	v3 =	vimm.s32 $0x32107654;
	v0 =	vunpack.c.l.s4.s8 v0  }
0x3: {  	v4 =	vimm.s32 $0xDCFE98BA;
	v5 =	vimm.s32 $0x54761032;
	v1 =	vunpack.c.l.s4.s8 v1  }
0x4: {  	vm0 =	vmmov $0x1;
	v6 =	vimm.s32 $0x67452301;
	v0 =	vunpack.c.0.s8.s32 v0  }
0x5: {  	v8 =	vimm.s32 $0xEDCBA987;
	v9 =	vimm.s32 $0xE40000;
	v1 =	vunpack.c.0.s8.s32 v1  }
0x6: {  	v2 =	vunpack.c.l.s4.s8 v2;
	v3 =	vunpack.c.l.s4.s8 v3;
	v0 =	vand.u32 $0xF, v0  }
0x7: {  	v4 =	vunpack.c.l.s4.s8 v4;
	v0 =	vcombine.low v0, v1;
	v1 =	vunpack.c.l.s4.s8 v5  }
0x8: {  	v10 =	vimm.s32 $0x32100000;
	v2 =	vunpack.c.0.s8.s32 v2;
	v3 =	vunpack.c.0.s8.s32 v3  }
0x9: {  	v4 =	vunpack.c.0.s8.s32 v4;
	v5 =	vunpack.c.0.s8.s32 v1;
	v1 =	vimm.s32 $0xEFCDAB89  }
0xa: {  	v6 =	vunpack.c.l.s4.s8 v6;
	v9 =	vunpack.c.l.s2.s4 v9;
	v7 =	vunpack.c.l.s4.s8 v1  }
0xb: {  	s3 =	rddreg [dreg:$0x0];
	v1 =	vcombine.low v3, v2;
	v3 =	vunpack.c.l.s4.s8 v8;
	v2 =	vcombine.low v5, v4  }
0xc: {  	s0 =	rddreg [dreg:$0x1];
	s2 =	simm.s32 $0x0;
	s4 =	srdreg.scid;
	v5 =	vunpack.c.0.s8.s32 v6;
	v6 =	vimm.s32 $0x65432100;
	v4 =	vunpack.c.0.s8.s32 v7  }
0xd: {  	s1 =	stileid.u32;
	s9 =	simm.s32 $0x400;
	s10 =	simm.s32 $0x6000;
	v8 =	vimm.s32 $0xDCBA9876;
	v6 =	vunpack.c.l.s4.s8 v6;
	v7 =	vunpack.c.0.s8.s32 v3  }
0xe: {  	s11 =	simm.s32 $0xC000;
	s12 =	simm.s32 $0x80000000;
	s13 =	simm.s32 $0xC080;
	v3 =	vcombine.low v5, v4;
	v4 =	vimm.s32 $0x54321000;
	v5 =	vunpack.c.l.s4.s8 v8  }
0xf: {  	s14 =	simm.s32 $0x1;
	s15 =	simm.s32 $0x0;
	s4 =	sand.u32 $0x1, s4;
	v6 =	vunpack.c.0.s8.s32 v6;
	v8 =	vunpack.c.l.s4.s8 v4;
	v4 =	vimm.s32 $0xBA987654  }
0x10: {  	s5 =	sshrl.u32 s1, $0x2;
	s6 =	sshll.u32 s1, $0x8;
	[smem:$0x7FF] =	sst s2;
	v9 =	vunpack.c.l.s4.s8 v9;
	v7 =	vand.u32 $0xF, v7;
	v11 =	vunpack.c.l.s4.s8 v4  }
0x11: {  	s7 =	sshll.u32 s4, $0x7;
	s6 =	sand.u32 $0x300, s6;
	s8 =	smul.u32 $0x30000, s5;
	v5 =	vunpack.c.0.s8.s32 v5;
	v4 =	vcombine.low v6, v7;
	v7 =	vunpack.c.l.s4.s8 v10  }
0x12: {  	vm1 =	vmmov $0x3;
	_ =	strace $0x8000004A;
	s5 =	sshll.u32 s5, $0xA;
	s6 =	sor.u32 s7, s6;
	v6 =	vunpack.c.0.s8.s32 v8;
	v10 =	vunpack.c.0.s8.s32 v11  }
0x13: {  	s4 =	ssub.s32 $0x2, s4;
	s7 =	sor.u32 s8, s6;
	s5 =	sor.u32 s5, s6;
	v9 =	vunpack.c.0.s8.s32 v9;
	v8 =	vand.u32 $0xF, v5;
	v7 =	vunpack.c.0.s8.s32 v7  }
0x14: {  	s30 =	sshrl.u32 s4, $0x1;
	s7 =	sshrl.u32 s7, $0x3;
	s5 =	sshrl.u32 s5, $0x3;
	v6 =	vcombine.low v6, v8;
	v8 =	vand.u32 $0xF, v10;
	v10 =	vimm.s32 $0x7060504  }
0x15: {  	vm3 =	vcmask $0x3F30;
	vm2 =	vmmov $0xf;
	s8 =	simm.s32 $0x80;
	s29 =	sadd.s32 s7, s3;
	s31 =	sadd.s32 s5, s3;
	v10 =	vunpack.c.0.s8.s32 v10  }
0x16: {  	s7 =	ssub.s32 s4, s30;
	s3 =	sadd.s32 $0x800, s29;
	s4 =	sadd.s32 $0x18800, s29;
	v9 =	vand.u32 $0x3, v9;
	v5 =	vimm.s32 $0x0;
	v7 =	vcombine.low v7, v8  }
0x17: {  	s5 =	sadd.s32 $0x600, s31;
	s6 =	sadd.s32 $0x30800, s31;
	s7 =	smax.u32 s7, $0x1;
	v8 =	vlaneseq.u32;
	v9 =	vsel vm3, v10, v9;
	vm3 =	vmmov $0xff  }
.LBB2_1:
0x18: {  	[tilespmem:s2], [sflag:$0x1] =	stream.strided.gather [hbm4b:s3+s8], $0x6000, s9, s8, $0x38;
	[tilespmem:$0xC100] =	vst v63  }
0x19: {  	_ =	swait.ge [sflag:s14], $0x6000  }
0x1a: {  	[sflag:s14] =	ssyncset.done $0x0  }
0x1b: {  	[sflag:s14] =	ssyncadd.s32 $0xFFFFA000  }
0x1c: {  	[tilespmem:s10], [sflag:$0x1] =	stream.strided.gather [hbm4b:s4+s8], $0x6000, s9, s8, $0x38;
	[tilespmem:$0xC100] =	vst v63  }
0x1d: {  	_ =	swait.ge [sflag:s14], $0x6000  }
0x1e: {  	[sflag:s14] =	ssyncset.done $0x0  }
0x1f: {  	[sflag:s14] =	ssyncadd.s32 $0xFFFFA000  }
0x20: {  	[tilespmem:s11], [sflag:$0x1] =	stream.linear.gather [hbm4b:s5+s2], $0x80, $0x38;
	[tilespmem:$0xC100] =	vst v63  }
0x21: {  	_ =	swait.ge [sflag:s14], $0x80  }
0x22: {  	[sflag:s14] =	ssyncset.done $0x0  }
0x23: {  	[sflag:s14] =	ssyncadd.s32 $0xFFFFFF80  }
0x24: {  	v10 =	vld [tilespmem:$0xC000];
	_ =	sdelay $0x4  }
0x25: {  	v10 =	vtrunc.f32 v10  }
0x26: {  	v10 =	vcvt.f32.s32 v10;
	_ =	sdelay $0x1  }
0x27: {  	v10 =	vnsel vm0, $0x0, v10  }
0x28: {  	v11 =	vperm.xlane v10, v0;
	_ =	sdelay $0x1  }
0x29: {  	v10 =	vadd.s32 v11, v10  }
0x2a: {  	v11 =	vperm.xlane v10, v1;
	_ =	sdelay $0x1  }
0x2b: {  	v10 =	vadd.s32 v11, v10  }
0x2c: {  	v11 =	vperm.xlane v10, v2;
	_ =	sdelay $0x1  }
0x2d: {  	v10 =	vadd.s32 v11, v10  }
0x2e: {  	v11 =	vperm.xlane v10, v3;
	_ =	sdelay $0x1  }
0x2f: {  	v10 =	vadd.s32 v11, v10  }
0x30: {  	v11 =	vmul.u32 $0x3, v10;
	_ =	sdelay $0x1  }
0x31: {  	vm4 =	vlt.s32 v11, $0x5FFF  }
0x32: {  	v12 =	vimm.s32 $0x0;
	s16 =	simm.s32 $0x1;
	v10 =	vnsel vm4, $0x5FFF, v11  }
.LBB2_2:
0x33: {  	s18 =	simm.s32 $0x0  }
0x34: {  	v15 =	vld [tilespmem:s18+$0x30]  }
0x35: {  	v20 =	vld [tilespmem:s18+$0x0]  }
0x36: {  	v21 =	vld [tilespmem:s18+$0x10]  }
0x37: {  	s17 =	sshrl.u32 s12, s16;
	v14 =	vimm.s32 $0x0;
	v17 =	vimm.s32 $0x0;
	v19 =	vld [tilespmem:s18+$0x20]  }
0x38: {  	v18 =	vimm.s32 $0x0;
	v16 =	vimm.s32 $0x0;
	v13 =	vor.u32 s17, v12;
	s17 =	simm.s32 $0x100  }
.LBB2_3:
0x39: {  	s18 =	sshra.s32 s17, $0x2;
	p0 =	sne.s32 s17, $0x17F00;
	s17 =	sadd.s32 $0x100, s17;
	vm4 =	vge.f32 v15, v13  }
.Ltmp0:
0x3a: {  	v15 =	vld [tilespmem:s18+$0x30];
	vm5 =	vge.f32 v20, v13;
	v22 =	vsel vm4, $0x1, v5;
	(pc) =	sbr.rel @p0 .LBB2_3-.Ltmp0, $4  }
0x3b: {  	v20 =	vld [tilespmem:s18+$0x0];
	v23 =	vsel vm5, $0x1, v5;
	vm4 =	vge.f32 v21, v13;
	v14 =	vadd.s32 v22, v14  }
0x3c: {  	v21 =	vld [tilespmem:s18+$0x10];
	v17 =	vadd.s32 v23, v17;
	v22 =	vsel vm4, $0x1, v5;
	vm4 =	vge.f32 v19, v13  }
0x3d: {  	v19 =	vld [tilespmem:s18+$0x20];
	v18 =	vadd.s32 v22, v18;
	v22 =	vsel vm4, $0x1, v5  }
0x3e: {  	v16 =	vadd.s32 v22, v16  }
0x3f: {  	_ = 	snop  }
0x40: {  	vm4 =	vge.f32 v20, v13  }
0x41: {  	v20 =	vsel vm4, $0x1, v5;
	vm4 =	vge.f32 v21, v13  }
0x42: {  	vm5 =	vge.f32 v15, v13;
	v15 =	vsel vm4, $0x1, v5;
	vm4 =	vge.f32 v19, v13  }
0x43: {  	v17 =	vadd.s32 v20, v17;
	v15 =	vadd.s32 v15, v18;
	v62 =	vsel vm4, $0x1, v5  }
0x44: {  	v63 =	vsel vm5, $0x1, v5;
	v16 =	vadd.s32 v62, v16;
	v15 =	vadd.s32 v17, v15  }
0x45: {  	v14 =	vadd.s32 v63, v14;
	v15 =	vadd.s32 v16, v15  }
0x46: {  	v14 =	vadd.s32 v14, v15  }
0x47: {  	v15 =	vperm.xlane v14, v0;
	_ =	sdelay $0x1  }
0x48: {  	v14 =	vadd.s32 v14, v15  }
0x49: {  	v15 =	vperm.xlane v14, v1;
	_ =	sdelay $0x1  }
0x4a: {  	v14 =	vadd.s32 v15, v14  }
0x4b: {  	v15 =	vperm.xlane v14, v2  }
0x4c: {  	s16 =	sadd.s32 $0x1, s16  }
0x4d: {  	p0 =	sne.s32 s16, $0x20;
	v14 =	vadd.s32 v15, v14  }
.Ltmp1:
0x4e: {  	v15 =	vperm.xlane v14, v3;
	(pc) =	sbr.rel @p0 .LBB2_2-.Ltmp1, $4  }
0x4f: {  	_ = 	snop  }
0x50: {  	v14 =	vadd.s32 v15, v14  }
0x51: {  	vm4 =	vlt.s32 v14, v10  }
0x52: {  	v12 =	vsel vm4, v12, v13  }
0x53: {  	s17 =	simm.s32 $0x0  }
0x54: {  	v14 =	vld [tilespmem:s17+$0x0]  }
0x55: {  	v13 =	vimm.s32 $0x0;
	s16 =	simm.s32 $0x40  }
.LBB2_6:
0x56: {  	p0 =	sne.s32 s16, $0x17FC0  }
.Ltmp2:
0x57: {  	_ = 	snop;
	(pc) =	sbr.rel @p0 .LBB2_6-.Ltmp2, $4  }
0x58: {  	_ = 	snop  }
0x59: {  	s17 =	sshra.s32 s16, $0x2;
	s16 =	sadd.s32 $0x40, s16;
	vm4 =	vgt.f32 v14, v12  }
0x5a: {  	v14 =	vld [tilespmem:s17+$0x0];
	v15 =	vsel vm4, $0x1, v5  }
0x5b: {  	v13 =	vadd.s32 v15, v13  }
0x5c: {  	_ =	sdelay $0x2  }
0x5d: {  	vm4 =	vgt.f32 v14, v12  }
0x5e: {  	v14 =	vsel vm4, $0x1, v5  }
0x5f: {  	v13 =	vadd.s32 v14, v13  }
0x60: {  	v14 =	vperm.xlane v13, v0  }
0x61: {  	s16 =	simm.s32 $0x0  }
0x62: {  	v15 =	vld [tilespmem:s16+$0x0];
	v13 =	vadd.s32 v13, v14  }
0x63: {  	v14 =	vperm.xlane v13, v1;
	_ =	sdelay $0x1  }
0x64: {  	vm5 =	vgt.s32 v11, $0x0;
	v13 =	vadd.s32 v14, v13  }
0x65: {  	v11 =	vnsel vm5, $0x7F800000, v12;
	v14 =	vperm.xlane v13, v2  }
0x66: {  	vm6 =	veq.f32 v15, v11  }
0x67: {  	v12 =	vadd.s32 v14, v13;
	v13 =	vsel vm6, $0x1, v5  }
0x68: {  	v14 =	vperm.xlane v12, v3;
	v16 =	vperm.xlane v13, v4  }
0x69: {  	vm4 =	veq.s32 v8, $0x0;
	v17 =	vperm.xlane v13, v0  }
0x6a: {  	v12 =	vadd.s32 v12, v14;
	v14 =	vsel vm4, $0x0, v16  }
0x6b: {  	s17 =	simm.s32 $0x10;
	v10 =	vsub.s32 v10, v12;
	v12 =	vadd.s32 v13, v17;
	v13 =	vadd.s32 v13, v14  }
0x6c: {  	v16 =	vld [tilespmem:s17+$0x0];
	v18 =	vperm.xlane v13, v6  }
0x6d: {  	vm7 =	vgt.f32 v15, v11;
	v10 =	vnsel vm5, $0x0, v10  }
0x6e: {  	v17 =	vperm.xlane v12, v1;
	vm5 =	veq.f32 v15, $0.0e+00;
	v15 =	vsel vm1, $0x0, v18  }
0x6f: {  	v13 =	vadd.s32 v15, v13  }
0x70: {  	vm7 =	vmor vm5, vm7;
	v12 =	vadd.s32 v17, v12;
	v15 =	vperm.xlane v13, v7  }
0x71: {  	vm5 =	vmmov vm6;
	v17 =	vperm.xlane v12, v2;
	vm8 =	veq.f32 v16, v11  }
0x72: {  	vm6 =	veq.f32 v16, $0.0e+00;
	v18 =	vsel vm8, $0x1, v5;
	v15 =	vsel vm2, $0x0, v15  }
0x73: {  	vm9 =	vgt.f32 v16, v11;
	v16 =	vperm.xlane v18, v4;
	v19 =	vadd.s32 v15, v13  }
0x74: {  	v12 =	vadd.s32 v17, v12;
	v20 =	vperm.xlane v18, v0;
	v22 =	vperm.xlane v19, v9  }
0x75: {  	v23 =	vimm.s32 $0x0;
	v17 =	vperm.xlane v12, v3;
	v16 =	vsel vm4, $0x0, v16  }
0x76: {  	v15 =	vld [tilespmem:s16+$0x6000];
	v21 =	vadd.s32 v18, v20;
	v20 =	vadd.s32 v18, v16;
	v16 =	vsel vm3, $0x0, v22  }
0x77: {  	s18 =	simm.s32 $0x20;
	v14 =	vimm.f32 $0.0e+00;
	v13 =	vld [tilespmem:s17+$0x6000];
	v17 =	vadd.s32 v23, v17;
	v24 =	vperm.xlane v21, v1  }
0x78: {  	vm7 =	vmmov vm7;
	v18 =	vld [tilespmem:s18+$0x0];
	v17 =	vadd.s32 v12, v17;
	v22 =	vperm.xlane v20, v6  }
0x79: {  	vm6 =	vmor vm6, vm9;
	s16 =	simm.s32 $0xC0;
	s17 =	simm.s32 $0x100;
	v12 =	vld [tilespmem:s18+$0x6000];
	v21 =	vadd.s32 v24, v21;
	v23 =	vadd.s32 v23, v16;
	v16 =	vmovc v17  }
.LBB2_8:
0x7a: {  	v22 =	vsel vm1, $0x0, v22;
	v24 =	vperm.xlane v21, v2;
	v19 =	vadd.s32 v19, v23  }
0x7b: {  	p0 =	sne.s32 s17, $0x17FC0;
	vm10 =	vmmov vm5;
	vm5 =	vmmov vm8;
	vm9 =	vmmov vm7  }
0x7c: {  	vm7 =	vmmov vm6;
	v20 =	vadd.s32 v22, v20;
	vm8 =	vle.s32 v19, v10  }
0x7d: {  	v19 =	vperm.xlane v20, v7;
	v21 =	vadd.s32 v24, v21;
	vm10 =	vmand vm10, vm8  }
0x7e: {  	vm8 =	veq.f32 v18, v11;
	vm6 =	veq.f32 v18, $0.0e+00;
	v22 =	vperm.xlane v21, v3  }
0x7f: {  	vm11 =	vgt.f32 v18, v11;
	v23 =	vsel vm8, $0x1, v5;
	v18 =	vsel vm2, $0x0, v19  }
0x80: {  	v24 =	vperm.xlane v23, v4;
	v25 =	vperm.xlane v23, v0;
	v17 =	vadd.s32 v17, v22  }
.Ltmp3:
0x81: {  	vm6 =	vmor vm6, vm11;
	v19 =	vadd.s32 v18, v20;
	v17 =	vadd.s32 v21, v17;
	(pc) =	sbr.rel @p0 .LBB2_8-.Ltmp3, $4  }
0x82: {  	v18 =	vsel vm4, $0x0, v24;
	v21 =	vadd.s32 v23, v25;
	v24 =	vperm.xlane v19, v9  }
0x83: {  	s18 =	sshra.s32 s16, $0x2;
	s16 =	smov.u32 s17;
	vm9 =	vmor vm9, vm10;
	v20 =	vadd.s32 v23, v18;
	v23 =	vperm.xlane v21, v1  }
0x84: {  	v25 =	vnsel vm9, $0x0, v15;
	v15 =	vmovc v13;
	v13 =	vmovc v12;
	v18 =	vld [tilespmem:s18+$0x0];
	v22 =	vperm.xlane v20, v6;
	v24 =	vsel vm3, $0x0, v24  }
0x85: {  	s17 =	sadd.s32 $0x40, s17;
	v14 =	vadd.f32 v25, v14;
	v12 =	vld [tilespmem:s18+$0x6000];
	v21 =	vadd.s32 v23, v21;
	v23 =	vadd.s32 v16, v24;
	v16 =	vmovc v17  }
0x86: {  	v22 =	vsel vm1, $0x0, v22  }
0x87: {  	v24 =	vperm.xlane v21, v2;
	v19 =	vadd.s32 v19, v23;
	vm4 =	vmmov vm5  }
0x88: {  	vm5 =	vmmov vm8;
	vm15 =	vmmov vm7;
	vm13 =	veq.s32 v8, $0x0  }
0x89: {  	vm6 =	vmmov vm6;
	v20 =	vadd.s32 v22, v20;
	vm11 =	vle.s32 v19, v10  }
0x8a: {  	s16 =	sshra.s32 s16, $0x2;
	vm5 =	vmmov vm5;
	vm6 =	vmmov vm6;
	v43 =	vperm.xlane v20, v7  }
0x8b: {  	v46 =	vld [tilespmem:s16+$0x0];
	v21 =	vadd.s32 v24, v21;
	vm4 =	vmand vm4, vm11;
	vm12 =	veq.f32 v18, v11  }
0x8c: {  	vm9 =	veq.f32 v18, $0.0e+00;
	v44 =	vperm.xlane v21, v3;
	vm10 =	vgt.f32 v18, v11  }
0x8d: {  	vm8 =	vmor vm15, vm4;
	v45 =	vsel vm12, $0x1, v5;
	v47 =	vsel vm2, $0x0, v43  }
0x8e: {  	vm9 =	vmor vm9, vm10;
	v15 =	vnsel vm8, $0x0, v15;
	vm7 =	vmmov vm12  }
0x8f: {  	v48 =	vperm.xlane v45, v4;
	v17 =	vadd.s32 v17, v44;
	v49 =	vperm.xlane v45, v0  }
0x90: {  	v18 =	vadd.s32 v47, v20;
	v14 =	vadd.f32 v15, v14;
	vm4 =	veq.f32 v46, v11  }
0x91: {  	vm9 =	vmmov vm9;
	v50 =	vadd.s32 v45, v49;
	v25 =	vsel vm4, $0x1, v5  }
0x92: {  	v19 =	vsel vm13, $0x0, v48;
	v22 =	vperm.xlane v50, v1;
	v52 =	vperm.xlane v25, v4  }
0x93: {  	v17 =	vadd.s32 v21, v17;
	v51 =	vperm.xlane v18, v9;
	v19 =	vadd.s32 v45, v19  }
0x94: {  	v23 =	vperm.xlane v19, v6;
	v20 =	vadd.s32 v22, v50;
	v22 =	vsel vm13, $0x0, v52  }
0x95: {  	vm15 =	veq.f32 v46, $0.0e+00;
	vm12 =	vgt.f32 v46, v11;
	v55 =	vadd.s32 v25, v22  }
0x96: {  	vm8 =	vmor vm15, vm12;
	v53 =	vsel vm1, $0x0, v23;
	v56 =	vperm.xlane v55, v6  }
0x97: {  	vm4 =	vmmov vm4;
	v21 =	vsel vm3, $0x0, v51;
	v15 =	vadd.s32 v53, v19  }
0x98: {  	v16 =	vadd.s32 v16, v21;
	v57 =	vperm.xlane v15, v7;
	v19 =	vsel vm1, $0x0, v56  }
0x99: {  	v16 =	vadd.s32 v18, v16;
	v54 =	vperm.xlane v20, v2;
	v18 =	vadd.s32 v19, v55  }
0x9a: {  	vm14 =	vle.s32 v16, v10;
	v16 =	vsel vm2, $0x0, v57;
	v59 =	vperm.xlane v18, v7  }
0x9b: {  	vm8 =	vmmov vm8;
	vm4 =	vmmov vm4;
	v15 =	vadd.s32 v16, v15  }
0x9c: {  	v20 =	vadd.s32 v54, v20;
	v11 =	vperm.xlane v15, v9;
	v16 =	vsel vm2, $0x0, v59  }
0x9d: {  	vm5 =	vmand vm5, vm14;
	v58 =	vperm.xlane v20, v3;
	v16 =	vadd.s32 v16, v18  }
0x9e: {  	vm5 =	vmor vm6, vm5;
	v11 =	vsel vm3, $0x0, v11;
	v60 =	vperm.xlane v16, v9  }
0x9f: {  	v13 =	vnsel vm5, $0x0, v13;
	v19 =	vadd.s32 v17, v58;
	v11 =	vadd.s32 v17, v11  }
0xa0: {  	v61 =	vadd.s32 v20, v19;
	v11 =	vadd.s32 v15, v11;
	v62 =	vsel vm3, $0x0, v60  }
0xa1: {  	v63 =	vld [tilespmem:s16+$0x6000];
	vm5 =	vmmov vm7;
	vm14 =	vle.s32 v11, v10;
	v11 =	vadd.s32 v61, v62  }
0xa2: {  	vm13 =	vmmov vm9;
	vm5 =	vmand vm5, vm14;
	v11 =	vadd.s32 v16, v11  }
0xa3: {  	v13 =	vadd.f32 v13, v14;
	vm5 =	vmor vm13, vm5;
	vm15 =	vle.s32 v11, v10  }
0xa4: {  	v10 =	vnsel vm5, $0x0, v12;
	vm5 =	vmmov vm8;
	vm4 =	vmand vm4, vm15  }
0xa5: {  	v10 =	vadd.f32 v10, v13;
	vm4 =	vmor vm5, vm4  }
0xa6: {  	v11 =	vnsel vm4, $0x0, v63  }
0xa7: {  	s15 =	sadd.s32 $0x1, s15;
	v10 =	vadd.f32 v11, v10  }
0xa8: {  	p0 =	sne.s32 s15, s7  }
.Ltmp4:
0xa9: {  	[tilespmem:$0xC080] =	vst v10;
	(pc) =	sbr.rel @p0 .LBB2_1-.Ltmp4, $4  }
0xaa: {  	[hbm4b:s6+s2] =	stream.linear.scatter [tilespmem:s13], [sflag:$0x1], $0x80, $0x38;
	[tilespmem:$0xC100] =	vst v63  }
0xab: {  	_ =	swait.ge [sflag:s14], $0x80  }
0xac: {  	[sflag:s14] =	ssyncset.done $0x0  }
0xad: {  	[sflag:s14] =	ssyncadd.s32 $0xFFFFFF80  }
0xae: {  	_ =	sfence.sel $0x180000  }
0xaf: {  	[bflag:$0x0] =	sbarrier.arrive $0xFFFF  }
0xb0: {  	p0 =	sne.s32 s1, $0x0;
	_ =	strace $0x9000004A  }
0xb1: {  	s0 =	sadd.s32 @!p0 $0x100000, s0;
	[bflag:$0x2] =	sbarrier.arrive $0xFFFF  }
0xb2: {  	[sflag:s0] =	ssyncadd.tile.s32 @!p0 $0x1;
	_ =	shalt  }
.Lfunc_end2:
_tile_overlayer_lowered:
.L_overlay_start_2:
0xb3: {  	(tag) =	ssettag $0x2  }
0xb4: {  	s0 =	rddreg [dreg:$0x0];
	s2 =	stileid.u32  }
0xb5: {  	s1 =	rddreg [dreg:$0x1];
	p0 =	sne.s32 s2, $0x0  }
0xb6: {  	s3 =	rddreg [dreg:$0x2];
	[bflag:$0x3] =	sbarrier.arrive $0xFFFF;
	s2 =	simm.s32 @!p0 $0x1C01  }
0xb7: {  	[timem:s3], [sflag:s2] =	dma.local @!p0 [hbm:s0], s1  }
0xb8: {  	s0 =	simm.s32 @!p0 $0x1  }
0xb9: {  	_ =	swait.ge @!p0 [sflag:s0], s1  }
0xba: {  	s1 =	ssub.s32 @!p0 $0x0, s1;
	[sflag:s0] =	ssyncset.done @!p0 $0x0  }
0xbb: {  	[sflag:s0] =	ssyncadd.s32 @!p0 s1  }
0xbc: {  	[bflag:$0x3] =	sbarrier.arrive $0xFFFF  }
0xbd: {  	_ =	shalt  }

// kernel: sparse-core-data-format-call.cloned.1.call-start
scs
called_computation_lowered:
.L_overlay_start_0:
0x0: {  	s2 =	sld [smem:$0x3FD9]  }
0x1: {  	s3 =	sld [smem:$0x3FFE];
	_ =	sdelay $0x1  }
0x2: {  	s1 =	srdreg.scid  }
0x3: {  	s0 =	sand.u32 $0x1, s1  }
0x4: {  	s18 =	sshll.u32 s0, $0xA;
	s2 =	sadd.s32 s3, s2  }
0x5: {  	s2 =	sadd.s32 s2, s18  }
0x6: {  	[smem:$0x3FC5] =	sst s2  }
0x7: {  	_ = 	snop  }
0x8: {  	s2 =	sld [smem:$0x3FC9];
	(tm) =	ssettm $0x1  }
0x9: {  	s19 =	sld [smem:$0x3FFB];
	_ =	sdelay $0x3  }
0xa: {  	_ =	strace s19  }
0xb: {  	s3 =	sld [smem:$0x3FFC];
	_ =	sdelay $0x3  }
0xc: {  	_ =	strace s3  }
0xd: {  	s3 =	sld [smem:$0x3FFD];
	_ =	sdelay $0x3  }
0xe: {  	_ =	strace s3  }
0xf: {  	_ =	strace $0x8FFFFFFF  }
0x10: {  	s20 =	sld [smem:$0x3FDB];
	_ =	sdelay $0x1  }
0x11: {  	s4 =	simm.s32 $_scs_section_size  }
0x12: {  	s5 =	simm.s32 $_size__tile_overlayer_lowered;
	s6 =	simm.s32 $_tile_overlayer_lowered  }
0x13: {  	s23 =	simm.s32 $0x1BFF;
	s22 =	sshll.u32 s6, $0x1;
	s3 =	sadd.s32 s4, s20  }
0x14: {  	s7 =	simm.s32 $0x0;
	s21 =	sshll.u32 s5, $0x1;
	s5 =	sadd.s32 s22, s3  }
0x15: {  	[timem:s7], [sflag:s23] =	dma.local [hbm:s5], s21  }
0x16: {  	_ =	swait.ge [sflag:s23], s21  }
0x17: {  	s4 =	ssub.s32 $0x0, s21;
	[sflag:s23] =	ssyncset.done $0x0  }
0x18: {  	[sflag:s23] =	ssyncadd.s32 s4;
	_ =	sdelay $0x1  }
0x19: {  	s24 =	simm.s32 $0x1B8B  }
0x1a: {  	_ =	swait.ge [sflag:s24], $0x1  }
0x1b: {  	[sflag:s24] =	ssyncset.done $0x0  }
0x1c: {  	s26 =	simm.s32 $0x1B8E;
	s25 =	sld [smem:$0x3FFE];
	[sflag:s24] =	ssyncadd.s32 $0xFFFFFFFF  }
0x1d: {  	s27 =	simm.s32 $execute0_lowered;
	[smem:$0x3FD2] =	sst s26  }
0x1e: {  	s5 =	sshll.u32 s27, $0x1;
	_ =	strace $0x80000046;
	[dreg:$0x1] =	wrdreg $0xFFFFFFFF  }
0x1f: {  	s28 =	simm.s32 $_size_execute0_lowered;
	s3 =	sadd.s32 s3, s5;
	[dreg:$0x0] =	wrdreg $0x0  }
0x20: {  	s5 =	sshll.u32 s28, $0x1;
	[dreg:$0x2] =	wrdreg s3  }
0x21: {  	[dreg:$0x3] =	wrdreg s5  }
0x22: {  	[dreg:$0x4] =	wrdreg $0xC0  }
0x23: {  	_ =	task [dreg:s7], $0x5FFFF  }
0x24: {  	[dreg:$0x1] =	wrdreg $0xFFFFFFFF  }
0x25: {  	[dreg:$0x0] =	wrdreg $0x60  }
0x26: {  	[dreg:$0x2] =	wrdreg s2  }
0x27: {  	[dreg:$0x3] =	wrdreg s25  }
0x28: {  	[dreg:$0x4] =	wrdreg $0x9  }
0x29: {  	_ =	task.clear_ibuf [dreg:s7], $0x5FFFF;
	_ =	strace $0x90000046  }
0x2a: {  	s29 =	simm.s32 $0x9;
	_ =	strace $0x80000048  }
0x2b: {  	_ =	swait.ge [sflag:s29], $0x1  }
0x2c: {  	[sflag:s29] =	ssyncadd.s32 $0xFFFFFFFF  }
0x2d: {  	_ =	strace $0x90000048  }
0x2e: {  	_ =	sfence  }
0x2f: {  	s30 =	sld [smem:$0x0];
	_ =	sdelay $0x2  }
0x30: {  	s31 =	sshll.u32 s1, $0xD;
	s1 =	sshrl.u32 s1, $0x2  }
0x31: {  	s3 =	sand.u32 $0x4000, s31;
	s1 =	sadd.s32 s1, s30  }
0x32: {  	s0 =	sor.u32 s3, s0;
	s1 =	sshll.u32 s1, $0x11  }
0x33: {  	s0 =	sor.u32 s1, s0  }
0x34: {  	s0 =	sadd.s32 $0x8F2B, s0  }
0x35: {  	[sflag:s0] =	ssyncadd.remote.s32 $0x1  }
0x36: {  	_ =	sfence.sel $0xFFFF  }
0x37: {  	[dreg:$0x0] =	wrdreg $0xFFFFFFFF;
	(pc) =	sbr.abs _section_cstart, $3  }
0x38: {  	[dreg:$0x1] =	wrdreg $0xFFFFFFFF  }
0x39: {  	_ =	task.clear_ibuf [dreg:s7], $0x2FFFF;
	_ =	strace $0x9FFFFFFF  }
0x3a: {  	(tm) =	ssettm $0x7FFFFFFF  }
0x3b: {  	_ =	shalt  }
tec
execute0_lowered:
.L_overlay_start_1:
0x0: {  	(tag) =	ssettag $0x1  }
0x1: {  	s2 =	rddreg [dreg:$0x0]  }
0x2: {  	s0 =	srdreg.scid;
	s6 =	rddreg [dreg:$0x1];
	s7 =	simm.s32 $0x2  }
0x3: {  	s14 =	simm.s32 $0x0;
	s8 =	simm.s32 $0x800;
	s1 =	sshll.u32 s0, $0x4  }
0x4: {  	s9 =	simm.s32 $0x6000;
	s0 =	stileid.u32;
	s1 =	sand.u32 $0x10, s1  }
0x5: {  	s10 =	simm.s32 $0x0;
	s15 =	simm.s32 $0x0;
	s3 =	sor.u32 s0, s1  }
.Ltmp0:
0x6: {  	s11 =	simm.s32 $0x0;
	s4 =	ssub.s32 $0x83, s3;
	(pc) =	sbr.rel .LBB1_1-.Ltmp0, $4  }
0x7: {  	s13 =	simm.s32 $0x0;
	s1 =	rddreg [dreg:$0x2];
	s5 =	sshrl.u32 s4, $0x5  }
0x8: {  	_ =	strace $0x80000047;
	s4 =	simm.s32 $0x1;
	s5 =	smul.u32 $0xC, s5  }
0x9: {  	s21 =	simm.s32 $0x0;
	s6 =	sadd.s32 $0x600, s6;
	[sflag:s4] =	ssyncpa.u1 $0x0  }
0xa: {  	s12 =	smov.u32 s3;
	[sflag:s7] =	ssyncpa.u1 $0x0;
	s7 =	sor.u32 $0x1, s5  }
.LBB1_7:
0xb: {  	s16 =	sadd.s32 $0x8, s11  }
0xc: {  	s14 =	sadd.s32 $0x20, s12;
	s18 =	smov.u32 s12;
	p1 =	sgt.s32 s16, $0x5F  }
0xd: {  	s18 =	smov.u32 @p1 s14  }
0xe: {  	s16 =	simm.s32 @p1 $0x0;
	p1 =	sgt.s32 s18, $0x63  }
0xf: {  	s18 =	smov.u32 @p1 s3;
	p1 =	sne.s32 s13, s7  }
.Ltmp1:
0x10: {  	p0 =	slt.u32 s13, $0x2;
	(pc) =	sbr.rel @!p1 .LBB1_8-.Ltmp1, $4  }
0x11: {  	s17 =	simm.s32 @!p0 $0x2  }
0x12: {  	s15 =	smov.u32 s12;
	s10 =	sadd.s32 $0x4000, s10;
	_ =	swait.ge @!p0 [sflag:s17], $0x4000  }
0x13: {  	s14 =	smov.u32 s11;
	[sflag:s17] =	ssyncset.done @!p0 $0x0;
	s11 =	smov.u32 s16  }
0x14: {  	s13 =	sadd.s32 $0x1, s13;
	[sflag:s17] =	ssyncadd.s32 @!p0 $0xFFFFC000;
	s12 =	smov.u32 s18  }
.LBB1_1:
0x15: {  	p0 =	sge.u32 s13, s5  }
0x16: {  	s16 =	smul.u32 @!p0 $0x6000, s12  }
0x17: {  	s31 =	sadd.s32 $0xFFFFFFFF, s13;
	s17 =	sxor.u32 @!p0 $0xFFFFFFFF, s13  }
0x18: {  	s18 =	sshll.u32 @!p0 s11, $0x8;
	s17 =	sshll.u32 @!p0 s17, $0xE;
	s16 =	sadd.s32 @!p0 s2, s16  }
0x19: {  	s17 =	sand.u32 @!p0 $0x4000, s17;
	s16 =	sadd.s32 @!p0 s18, s16;
	s18 =	simm.s32 @!p0 $0x0  }
0x1a: {  	[tilespmem:s17], [sflag:$0x1] =	stream.linear.gather @!p0 [hbm4b:s16+s18], $0x4000, $0x38;
	[tilespmem:$0x10000] =	vst v63  }
0x1b: {  	p0 =	sge.u32 s31, s5  }
.Ltmp2:
0x1c: {  	_ = 	snop;
	(pc) =	sbr.rel @p0 .LBB1_7-.Ltmp2, $1  }
0x1d: {  	_ =	sdelay $0x3  }
0x1e: {  	s16 =	sshll.u32 s10, $0x2;
	_ =	swait.ge [sflag:s4], $0x4000;
	s31 =	sshll.u32 s13, $0xE  }
0x1f: {  	p0 =	por $0x0, $0x0;
	s22 =	simm.s32 $0x0;
	s23 =	simm.s32 $0x0  }
0x20: {  	s16 =	sand.u32 $0x10000, s16;
	[sflag:s4] =	ssyncset.done $0x0;
	s19 =	sand.u32 $0x4000, s31  }
0x21: {  	s20 =	sshrl.u32 s16, $0x2;
	[sflag:s4] =	ssyncadd.s32 $0xFFFFC000;
	s16 =	sor.u32 $0x8000, s19  }
0x22: {  	s17 =	sor.u32 $0x40, s20;
	s18 =	sor.u32 $0x8410, s20;
	s20 =	sadd.s32 $0x8400, s20  }
.LBB1_3:
0x23: {  	v1 =	vld [tilespmem:s17+$0xFFFFFFD0]  }
0x24: {  	v2 =	vld [tilespmem:s17+$0x430]  }
0x25: {  	s24 =	sshll.u32 s23, $0xB;
	v4 =	vld [tilespmem:s17+$0xFFFFFFE0]  }
0x26: {  	v7 =	vld [tilespmem:s17+$0xFFFFFFF0];
	v0 =	vmov s24  }
0x27: {  	v8 =	vld [tilespmem:s17+$0x0]  }
0x28: {  	s30 =	sand.u32 $0x300, s21;
	v9 =	vld [tilespmem:s17+$0x10]  }
0x29: {  	s25 =	sand.u32 $0x80, s21;
	v10 =	vld [tilespmem:s17+$0x20];
	s24 =	sadd.s32 s30, s19  }
0x2a: {  	v11 =	vld [tilespmem:s17+$0x30];
	s24 =	sadd.s32 s25, s24;
	s25 =	simm.s32 $0x1;
	[tilespmem:s18+$0x60] =	vst v2  }
0x2b: {  	s31 =	sshll.u32 s22, $0x2;
	s25 =	simm.s32 @!p0 $0x0;
	[tilespmem:s18+$0xFFFFFC00] =	vst v1;
	v3 =	vld.idx.msk [tilespmem:v0+s24+$0x400 ss:$0x1], $0xffff  }
0x2c: {  	v6 =	vld [tilespmem:s17+$0x3D0];
	s25 =	sshll.u32 s25, $0x9;
	[tilespmem:s18+$0xFFFFFC10] =	vst v4;
	s24 =	sand.u32 $0xFFFFFC00, s31  }
0x2d: {  	v5 =	vld [tilespmem:s17+$0x3E0];
	[tilespmem:s18+$0xFFFFFC20] =	vst v7;
	s24 =	sor.u32 s25, s24  }
0x2e: {  	[tilespmem:s18+$0xFFFFFC30] =	vst v8;
	v4 =	vld [tilespmem:s17+$0x400];
	s24 =	sshrl.u32 s24, $0x2  }
0x2f: {  	[tilespmem:s18+$0xFFFFFC40] =	vst v9;
	v1 =	vld [tilespmem:s17+$0x410];
	s24 =	sadd.s32 s24, s20  }
0x30: {  	[tilespmem:s24+$0x0] =	vst v3;
	v3 =	vld [tilespmem:s17+$0x3F0]  }
0x31: {  	s28 =	simm.s32 $0x80;
	s27 =	simm.s32 $0x100;
	[tilespmem:s18+$0xFFFFFC50] =	vst v10;
	v2 =	vld [tilespmem:s17+$0x420]  }
0x32: {  	s26 =	smov.u32 s18;
	s29 =	sand.u32 $0x300, s28;
	v7 =	vld [tilespmem:s17+$0xFFFFFFC0];
	[tilespmem:s18+$0xFFFFFC60] =	vst v11;
	s25 =	sadd.s32 $0x80, s17  }
.LBB1_4:
0x33: {  	p1 =	sne.s32 s27, $0x380;
	v8 =	vld [tilespmem:s25+$0xFFFFFFD0];
	s28 =	sand.u32 $0x80, s28;
	s29 =	sadd.s32 s29, s19;
	[tilespmem:s26+$0x0] =	vst v6  }
0x34: {  	s29 =	sadd.s32 s28, s29;
	v6 =	vld [tilespmem:s25+$0x430];
	[tilespmem:s26+$0x10] =	vst v5;
	s28 =	smov.u32 s27  }
0x35: {  	v5 =	vld.idx.msk [tilespmem:v0+s29+$0x400 ss:$0x1], $0xffff;
	[tilespmem:s26+$0x20] =	vst v3  }
0x36: {  	v3 =	vld [tilespmem:s25+$0xFFFFFFE0];
	[tilespmem:s26+$0x30] =	vst v4  }
0x37: {  	v4 =	vld [tilespmem:s25+$0xFFFFFFF0];
	[tilespmem:s26+$0xFFFFFBF0] =	vst v7  }
0x38: {  	v7 =	vld [tilespmem:s25+$0x0];
	[tilespmem:s26+$0x40] =	vst v1  }
0x39: {  	v1 =	vld [tilespmem:s25+$0x10];
	[tilespmem:s26+$0x50] =	vst v2;
	s26 =	sadd.s32 $0x800, s26  }
0x3a: {  	s24 =	sadd.s32 $0x800, s24;
	v2 =	vld [tilespmem:s25+$0x20];
	[tilespmem:s26+$0x60] =	vst v6  }
0x3b: {  	v9 =	vld [tilespmem:s25+$0x30];
	[tilespmem:s24+$0x0] =	vst v5  }
0x3c: {  	[tilespmem:s26+$0xFFFFFC00] =	vst v8;
	v6 =	vld [tilespmem:s25+$0x3D0]  }
0x3d: {  	[tilespmem:s26+$0xFFFFFC10] =	vst v3;
	v5 =	vld [tilespmem:s25+$0x3E0]  }
.Ltmp3:
0x3e: {  	[tilespmem:s26+$0xFFFFFC20] =	vst v4;
	v3 =	vld [tilespmem:s25+$0x3F0];
	(pc) =	sbr.rel @p1 .LBB1_4-.Ltmp3, $4  }
0x3f: {  	[tilespmem:s26+$0xFFFFFC30] =	vst v7;
	v4 =	vld [tilespmem:s25+$0x400]  }
0x40: {  	[tilespmem:s26+$0xFFFFFC40] =	vst v1;
	v1 =	vld [tilespmem:s25+$0x410]  }
0x41: {  	[tilespmem:s26+$0xFFFFFC50] =	vst v2;
	v2 =	vld [tilespmem:s25+$0x420]  }
0x42: {  	s27 =	sadd.s32 $0x80, s27;
	s29 =	sand.u32 $0x300, s28;
	v7 =	vld [tilespmem:s25+$0xFFFFFFC0];
	[tilespmem:s26+$0xFFFFFC60] =	vst v9;
	s25 =	sadd.s32 $0x80, s25  }
0x43: {  	[tilespmem:s26+$0x0] =	vst v6  }
0x44: {  	[tilespmem:s26+$0x10] =	vst v5  }
0x45: {  	v49 =	vld [tilespmem:s25+$0x430];
	[tilespmem:s26+$0x20] =	vst v3  }
0x46: {  	v50 =	vld [tilespmem:s25+$0xFFFFFFD0];
	[tilespmem:s26+$0x30] =	vst v4  }
0x47: {  	v51 =	vld [tilespmem:s25+$0xFFFFFFE0];
	[tilespmem:s26+$0x40] =	vst v1  }
0x48: {  	v52 =	vld [tilespmem:s25+$0xFFFFFFF0];
	[tilespmem:s26+$0x50] =	vst v2  }
0x49: {  	s31 =	sadd.s32 $0x800, s26;
	v53 =	vld [tilespmem:s25+$0x0];
	[tilespmem:s26+$0xFFFFFBF0] =	vst v7  }
0x4a: {  	v54 =	vld [tilespmem:s25+$0x10];
	[tilespmem:s31+$0x60] =	vst v49  }
0x4b: {  	v55 =	vld [tilespmem:s25+$0x20];
	[tilespmem:s31+$0xFFFFFC00] =	vst v50  }
0x4c: {  	v56 =	vld [tilespmem:s25+$0x30];
	[tilespmem:s31+$0xFFFFFC10] =	vst v51  }
0x4d: {  	v57 =	vld [tilespmem:s25+$0x3D0];
	[tilespmem:s31+$0xFFFFFC20] =	vst v52  }
0x4e: {  	v58 =	vld [tilespmem:s25+$0x3E0];
	[tilespmem:s31+$0xFFFFFC30] =	vst v53  }
0x4f: {  	v59 =	vld [tilespmem:s25+$0x3F0];
	[tilespmem:s31+$0xFFFFFC40] =	vst v54  }
0x50: {  	v60 =	vld [tilespmem:s25+$0x400];
	[tilespmem:s31+$0xFFFFFC50] =	vst v55  }
0x51: {  	v61 =	vld [tilespmem:s25+$0xFFFFFFC0];
	[tilespmem:s31+$0xFFFFFC60] =	vst v56  }
0x52: {  	s27 =	sand.u32 $0x80, s28;
	s30 =	sadd.s32 s29, s19;
	v62 =	vld [tilespmem:s25+$0x410];
	[tilespmem:s31+$0x0] =	vst v57  }
0x53: {  	v63 =	vld [tilespmem:s25+$0x420];
	s23 =	sadd.s32 $0x1, s23;
	s27 =	sadd.s32 s27, s30;
	[tilespmem:s31+$0x10] =	vst v58  }
0x54: {  	p1 =	sne.s32 s23, $0x8;
	v0 =	vld.idx.msk [tilespmem:v0+s27+$0x400 ss:$0x1], $0xffff;
	[tilespmem:s31+$0x20] =	vst v59  }
.Ltmp4:
0x55: {  	[tilespmem:s31+$0x30] =	vst v60;
	(pc) =	sbr.rel @p1 .LBB1_3-.Ltmp4, $4  }
0x56: {  	[tilespmem:s31+$0xFFFFFBF0] =	vst v61  }
0x57: {  	[tilespmem:s31+$0x40] =	vst v62  }
0x58: {  	s24 =	sadd.s32 $0x800, s24;
	s17 =	sadd.s32 $0x800, s17;
	[tilespmem:s31+$0x50] =	vst v63  }
0x59: {  	s22 =	sadd.s32 $0x80, s22;
	p0 =	por !p0, !p0;
	s18 =	sadd.s32 $0x80, s18;
	[tilespmem:s24+$0x0] =	vst v0  }
0x5a: {  	s17 =	sshll.u32 s14, $0x8;
	s18 =	sshll.u32 s14, $0x7  }
0x5b: {  	s17 =	sand.u32 $0xFFFFF800, s17;
	s18 =	sand.u32 $0x300, s18  }
0x5c: {  	s17 =	sor.u32 s18, s17  }
0x5d: {  	s17 =	sshrl.u32 s17, $0x8  }
0x5e: {  	s30 =	smulhi.u32 $0x2AAAAAB, s17  }
0x5f: {  	s15 =	smul.u32 $0x6000, s15  }
0x60: {  	s18 =	smul.u32 $0x60, s30  }
.Ltmp5:
0x61: {  	s31 =	sshll.u32 s14, $0x4;
	(pc) =	sbr.rel .LBB1_7-.Ltmp5, $4  }
0x62: {  	s14 =	sand.u32 $0x10, s31;
	s15 =	sadd.s32 s6, s15;
	s17 =	ssub.s32 s17, s18  }
0x63: {  	s14 =	sadd.s32 s14, s15;
	s17 =	sshll.u32 s17, $0x5  }
0x64: {  	s14 =	sadd.s32 s17, s14  }
0x65: {  	[hbm4b:s14+s8] =	stream.strided.scatter [tilespmem:s16], [sflag:$0x2], $0x4000, s9, s8, $0x38;
	[tilespmem:$0x10000] =	vst v63  }
.LBB1_8:
0x66: {  	_ =	sfence.sel $0x180000  }
0x67: {  	s2 =	simm.s32 $0x1;
	[bflag:$0x0] =	sbarrier.arrive $0xFFFF  }
0x68: {  	s31 =	simm.s32 $0x2;
	[sflag:s2] =	ssyncpa.u1 $0x1  }
0x69: {  	[sflag:s31] =	ssyncpa.u1 $0x1  }
0x6a: {  	p0 =	sne.s32 s0, $0x0;
	_ =	strace $0x90000047  }
0x6b: {  	s0 =	sadd.s32 @!p0 $0x100000, s1;
	[bflag:$0x2] =	sbarrier.arrive $0xFFFF  }
0x6c: {  	[sflag:s0] =	ssyncadd.tile.s32 @!p0 $0x1;
	_ =	shalt  }
.Lfunc_end1:
_tile_overlayer_lowered:
.L_overlay_start_2:
0x6d: {  	(tag) =	ssettag $0x2  }
0x6e: {  	s0 =	rddreg [dreg:$0x0];
	s2 =	stileid.u32  }
0x6f: {  	s1 =	rddreg [dreg:$0x1];
	p0 =	sne.s32 s2, $0x0  }
0x70: {  	s3 =	rddreg [dreg:$0x2];
	[bflag:$0x3] =	sbarrier.arrive $0xFFFF;
	s2 =	simm.s32 @!p0 $0x1C01  }
0x71: {  	[timem:s3], [sflag:s2] =	dma.local @!p0 [hbm:s0], s1  }
0x72: {  	s0 =	simm.s32 @!p0 $0x1  }
0x73: {  	_ =	swait.ge @!p0 [sflag:s0], s1  }
0x74: {  	s1 =	ssub.s32 @!p0 $0x0, s1;
	[sflag:s0] =	ssyncset.done @!p0 $0x0  }
0x75: {  	[sflag:s0] =	ssyncadd.s32 @!p0 s1  }
0x76: {  	[bflag:$0x3] =	sbarrier.arrive $0xFFFF  }
0x77: {  	_ =	shalt  }

</sc_bundles>
